<compile_context>
chip_gen: v7x
topology: tpu7x:2x2x1
jax: 0.10.2.dev20260603
libtpu: 0.0.44.dev20260713+nightly
codegen_flags: <defaults>
</compile_context>

<pallas_src>
import functools

import jax
import jax.numpy as jnp
from jax import lax
from jax.experimental import pallas as pl
from jax.experimental.pallas import tpu as pltpu
from jax.experimental.pallas import tpu_sc as plsc

N = 256
N_OUT = 192
R = N - N_OUT
B = 8
D = 384
NEG = -3e38
BIGI = 2 * N
NCH = N // 16


def _scores_body(k_ref, s_ref, rm_ref, ra_ref):
    kb = k_ref[0]
    nrm = jnp.sqrt(jnp.sum(kb * kb, axis=1, keepdims=True))
    kn = kb / nrm
    s = lax.dot_general(kn, kn, (((1,), (1,)), ((), ())),
                        preferred_element_type=jnp.float32)
    ri = lax.broadcasted_iota(jnp.int32, (N, N), 0)
    cj = lax.broadcasted_iota(jnp.int32, (N, N), 1)
    s = jnp.where(ri == cj, NEG, s)
    s_ref[0] = s
    rm = jnp.max(s, axis=0, keepdims=True)
    rm_ref[0] = rm
    ra_ref[0] = jnp.min(jnp.where(s == rm, ri, N), axis=0, keepdims=True)


def _scores(k):
    return pl.pallas_call(
        _scores_body,
        grid=(B,),
        in_specs=[pl.BlockSpec((1, N, D), lambda b: (b, 0, 0))],
        out_specs=[
            pl.BlockSpec((1, N, N), lambda b: (b, 0, 0)),
            pl.BlockSpec((1, 1, N), lambda b: (b, 0, 0)),
            pl.BlockSpec((1, 1, N), lambda b: (b, 0, 0)),
        ],
        out_shape=[
            jax.ShapeDtypeStruct((B, N, N), jnp.float32),
            jax.ShapeDtypeStruct((B, 1, N), jnp.float32),
            jax.ShapeDtypeStruct((B, 1, N), jnp.int32),
        ],
    )(k)


def _sload(ref, i):
    return ref[pl.ds(i, 16)][0]


def _greedy_sc_body(s_hbm, rm_hbm, ra_hbm, gid_hbm, s_v, rm_v, ra_v,
                    gid_v, mem_v, cm_v, sz_v):
    cid = lax.axis_index("c")
    sid = lax.axis_index("s")
    wid = cid * 16 + sid

    @pl.when(wid < B)
    def _():
        b = wid
        pltpu.sync_copy(s_hbm.at[b], s_v)
        pltpu.sync_copy(rm_hbm.at[b, 0], rm_v.at[pl.ds(0, N)])
        pltpu.sync_copy(ra_hbm.at[b, 0], ra_v.at[pl.ds(0, N)])
        iot = lax.iota(jnp.int32, 16)
        lane0 = iot == 0
        negv = jnp.full((16,), NEG, jnp.float32)
        onev = jnp.full((16,), 1, jnp.int32)
        for ci in range(NCH):
            gid_v[pl.ds(ci * 16, 16)] = iot + ci * 16
            sz_v[pl.ds(ci * 16, 16)] = onev
            mx = jnp.max(rm_v[pl.ds(ci * 16, 16)], axis=0)
            plsc.store_scatter(cm_v, [jnp.full((16,), ci, jnp.int32)],
                               jnp.full((16,), mx, jnp.float32), mask=lane0)

        def step(t, carry):
            cm16 = cm_v[pl.ds(0, 16)]
            m = jnp.max(cm16, axis=0)
            c0 = plsc.all_reduce_ffs(cm16 == m)[0] * 16
            i0 = c0 + plsc.all_reduce_ffs(rm_v[pl.ds(c0, 16)] == m)[0]
            j0 = _sload(ra_v, i0)
            g_i = _sload(gid_v, i0)
            g_j = _sload(gid_v, j0)
            nj = _sload(sz_v, g_i) + _sload(sz_v, g_j)
            plsc.store_scatter(sz_v, [jnp.full((16,), g_j, jnp.int32)],
                               jnp.full((16,), nj, jnp.int32), mask=lane0)

            def commit_row(a, rmn, fnd):
                af = jnp.full((16,), a, jnp.int32)
                plsc.store_scatter(rm_v, [af],
                                   jnp.full((16,), rmn, jnp.float32),
                                   mask=lane0)
                plsc.store_scatter(ra_v, [af],
                                   jnp.full((16,), fnd, jnp.int32),
                                   mask=lane0)
                ch = lax.shift_right_logical(a, 4)
                ncm = jnp.max(rm_v[pl.ds(ch * 16, 16)], axis=0)
                plsc.store_scatter(cm_v, [jnp.full((16,), ch, jnp.int32)],
                                   jnp.full((16,), ncm, jnp.float32),
                                   mask=lane0)

            def masked_chunk(a, ch, gjv):
                intra = gid_v[pl.ds(ch * 16, 16)] == gjv
                return jnp.where(intra, negv, s_v[a, pl.ds(ch * 16, 16)])

            def repair_row(a):
                gjv = jnp.full((16,), g_j, jnp.int32)
                racc = negv
                rid = jnp.zeros((16,), jnp.int32)
                for ci3 in range(NCH):
                    v16b = masked_chunk(a, ci3, gjv)
                    gt = v16b > racc
                    racc = jnp.where(gt, v16b, racc)
                    rid = jnp.where(gt, ci3, rid)
                rmn = jnp.max(racc, axis=0)
                fnd = jnp.min(jnp.where(racc == rmn, rid * 16 + iot,
                                        BIGI), axis=0)
                commit_row(a, rmn, fnd)

            @pl.when(nj == 2)
            def _fast():
                plsc.store_scatter(gid_v, [jnp.full((16,), i0, jnp.int32)],
                                   jnp.full((16,), g_j, jnp.int32),
                                   mask=lane0)
                repair_row(i0)
                ra_j = _sload(ra_v, j0)

                @pl.when(_sload(gid_v, ra_j) == g_j)
                def _():
                    repair_row(j0)

            @pl.when(nj != 2)
            def _slow():
                cur = jnp.int32(0)
                for ci in range(NCH):
                    g16 = gid_v[pl.ds(ci * 16, 16)]
                    mi = g16 == g_i
                    mm = mi | (g16 == g_j)
                    gid_v[pl.ds(ci * 16, 16)] = jnp.where(mi, g_j, g16)
                    pos = cur + plsc.cumsum(mm.astype(jnp.int32)) - 1
                    plsc.store_scatter(mem_v, [pos], iot + ci * 16, mask=mm)
                    cur = cur + plsc.all_reduce_population_count(mm)[0]

                def upd_row(ai, _):
                    a = _sload(mem_v, ai)
                    ra_old = _sload(ra_v, a)

                    @pl.when(_sload(gid_v, ra_old) == g_j)
                    def _():
                        repair_row(a)

                    return 0

                lax.fori_loop(0, cur, upd_row, 0)

            return carry

        lax.fori_loop(0, R, step, 0)
        pltpu.sync_copy(gid_v.at[pl.ds(0, N)], gid_hbm.at[b, 0])


_greedy_sc = functools.partial(
    pl.kernel,
    out_type=jax.ShapeDtypeStruct((B, 1, N), jnp.int32),
    mesh=plsc.VectorSubcoreMesh(core_axis_name="c", subcore_axis_name="s"),
    scratch_types=[
        pltpu.VMEM((N, N), jnp.float32),
        pltpu.VMEM((N + 16,), jnp.float32),
        pltpu.VMEM((N + 16,), jnp.int32),
        pltpu.VMEM((N + 16,), jnp.int32),
        pltpu.VMEM((N + 16,), jnp.int32),
        pltpu.VMEM((16,), jnp.float32),
        pltpu.VMEM((N + 16,), jnp.int32),
    ],
    compiler_params=pltpu.CompilerParams(needs_layout_passes=False),
)(_greedy_sc_body)


def _final_body(gid_ref, v_ref, out_ref, sizes_ref):
    gid_r = gid_ref[0].astype(jnp.float32)
    ri = lax.broadcasted_iota(jnp.int32, (N, N), 0)
    cj = lax.broadcasted_iota(jnp.int32, (N, N), 1)
    ident = (ri == cj).astype(jnp.float32)
    gid_c = lax.dot_general(ident, gid_r, (((1,), (1,)), ((), ())),
                            preferred_element_type=jnp.float32)
    lab_r = lax.broadcasted_iota(jnp.int32, (1, N), 1).astype(jnp.float32)
    lab_c = lax.broadcasted_iota(jnp.int32, (N, 1), 0).astype(jnp.float32)
    onehot = (gid_c == lab_r).astype(jnp.float32)
    memb = (lab_c == gid_r).astype(jnp.float32)
    counts_c = jnp.sum(memb, axis=1, keepdims=True)
    alive_c = (counts_c > 0).astype(jnp.float32)
    tlow = (cj <= ri).astype(jnp.float32)
    rank_c = lax.dot_general(tlow, alive_c, (((1,), (0,)), ((), ())),
                             preferred_element_type=jnp.float32) - 1.0
    sel = jnp.where((rank_c == lab_r) & (alive_c > 0), 1.0, 0.0)
    g_mat = lax.dot_general(onehot, sel, (((1,), (0,)), ((), ())),
                            preferred_element_type=jnp.float32)
    sizes_c = lax.dot_general(sel, counts_c, (((0,), (0,)), ((), ())),
                              preferred_element_type=jnp.float32)
    out_full = lax.dot_general(g_mat, v_ref[0], (((0,), (0,)), ((), ())),
                               preferred_element_type=jnp.float32)
    out_ref[0] = (out_full / jnp.maximum(sizes_c, 1.0))[:N_OUT]
    szf = jnp.sum(sel * counts_c, axis=0, keepdims=True)
    sizes_ref[0] = (szf + 0.5).astype(jnp.int32)


def _final(gid, v):
    return pl.pallas_call(
        _final_body,
        grid=(B,),
        in_specs=[
            pl.BlockSpec((1, 1, N), lambda b: (b, 0, 0)),
            pl.BlockSpec((1, N, D), lambda b: (b, 0, 0)),
        ],
        out_specs=[
            pl.BlockSpec((1, N_OUT, D), lambda b: (b, 0, 0)),
            pl.BlockSpec((1, 1, N), lambda b: (b, 0, 0)),
        ],
        out_shape=[
            jax.ShapeDtypeStruct((B, N_OUT, D), jnp.float32),
            jax.ShapeDtypeStruct((B, 1, N), jnp.int32),
        ],
    )(gid, v)


@jax.jit
def kernel(k, v):
    s, rm, ra = _scores(k)
    gid = _greedy_sc(s, rm, ra)
    out, sizes_pad = _final(gid, v)
    return out, sizes_pad[:, 0, :N_OUT]

# --- scband reference (transcript-rebuilt; emitter-appended) ---
"""Pipeline reference for scband-greedy-merging-87428354277730 (READ-ONLY COPY).

The authoritative reference and input builder live on the scoring server;
editing this copy changes nothing except your own understanding.
"""

import jax, jax.numpy as jnp
import numpy as np

N = 256
N_OUT = 192
R = N - N_OUT
B = 8
D = 384

_mask_np = np.triu(np.ones((N, N), dtype=bool), k=1)
_TRIU_IDS = jnp.asarray(np.arange(N * N).reshape(N, N)[_mask_np])
_ii, _jj = np.nonzero(_mask_np)
_TRIU_IJS = jnp.asarray(np.stack([_ii, _jj], axis=-1))


def setup_inputs(seed: int = 0) -> dict:
    key = jax.random.key(seed)
    k1, k2 = jax.random.split(key)
    k = jax.random.normal(k1, (B, N, D), dtype=jnp.float32)
    v = jax.random.normal(k2, (B, N, D), dtype=jnp.float32)
    return {"k": k, "v": v}


def reference(k, v):
    b = k.shape[0]
    b_rge = jnp.arange(b)
    kn = k / jnp.linalg.norm(k, axis=-1, keepdims=True)
    scores = jnp.matmul(kn, jnp.swapaxes(kn, -1, -2))  # [b, n, n]
    scores = scores.reshape(b, -1)[:, _TRIU_IDS]  # [b, T]
    sort_scores = jnp.argsort(-scores, axis=-1)  # descending, [b, T]
    sorted_ijs = jnp.take(_TRIU_IJS, sort_scores, axis=0)  # [b, T, 2]
    T = _TRIU_IDS.shape[0]
    sorted_masks = jnp.ones((b, T), dtype=bool)
    groups = jnp.tile(jnp.eye(N, dtype=bool)[None], (b, 1, 1))  # [b, n, n]
    group_ids = jnp.tile(jnp.arange(N)[None], (b, 1))  # [b, n]
    for _ in range(R):
        first = jnp.argmax(sorted_masks, axis=1)  # first True per batch
        ij = sorted_ijs[b_rge, first]  # [b, 2]
        i0, j0 = ij[:, 0], ij[:, 1]
        i = group_ids[b_rge, i0]
        j = group_ids[b_rge, j0]
        group_i = groups[b_rge, i]  # [b, n]
        groups = groups.at[b_rge, j].set(groups[b_rge, j] | group_i)
        group_ids = jnp.where(group_i, j[:, None], group_ids)
        groups = groups.at[b_rge, i].set(False)
        group_j = groups[b_rge, j]  # [b, n]
        edges = (group_j[:, None, :] & group_j[:, :, None]).reshape(b, -1)[:, _TRIU_IDS]
        edges = jnp.take_along_axis(edges, sort_scores, axis=1)
        sorted_masks = sorted_masks & (~edges)
    nonzero = groups.sum(-1) > 0  # [b, n], exactly N_OUT True per row
    keep = jnp.argsort(~nonzero, axis=1)[:, :N_OUT]  # stable: preserves original order
    groups_k = jnp.take_along_axis(groups, keep[:, :, None], axis=1)  # [b, N_OUT, n]
    group_sizes = groups_k.sum(-1)  # [b, N_OUT]
    gf = groups_k.astype(jnp.float32) / group_sizes[..., None].astype(jnp.float32)
    out = jnp.matmul(gf, v)  # [b, N_OUT, d]
    return out, group_sizes


if False:  # reference __main__ guard neutralized (emitter)
    inp = setup_inputs()
    out, sizes = reference(**inp)
    print(out.shape, sizes.shape, sizes.sum(-1))

if __name__ == "__main__":
    import jax
    _d = setup_inputs()
    print(jax.jit(kernel)(*tuple(_d.values())))

</pallas_src>

<mosaic_0001>
#map = affine_map<(d0, d1) -> (0, 0, 0)>
module attributes {stable_mosaic.version = 14 : i64} {
  func.func @_greedy_sc_body(%arg0: i32, %arg1: i32, %arg2: memref<8x256x256xf32, #tpu.memory_space<hbm>>, %arg3: memref<8x1x256xf32, #tpu.memory_space<hbm>>, %arg4: memref<8x1x256xi32, #tpu.memory_space<hbm>>, %arg5: memref<8x1x256xi32, #tpu.memory_space<hbm>>, %arg6: memref<256x256xf32, #tpu.memory_space<vmem>>, %arg7: memref<272xf32, #tpu.memory_space<vmem>>, %arg8: memref<272xi32, #tpu.memory_space<vmem>>, %arg9: memref<272xi32, #tpu.memory_space<vmem>>, %arg10: memref<272xi32, #tpu.memory_space<vmem>>, %arg11: memref<16xf32, #tpu.memory_space<vmem>>, %arg12: memref<272xi32, #tpu.memory_space<vmem>>) attributes {dimension_semantics = [#tpu.dimension_semantics<core_parallel>, #tpu.dimension_semantics<subcore_parallel>], iteration_bounds = array<i64: 2, 16>, scalar_prefetch = 0 : i64, scratch_operands = 7 : i64, tpu.core_type = #tpu.core_type<sc_vector_subcore>, window_params = [{transform_indices = #map}, {transform_indices = #map}, {transform_indices = #map}, {transform_indices = #map}]} {
    %mul3A = arith.constant 16 : i32
    %mul3A_0 = arith.muli %arg0, %mul3A : i32
    %add3A = arith.addi %mul3A_0, %arg1 : i32
    %lt3A = arith.constant 8 : i32
    %lt3A_1 = arith.cmpi slt, %add3A, %lt3A : i32
    %convert_element_type3A = arith.extui %lt3A_1 : i1 to i32
    %cond3A = arith.constant 0 : i32
    %cond3A_2 = arith.cmpi ne, %convert_element_type3A, %cond3A : i32
    scf.if %cond3A_2 {
      "tpu.region"() ({
        %run_scoped3A_268 = tpu.sem_alloc : memref<!tpu.dma_semaphore, #tpu.memory_space<semaphore_mem>>
        %dma_start3A = arith.constant 0 : i32
        %dma_start3A_269 = arith.constant 0 : i32
        %dma_start3A_270 = tpu.memref_slice %arg2[%add3A, %dma_start3A, %dma_start3A_269] : memref<8x256x256xf32, #tpu.memory_space<hbm>> -> memref<1x256x256xf32, #tpu.memory_space<hbm>>
        %dma_start3A_271 = tpu.memref_squeeze %dma_start3A_270 : memref<1x256x256xf32, #tpu.memory_space<hbm>> -> memref<256x256xf32, #tpu.memory_space<hbm>>
        %dma_start3A_272 = arith.constant 0 : i32
        %dma_start3A_273 = arith.constant 0 : i32
        %dma_start3A_274 = tpu.memref_slice %arg2[%add3A, %dma_start3A_272, %dma_start3A_273] : memref<8x256x256xf32, #tpu.memory_space<hbm>> -> memref<1x256x256xf32, #tpu.memory_space<hbm>>
        %dma_start3A_275 = tpu.memref_squeeze %dma_start3A_274 : memref<1x256x256xf32, #tpu.memory_space<hbm>> -> memref<256x256xf32, #tpu.memory_space<hbm>>
        tpu.enqueue_dma source(%dma_start3A_275 : memref<256x256xf32, #tpu.memory_space<hbm>>) target(%arg6 : memref<256x256xf32, #tpu.memory_space<vmem>>) target_semaphore(%run_scoped3A_268 : memref<!tpu.dma_semaphore, #tpu.memory_space<semaphore_mem>>)
        %dma_wait3A = arith.constant 0 : i32
        %dma_wait3A_276 = arith.constant 0 : i32
        %dma_wait3A_277 = tpu.memref_slice %arg2[%add3A, %dma_wait3A, %dma_wait3A_276] : memref<8x256x256xf32, #tpu.memory_space<hbm>> -> memref<1x256x256xf32, #tpu.memory_space<hbm>>
        %dma_wait3A_278 = tpu.memref_squeeze %dma_wait3A_277 : memref<1x256x256xf32, #tpu.memory_space<hbm>> -> memref<256x256xf32, #tpu.memory_space<hbm>>
        %dma_wait3A_279 = arith.constant 0 : i32
        %dma_wait3A_280 = arith.constant 0 : i32
        %dma_wait3A_281 = tpu.memref_slice %arg2[%add3A, %dma_wait3A_279, %dma_wait3A_280] : memref<8x256x256xf32, #tpu.memory_space<hbm>> -> memref<1x256x256xf32, #tpu.memory_space<hbm>>
        %dma_wait3A_282 = tpu.memref_squeeze %dma_wait3A_281 : memref<1x256x256xf32, #tpu.memory_space<hbm>> -> memref<256x256xf32, #tpu.memory_space<hbm>>
        tpu.wait_dma2 semaphore(%run_scoped3A_268 : memref<!tpu.dma_semaphore, #tpu.memory_space<semaphore_mem>>) src(%dma_wait3A_282 : memref<256x256xf32, #tpu.memory_space<hbm>>) dst(%arg6 : memref<256x256xf32, #tpu.memory_space<vmem>>)
        tpu.yield
      }) : () -> ()
      %run_scoped3A = arith.constant 0 : i32
      "tpu.region"() ({
        %run_scoped3A_268 = tpu.sem_alloc : memref<!tpu.dma_semaphore, #tpu.memory_space<semaphore_mem>>
        %dma_start3A = arith.constant 0 : i32
        %dma_start3A_269 = tpu.memref_slice %arg7[%dma_start3A] : memref<272xf32, #tpu.memory_space<vmem>> -> memref<256xf32, #tpu.memory_space<vmem>>
        %dma_start3A_270 = arith.constant 0 : i32
        %dma_start3A_271 = tpu.memref_slice %arg3[%add3A, %run_scoped3A, %dma_start3A_270] : memref<8x1x256xf32, #tpu.memory_space<hbm>> -> memref<1x1x256xf32, #tpu.memory_space<hbm>>
        %dma_start3A_272 = tpu.memref_squeeze %dma_start3A_271 : memref<1x1x256xf32, #tpu.memory_space<hbm>> -> memref<256xf32, #tpu.memory_space<hbm>>
        %dma_start3A_273 = arith.constant 0 : i32
        %dma_start3A_274 = tpu.memref_slice %arg7[%dma_start3A_273] : memref<272xf32, #tpu.memory_space<vmem>> -> memref<256xf32, #tpu.memory_space<vmem>>
        %dma_start3A_275 = arith.constant 0 : i32
        %dma_start3A_276 = tpu.memref_slice %arg3[%add3A, %run_scoped3A, %dma_start3A_275] : memref<8x1x256xf32, #tpu.memory_space<hbm>> -> memref<1x1x256xf32, #tpu.memory_space<hbm>>
        %dma_start3A_277 = tpu.memref_squeeze %dma_start3A_276 : memref<1x1x256xf32, #tpu.memory_space<hbm>> -> memref<256xf32, #tpu.memory_space<hbm>>
        tpu.enqueue_dma source(%dma_start3A_277 : memref<256xf32, #tpu.memory_space<hbm>>) target(%dma_start3A_274 : memref<256xf32, #tpu.memory_space<vmem>>) target_semaphore(%run_scoped3A_268 : memref<!tpu.dma_semaphore, #tpu.memory_space<semaphore_mem>>)
        %dma_wait3A = arith.constant 0 : i32
        %dma_wait3A_278 = tpu.memref_slice %arg7[%dma_wait3A] : memref<272xf32, #tpu.memory_space<vmem>> -> memref<256xf32, #tpu.memory_space<vmem>>
        %dma_wait3A_279 = arith.constant 0 : i32
        %dma_wait3A_280 = tpu.memref_slice %arg3[%add3A, %run_scoped3A, %dma_wait3A_279] : memref<8x1x256xf32, #tpu.memory_space<hbm>> -> memref<1x1x256xf32, #tpu.memory_space<hbm>>
        %dma_wait3A_281 = tpu.memref_squeeze %dma_wait3A_280 : memref<1x1x256xf32, #tpu.memory_space<hbm>> -> memref<256xf32, #tpu.memory_space<hbm>>
        %dma_wait3A_282 = arith.constant 0 : i32
        %dma_wait3A_283 = tpu.memref_slice %arg7[%dma_wait3A_282] : memref<272xf32, #tpu.memory_space<vmem>> -> memref<256xf32, #tpu.memory_space<vmem>>
        %dma_wait3A_284 = arith.constant 0 : i32
        %dma_wait3A_285 = tpu.memref_slice %arg3[%add3A, %run_scoped3A, %dma_wait3A_284] : memref<8x1x256xf32, #tpu.memory_space<hbm>> -> memref<1x1x256xf32, #tpu.memory_space<hbm>>
        %dma_wait3A_286 = tpu.memref_squeeze %dma_wait3A_285 : memref<1x1x256xf32, #tpu.memory_space<hbm>> -> memref<256xf32, #tpu.memory_space<hbm>>
        tpu.wait_dma2 semaphore(%run_scoped3A_268 : memref<!tpu.dma_semaphore, #tpu.memory_space<semaphore_mem>>) src(%dma_wait3A_286 : memref<256xf32, #tpu.memory_space<hbm>>) dst(%dma_wait3A_283 : memref<256xf32, #tpu.memory_space<vmem>>)
        tpu.yield
      }) : () -> ()
      %run_scoped3A_3 = arith.constant 0 : i32
      "tpu.region"() ({
        %run_scoped3A_268 = tpu.sem_alloc : memref<!tpu.dma_semaphore, #tpu.memory_space<semaphore_mem>>
        %dma_start3A = arith.constant 0 : i32
        %dma_start3A_269 = tpu.memref_slice %arg8[%dma_start3A] : memref<272xi32, #tpu.memory_space<vmem>> -> memref<256xi32, #tpu.memory_space<vmem>>
        %dma_start3A_270 = arith.constant 0 : i32
        %dma_start3A_271 = tpu.memref_slice %arg4[%add3A, %run_scoped3A_3, %dma_start3A_270] : memref<8x1x256xi32, #tpu.memory_space<hbm>> -> memref<1x1x256xi32, #tpu.memory_space<hbm>>
        %dma_start3A_272 = tpu.memref_squeeze %dma_start3A_271 : memref<1x1x256xi32, #tpu.memory_space<hbm>> -> memref<256xi32, #tpu.memory_space<hbm>>
        %dma_start3A_273 = arith.constant 0 : i32
        %dma_start3A_274 = tpu.memref_slice %arg8[%dma_start3A_273] : memref<272xi32, #tpu.memory_space<vmem>> -> memref<256xi32, #tpu.memory_space<vmem>>
        %dma_start3A_275 = arith.constant 0 : i32
        %dma_start3A_276 = tpu.memref_slice %arg4[%add3A, %run_scoped3A_3, %dma_start3A_275] : memref<8x1x256xi32, #tpu.memory_space<hbm>> -> memref<1x1x256xi32, #tpu.memory_space<hbm>>
        %dma_start3A_277 = tpu.memref_squeeze %dma_start3A_276 : memref<1x1x256xi32, #tpu.memory_space<hbm>> -> memref<256xi32, #tpu.memory_space<hbm>>
        tpu.enqueue_dma source(%dma_start3A_277 : memref<256xi32, #tpu.memory_space<hbm>>) target(%dma_start3A_274 : memref<256xi32, #tpu.memory_space<vmem>>) target_semaphore(%run_scoped3A_268 : memref<!tpu.dma_semaphore, #tpu.memory_space<semaphore_mem>>)
        %dma_wait3A = arith.constant 0 : i32
        %dma_wait3A_278 = tpu.memref_slice %arg8[%dma_wait3A] : memref<272xi32, #tpu.memory_space<vmem>> -> memref<256xi32, #tpu.memory_space<vmem>>
        %dma_wait3A_279 = arith.constant 0 : i32
        %dma_wait3A_280 = tpu.memref_slice %arg4[%add3A, %run_scoped3A_3, %dma_wait3A_279] : memref<8x1x256xi32, #tpu.memory_space<hbm>> -> memref<1x1x256xi32, #tpu.memory_space<hbm>>
        %dma_wait3A_281 = tpu.memref_squeeze %dma_wait3A_280 : memref<1x1x256xi32, #tpu.memory_space<hbm>> -> memref<256xi32, #tpu.memory_space<hbm>>
        %dma_wait3A_282 = arith.constant 0 : i32
        %dma_wait3A_283 = tpu.memref_slice %arg8[%dma_wait3A_282] : memref<272xi32, #tpu.memory_space<vmem>> -> memref<256xi32, #tpu.memory_space<vmem>>
        %dma_wait3A_284 = arith.constant 0 : i32
        %dma_wait3A_285 = tpu.memref_slice %arg4[%add3A, %run_scoped3A_3, %dma_wait3A_284] : memref<8x1x256xi32, #tpu.memory_space<hbm>> -> memref<1x1x256xi32, #tpu.memory_space<hbm>>
        %dma_wait3A_286 = tpu.memref_squeeze %dma_wait3A_285 : memref<1x1x256xi32, #tpu.memory_space<hbm>> -> memref<256xi32, #tpu.memory_space<hbm>>
        tpu.wait_dma2 semaphore(%run_scoped3A_268 : memref<!tpu.dma_semaphore, #tpu.memory_space<semaphore_mem>>) src(%dma_wait3A_286 : memref<256xi32, #tpu.memory_space<hbm>>) dst(%dma_wait3A_283 : memref<256xi32, #tpu.memory_space<vmem>>)
        tpu.yield
      }) : () -> ()
      %iota3A = tpu.iota {dimensions = array<i32: 0>} : vector<16xi32>
      %eq3A = arith.constant 0 : i32
      %eq3A_4 = vector.broadcast %eq3A : i32 to vector<16xi32>
      %eq3A_5 = arith.cmpi eq, %iota3A, %eq3A_4 : vector<16xi32>
      %broadcast_in_dim3A = arith.constant -3.000000e+38 : f32
      %broadcast_in_dim3A_6 = vector.broadcast %broadcast_in_dim3A : f32 to vector<16xf32>
      %broadcast_in_dim3A_7 = arith.constant 1 : i32
      %broadcast_in_dim3A_8 = vector.broadcast %broadcast_in_dim3A_7 : i32 to vector<16xi32>
      %add3A_9 = arith.constant 0 : i32
      %add3A_10 = vector.broadcast %add3A_9 : i32 to vector<16xi32>
      %add3A_11 = arith.addi %iota3A, %add3A_10 : vector<16xi32>
      %swap3A = arith.constant 0 : index
      %swap3A_12 = tpu.vector_load %arg9[%swap3A] {strides = array<i32>} : memref<272xi32, #tpu.memory_space<vmem>>, vector<16xi32>,
      tpu.vector_store %arg9[%swap3A], %add3A_11 {strides = array<i32>} : memref<272xi32, #tpu.memory_space<vmem>>, vector<16xi32>,
      %swap3A_13 = arith.constant 0 : index
      %swap3A_14 = tpu.vector_load %arg12[%swap3A_13] {strides = array<i32>} : memref<272xi32, #tpu.memory_space<vmem>>, vector<16xi32>,
      tpu.vector_store %arg12[%swap3A_13], %broadcast_in_dim3A_8 {strides = array<i32>} : memref<272xi32, #tpu.memory_space<vmem>>, vector<16xi32>,
      %get3A = arith.constant 0 : index
      %get3A_15 = tpu.vector_load %arg7[%get3A] {strides = array<i32>} : memref<272xf32, #tpu.memory_space<vmem>>, vector<16xf32>,
      %reduce_max3A = arith.constant true
      %reduce_max3A_16 = vector.broadcast %reduce_max3A : i1 to vector<16xi1>
      %reduce_max3A_17 = tpu.scan <max>, %get3A_15 masked %reduce_max3A_16 : vector<16xf32>, vector<16xi1> -> vector<16xf32>
      %reduce_max3A_18 = vector.extract %reduce_max3A_17[15] : f32 from vector<16xf32>
      %broadcast_in_dim3A_19 = arith.constant 0 : i32
      %broadcast_in_dim3A_20 = vector.broadcast %broadcast_in_dim3A_19 : i32 to vector<16xi32>
      %broadcast_in_dim3A_21 = vector.broadcast %reduce_max3A_18 : f32 to vector<16xf32>
      tpu.vector_store_idx %arg11[%broadcast_in_dim3A_20], %broadcast_in_dim3A_21 masked %eq3A_5 : memref<16xf32, #tpu.memory_space<vmem>>[vector<16xi32>], vector<16xf32>, vector<16xi1>
      %add3A_22 = arith.constant 16 : i32
      %add3A_23 = vector.broadcast %add3A_22 : i32 to vector<16xi32>
      %add3A_24 = arith.addi %iota3A, %add3A_23 : vector<16xi32>
      %swap3A_25 = arith.constant 16 : index
      %swap3A_26 = tpu.vector_load %arg9[%swap3A_25] {strides = array<i32>} : memref<272xi32, #tpu.memory_space<vmem>>, vector<16xi32>,
      tpu.vector_store %arg9[%swap3A_25], %add3A_24 {strides = array<i32>} : memref<272xi32, #tpu.memory_space<vmem>>, vector<16xi32>,
      %swap3A_27 = arith.constant 16 : index
      %swap3A_28 = tpu.vector_load %arg12[%swap3A_27] {strides = array<i32>} : memref<272xi32, #tpu.memory_space<vmem>>, vector<16xi32>,
      tpu.vector_store %arg12[%swap3A_27], %broadcast_in_dim3A_8 {strides = array<i32>} : memref<272xi32, #tpu.memory_space<vmem>>, vector<16xi32>,
      %get3A_29 = arith.constant 16 : index
      %get3A_30 = tpu.vector_load %arg7[%get3A_29] {strides = array<i32>} : memref<272xf32, #tpu.memory_space<vmem>>, vector<16xf32>,
      %reduce_max3A_31 = arith.constant true
      %reduce_max3A_32 = vector.broadcast %reduce_max3A_31 : i1 to vector<16xi1>
      %reduce_max3A_33 = tpu.scan <max>, %get3A_30 masked %reduce_max3A_32 : vector<16xf32>, vector<16xi1> -> vector<16xf32>
      %reduce_max3A_34 = vector.extract %reduce_max3A_33[15] : f32 from vector<16xf32>
      %broadcast_in_dim3A_35 = arith.constant 1 : i32
      %broadcast_in_dim3A_36 = vector.broadcast %broadcast_in_dim3A_35 : i32 to vector<16xi32>
      %broadcast_in_dim3A_37 = vector.broadcast %reduce_max3A_34 : f32 to vector<16xf32>
      tpu.vector_store_idx %arg11[%broadcast_in_dim3A_36], %broadcast_in_dim3A_37 masked %eq3A_5 : memref<16xf32, #tpu.memory_space<vmem>>[vector<16xi32>], vector<16xf32>, vector<16xi1>
      %add3A_38 = arith.constant 32 : i32
      %add3A_39 = vector.broadcast %add3A_38 : i32 to vector<16xi32>
      %add3A_40 = arith.addi %iota3A, %add3A_39 : vector<16xi32>
      %swap3A_41 = arith.constant 32 : index
      %swap3A_42 = tpu.vector_load %arg9[%swap3A_41] {strides = array<i32>} : memref<272xi32, #tpu.memory_space<vmem>>, vector<16xi32>,
      tpu.vector_store %arg9[%swap3A_41], %add3A_40 {strides = array<i32>} : memref<272xi32, #tpu.memory_space<vmem>>, vector<16xi32>,
      %swap3A_43 = arith.constant 32 : index
      %swap3A_44 = tpu.vector_load %arg12[%swap3A_43] {strides = array<i32>} : memref<272xi32, #tpu.memory_space<vmem>>, vector<16xi32>,
      tpu.vector_store %arg12[%swap3A_43], %broadcast_in_dim3A_8 {strides = array<i32>} : memref<272xi32, #tpu.memory_space<vmem>>, vector<16xi32>,
      %get3A_45 = arith.constant 32 : index
      %get3A_46 = tpu.vector_load %arg7[%get3A_45] {strides = array<i32>} : memref<272xf32, #tpu.memory_space<vmem>>, vector<16xf32>,
      %reduce_max3A_47 = arith.constant true
      %reduce_max3A_48 = vector.broadcast %reduce_max3A_47 : i1 to vector<16xi1>
      %reduce_max3A_49 = tpu.scan <max>, %get3A_46 masked %reduce_max3A_48 : vector<16xf32>, vector<16xi1> -> vector<16xf32>
      %reduce_max3A_50 = vector.extract %reduce_max3A_49[15] : f32 from vector<16xf32>
      %broadcast_in_dim3A_51 = arith.constant 2 : i32
      %broadcast_in_dim3A_52 = vector.broadcast %broadcast_in_dim3A_51 : i32 to vector<16xi32>
      %broadcast_in_dim3A_53 = vector.broadcast %reduce_max3A_50 : f32 to vector<16xf32>
      tpu.vector_store_idx %arg11[%broadcast_in_dim3A_52], %broadcast_in_dim3A_53 masked %eq3A_5 : memref<16xf32, #tpu.memory_space<vmem>>[vector<16xi32>], vector<16xf32>, vector<16xi1>
      %add3A_54 = arith.constant 48 : i32
      %add3A_55 = vector.broadcast %add3A_54 : i32 to vector<16xi32>
      %add3A_56 = arith.addi %iota3A, %add3A_55 : vector<16xi32>
      %swap3A_57 = arith.constant 48 : index
      %swap3A_58 = tpu.vector_load %arg9[%swap3A_57] {strides = array<i32>} : memref<272xi32, #tpu.memory_space<vmem>>, vector<16xi32>,
      tpu.vector_store %arg9[%swap3A_57], %add3A_56 {strides = array<i32>} : memref<272xi32, #tpu.memory_space<vmem>>, vector<16xi32>,
      %swap3A_59 = arith.constant 48 : index
      %swap3A_60 = tpu.vector_load %arg12[%swap3A_59] {strides = array<i32>} : memref<272xi32, #tpu.memory_space<vmem>>, vector<16xi32>,
      tpu.vector_store %arg12[%swap3A_59], %broadcast_in_dim3A_8 {strides = array<i32>} : memref<272xi32, #tpu.memory_space<vmem>>, vector<16xi32>,
      %get3A_61 = arith.constant 48 : index
      %get3A_62 = tpu.vector_load %arg7[%get3A_61] {strides = array<i32>} : memref<272xf32, #tpu.memory_space<vmem>>, vector<16xf32>,
      %reduce_max3A_63 = arith.constant true
      %reduce_max3A_64 = vector.broadcast %reduce_max3A_63 : i1 to vector<16xi1>
      %reduce_max3A_65 = tpu.scan <max>, %get3A_62 masked %reduce_max3A_64 : vector<16xf32>, vector<16xi1> -> vector<16xf32>
      %reduce_max3A_66 = vector.extract %reduce_max3A_65[15] : f32 from vector<16xf32>
      %broadcast_in_dim3A_67 = arith.constant 3 : i32
      %broadcast_in_dim3A_68 = vector.broadcast %broadcast_in_dim3A_67 : i32 to vector<16xi32>
      %broadcast_in_dim3A_69 = vector.broadcast %reduce_max3A_66 : f32 to vector<16xf32>
      tpu.vector_store_idx %arg11[%broadcast_in_dim3A_68], %broadcast_in_dim3A_69 masked %eq3A_5 : memref<16xf32, #tpu.memory_space<vmem>>[vector<16xi32>], vector<16xf32>, vector<16xi1>
      %add3A_70 = arith.constant 64 : i32
      %add3A_71 = vector.broadcast %add3A_70 : i32 to vector<16xi32>
      %add3A_72 = arith.addi %iota3A, %add3A_71 : vector<16xi32>
      %swap3A_73 = arith.constant 64 : index
      %swap3A_74 = tpu.vector_load %arg9[%swap3A_73] {strides = array<i32>} : memref<272xi32, #tpu.memory_space<vmem>>, vector<16xi32>,
      tpu.vector_store %arg9[%swap3A_73], %add3A_72 {strides = array<i32>} : memref<272xi32, #tpu.memory_space<vmem>>, vector<16xi32>,
      %swap3A_75 = arith.constant 64 : index
      %swap3A_76 = tpu.vector_load %arg12[%swap3A_75] {strides = array<i32>} : memref<272xi32, #tpu.memory_space<vmem>>, vector<16xi32>,
      tpu.vector_store %arg12[%swap3A_75], %broadcast_in_dim3A_8 {strides = array<i32>} : memref<272xi32, #tpu.memory_space<vmem>>, vector<16xi32>,
      %get3A_77 = arith.constant 64 : index
      %get3A_78 = tpu.vector_load %arg7[%get3A_77] {strides = array<i32>} : memref<272xf32, #tpu.memory_space<vmem>>, vector<16xf32>,
      %reduce_max3A_79 = arith.constant true
      %reduce_max3A_80 = vector.broadcast %reduce_max3A_79 : i1 to vector<16xi1>
      %reduce_max3A_81 = tpu.scan <max>, %get3A_78 masked %reduce_max3A_80 : vector<16xf32>, vector<16xi1> -> vector<16xf32>
      %reduce_max3A_82 = vector.extract %reduce_max3A_81[15] : f32 from vector<16xf32>
      %broadcast_in_dim3A_83 = arith.constant 4 : i32
      %broadcast_in_dim3A_84 = vector.broadcast %broadcast_in_dim3A_83 : i32 to vector<16xi32>
      %broadcast_in_dim3A_85 = vector.broadcast %reduce_max3A_82 : f32 to vector<16xf32>
      tpu.vector_store_idx %arg11[%broadcast_in_dim3A_84], %broadcast_in_dim3A_85 masked %eq3A_5 : memref<16xf32, #tpu.memory_space<vmem>>[vector<16xi32>], vector<16xf32>, vector<16xi1>
      %add3A_86 = arith.constant 80 : i32
      %add3A_87 = vector.broadcast %add3A_86 : i32 to vector<16xi32>
      %add3A_88 = arith.addi %iota3A, %add3A_87 : vector<16xi32>
      %swap3A_89 = arith.constant 80 : index
      %swap3A_90 = tpu.vector_load %arg9[%swap3A_89] {strides = array<i32>} : memref<272xi32, #tpu.memory_space<vmem>>, vector<16xi32>,
      tpu.vector_store %arg9[%swap3A_89], %add3A_88 {strides = array<i32>} : memref<272xi32, #tpu.memory_space<vmem>>, vector<16xi32>,
      %swap3A_91 = arith.constant 80 : index
      %swap3A_92 = tpu.vector_load %arg12[%swap3A_91] {strides = array<i32>} : memref<272xi32, #tpu.memory_space<vmem>>, vector<16xi32>,
      tpu.vector_store %arg12[%swap3A_91], %broadcast_in_dim3A_8 {strides = array<i32>} : memref<272xi32, #tpu.memory_space<vmem>>, vector<16xi32>,
      %get3A_93 = arith.constant 80 : index
      %get3A_94 = tpu.vector_load %arg7[%get3A_93] {strides = array<i32>} : memref<272xf32, #tpu.memory_space<vmem>>, vector<16xf32>,
      %reduce_max3A_95 = arith.constant true
      %reduce_max3A_96 = vector.broadcast %reduce_max3A_95 : i1 to vector<16xi1>
      %reduce_max3A_97 = tpu.scan <max>, %get3A_94 masked %reduce_max3A_96 : vector<16xf32>, vector<16xi1> -> vector<16xf32>
      %reduce_max3A_98 = vector.extract %reduce_max3A_97[15] : f32 from vector<16xf32>
      %broadcast_in_dim3A_99 = arith.constant 5 : i32
      %broadcast_in_dim3A_100 = vector.broadcast %broadcast_in_dim3A_99 : i32 to vector<16xi32>
      %broadcast_in_dim3A_101 = vector.broadcast %reduce_max3A_98 : f32 to vector<16xf32>
      tpu.vector_store_idx %arg11[%broadcast_in_dim3A_100], %broadcast_in_dim3A_101 masked %eq3A_5 : memref<16xf32, #tpu.memory_space<vmem>>[vector<16xi32>], vector<16xf32>, vector<16xi1>
      %add3A_102 = arith.constant 96 : i32
      %add3A_103 = vector.broadcast %add3A_102 : i32 to vector<16xi32>
      %add3A_104 = arith.addi %iota3A, %add3A_103 : vector<16xi32>
      %swap3A_105 = arith.constant 96 : index
      %swap3A_106 = tpu.vector_load %arg9[%swap3A_105] {strides = array<i32>} : memref<272xi32, #tpu.memory_space<vmem>>, vector<16xi32>,
      tpu.vector_store %arg9[%swap3A_105], %add3A_104 {strides = array<i32>} : memref<272xi32, #tpu.memory_space<vmem>>, vector<16xi32>,
      %swap3A_107 = arith.constant 96 : index
      %swap3A_108 = tpu.vector_load %arg12[%swap3A_107] {strides = array<i32>} : memref<272xi32, #tpu.memory_space<vmem>>, vector<16xi32>,
      tpu.vector_store %arg12[%swap3A_107], %broadcast_in_dim3A_8 {strides = array<i32>} : memref<272xi32, #tpu.memory_space<vmem>>, vector<16xi32>,
      %get3A_109 = arith.constant 96 : index
      %get3A_110 = tpu.vector_load %arg7[%get3A_109] {strides = array<i32>} : memref<272xf32, #tpu.memory_space<vmem>>, vector<16xf32>,
      %reduce_max3A_111 = arith.constant true
      %reduce_max3A_112 = vector.broadcast %reduce_max3A_111 : i1 to vector<16xi1>
      %reduce_max3A_113 = tpu.scan <max>, %get3A_110 masked %reduce_max3A_112 : vector<16xf32>, vector<16xi1> -> vector<16xf32>
      %reduce_max3A_114 = vector.extract %reduce_max3A_113[15] : f32 from vector<16xf32>
      %broadcast_in_dim3A_115 = arith.constant 6 : i32
      %broadcast_in_dim3A_116 = vector.broadcast %broadcast_in_dim3A_115 : i32 to vector<16xi32>
      %broadcast_in_dim3A_117 = vector.broadcast %reduce_max3A_114 : f32 to vector<16xf32>
      tpu.vector_store_idx %arg11[%broadcast_in_dim3A_116], %broadcast_in_dim3A_117 masked %eq3A_5 : memref<16xf32, #tpu.memory_space<vmem>>[vector<16xi32>], vector<16xf32>, vector<16xi1>
      %add3A_118 = arith.constant 112 : i32
      %add3A_119 = vector.broadcast %add3A_118 : i32 to vector<16xi32>
      %add3A_120 = arith.addi %iota3A, %add3A_119 : vector<16xi32>
      %swap3A_121 = arith.constant 112 : index
      %swap3A_122 = tpu.vector_load %arg9[%swap3A_121] {strides = array<i32>} : memref<272xi32, #tpu.memory_space<vmem>>, vector<16xi32>,
      tpu.vector_store %arg9[%swap3A_121], %add3A_120 {strides = array<i32>} : memref<272xi32, #tpu.memory_space<vmem>>, vector<16xi32>,
      %swap3A_123 = arith.constant 112 : index
      %swap3A_124 = tpu.vector_load %arg12[%swap3A_123] {strides = array<i32>} : memref<272xi32, #tpu.memory_space<vmem>>, vector<16xi32>,
      tpu.vector_store %arg12[%swap3A_123], %broadcast_in_dim3A_8 {strides = array<i32>} : memref<272xi32, #tpu.memory_space<vmem>>, vector<16xi32>,
      %get3A_125 = arith.constant 112 : index
      %get3A_126 = tpu.vector_load %arg7[%get3A_125] {strides = array<i32>} : memref<272xf32, #tpu.memory_space<vmem>>, vector<16xf32>,
      %reduce_max3A_127 = arith.constant true
      %reduce_max3A_128 = vector.broadcast %reduce_max3A_127 : i1 to vector<16xi1>
      %reduce_max3A_129 = tpu.scan <max>, %get3A_126 masked %reduce_max3A_128 : vector<16xf32>, vector<16xi1> -> vector<16xf32>
      %reduce_max3A_130 = vector.extract %reduce_max3A_129[15] : f32 from vector<16xf32>
      %broadcast_in_dim3A_131 = arith.constant 7 : i32
      %broadcast_in_dim3A_132 = vector.broadcast %broadcast_in_dim3A_131 : i32 to vector<16xi32>
      %broadcast_in_dim3A_133 = vector.broadcast %reduce_max3A_130 : f32 to vector<16xf32>
      tpu.vector_store_idx %arg11[%broadcast_in_dim3A_132], %broadcast_in_dim3A_133 masked %eq3A_5 : memref<16xf32, #tpu.memory_space<vmem>>[vector<16xi32>], vector<16xf32>, vector<16xi1>
      %add3A_134 = arith.constant 128 : i32
      %add3A_135 = vector.broadcast %add3A_134 : i32 to vector<16xi32>
      %add3A_136 = arith.addi %iota3A, %add3A_135 : vector<16xi32>
      %swap3A_137 = arith.constant 128 : index
      %swap3A_138 = tpu.vector_load %arg9[%swap3A_137] {strides = array<i32>} : memref<272xi32, #tpu.memory_space<vmem>>, vector<16xi32>,
      tpu.vector_store %arg9[%swap3A_137], %add3A_136 {strides = array<i32>} : memref<272xi32, #tpu.memory_space<vmem>>, vector<16xi32>,
      %swap3A_139 = arith.constant 128 : index
      %swap3A_140 = tpu.vector_load %arg12[%swap3A_139] {strides = array<i32>} : memref<272xi32, #tpu.memory_space<vmem>>, vector<16xi32>,
      tpu.vector_store %arg12[%swap3A_139], %broadcast_in_dim3A_8 {strides = array<i32>} : memref<272xi32, #tpu.memory_space<vmem>>, vector<16xi32>,
      %get3A_141 = arith.constant 128 : index
      %get3A_142 = tpu.vector_load %arg7[%get3A_141] {strides = array<i32>} : memref<272xf32, #tpu.memory_space<vmem>>, vector<16xf32>,
      %reduce_max3A_143 = arith.constant true
      %reduce_max3A_144 = vector.broadcast %reduce_max3A_143 : i1 to vector<16xi1>
      %reduce_max3A_145 = tpu.scan <max>, %get3A_142 masked %reduce_max3A_144 : vector<16xf32>, vector<16xi1> -> vector<16xf32>
      %reduce_max3A_146 = vector.extract %reduce_max3A_145[15] : f32 from vector<16xf32>
      %broadcast_in_dim3A_147 = arith.constant 8 : i32
      %broadcast_in_dim3A_148 = vector.broadcast %broadcast_in_dim3A_147 : i32 to vector<16xi32>
      %broadcast_in_dim3A_149 = vector.broadcast %reduce_max3A_146 : f32 to vector<16xf32>
      tpu.vector_store_idx %arg11[%broadcast_in_dim3A_148], %broadcast_in_dim3A_149 masked %eq3A_5 : memref<16xf32, #tpu.memory_space<vmem>>[vector<16xi32>], vector<16xf32>, vector<16xi1>
      %add3A_150 = arith.constant 144 : i32
      %add3A_151 = vector.broadcast %add3A_150 : i32 to vector<16xi32>
      %add3A_152 = arith.addi %iota3A, %add3A_151 : vector<16xi32>
      %swap3A_153 = arith.constant 144 : index
      %swap3A_154 = tpu.vector_load %arg9[%swap3A_153] {strides = array<i32>} : memref<272xi32, #tpu.memory_space<vmem>>, vector<16xi32>,
      tpu.vector_store %arg9[%swap3A_153], %add3A_152 {strides = array<i32>} : memref<272xi32, #tpu.memory_space<vmem>>, vector<16xi32>,
      %swap3A_155 = arith.constant 144 : index
      %swap3A_156 = tpu.vector_load %arg12[%swap3A_155] {strides = array<i32>} : memref<272xi32, #tpu.memory_space<vmem>>, vector<16xi32>,
      tpu.vector_store %arg12[%swap3A_155], %broadcast_in_dim3A_8 {strides = array<i32>} : memref<272xi32, #tpu.memory_space<vmem>>, vector<16xi32>,
      %get3A_157 = arith.constant 144 : index
      %get3A_158 = tpu.vector_load %arg7[%get3A_157] {strides = array<i32>} : memref<272xf32, #tpu.memory_space<vmem>>, vector<16xf32>,
      %reduce_max3A_159 = arith.constant true
      %reduce_max3A_160 = vector.broadcast %reduce_max3A_159 : i1 to vector<16xi1>
      %reduce_max3A_161 = tpu.scan <max>, %get3A_158 masked %reduce_max3A_160 : vector<16xf32>, vector<16xi1> -> vector<16xf32>
      %reduce_max3A_162 = vector.extract %reduce_max3A_161[15] : f32 from vector<16xf32>
      %broadcast_in_dim3A_163 = arith.constant 9 : i32
      %broadcast_in_dim3A_164 = vector.broadcast %broadcast_in_dim3A_163 : i32 to vector<16xi32>
      %broadcast_in_dim3A_165 = vector.broadcast %reduce_max3A_162 : f32 to vector<16xf32>
      tpu.vector_store_idx %arg11[%broadcast_in_dim3A_164], %broadcast_in_dim3A_165 masked %eq3A_5 : memref<16xf32, #tpu.memory_space<vmem>>[vector<16xi32>], vector<16xf32>, vector<16xi1>
      %add3A_166 = arith.constant 160 : i32
      %add3A_167 = vector.broadcast %add3A_166 : i32 to vector<16xi32>
      %add3A_168 = arith.addi %iota3A, %add3A_167 : vector<16xi32>
      %swap3A_169 = arith.constant 160 : index
      %swap3A_170 = tpu.vector_load %arg9[%swap3A_169] {strides = array<i32>} : memref<272xi32, #tpu.memory_space<vmem>>, vector<16xi32>,
      tpu.vector_store %arg9[%swap3A_169], %add3A_168 {strides = array<i32>} : memref<272xi32, #tpu.memory_space<vmem>>, vector<16xi32>,
      %swap3A_171 = arith.constant 160 : index
      %swap3A_172 = tpu.vector_load %arg12[%swap3A_171] {strides = array<i32>} : memref<272xi32, #tpu.memory_space<vmem>>, vector<16xi32>,
      tpu.vector_store %arg12[%swap3A_171], %broadcast_in_dim3A_8 {strides = array<i32>} : memref<272xi32, #tpu.memory_space<vmem>>, vector<16xi32>,
      %get3A_173 = arith.constant 160 : index
      %get3A_174 = tpu.vector_load %arg7[%get3A_173] {strides = array<i32>} : memref<272xf32, #tpu.memory_space<vmem>>, vector<16xf32>,
      %reduce_max3A_175 = arith.constant true
      %reduce_max3A_176 = vector.broadcast %reduce_max3A_175 : i1 to vector<16xi1>
      %reduce_max3A_177 = tpu.scan <max>, %get3A_174 masked %reduce_max3A_176 : vector<16xf32>, vector<16xi1> -> vector<16xf32>
      %reduce_max3A_178 = vector.extract %reduce_max3A_177[15] : f32 from vector<16xf32>
      %broadcast_in_dim3A_179 = arith.constant 10 : i32
      %broadcast_in_dim3A_180 = vector.broadcast %broadcast_in_dim3A_179 : i32 to vector<16xi32>
      %broadcast_in_dim3A_181 = vector.broadcast %reduce_max3A_178 : f32 to vector<16xf32>
      tpu.vector_store_idx %arg11[%broadcast_in_dim3A_180], %broadcast_in_dim3A_181 masked %eq3A_5 : memref<16xf32, #tpu.memory_space<vmem>>[vector<16xi32>], vector<16xf32>, vector<16xi1>
      %add3A_182 = arith.constant 176 : i32
      %add3A_183 = vector.broadcast %add3A_182 : i32 to vector<16xi32>
      %add3A_184 = arith.addi %iota3A, %add3A_183 : vector<16xi32>
      %swap3A_185 = arith.constant 176 : index
      %swap3A_186 = tpu.vector_load %arg9[%swap3A_185] {strides = array<i32>} : memref<272xi32, #tpu.memory_space<vmem>>, vector<16xi32>,
      tpu.vector_store %arg9[%swap3A_185], %add3A_184 {strides = array<i32>} : memref<272xi32, #tpu.memory_space<vmem>>, vector<16xi32>,
      %swap3A_187 = arith.constant 176 : index
      %swap3A_188 = tpu.vector_load %arg12[%swap3A_187] {strides = array<i32>} : memref<272xi32, #tpu.memory_space<vmem>>, vector<16xi32>,
      tpu.vector_store %arg12[%swap3A_187], %broadcast_in_dim3A_8 {strides = array<i32>} : memref<272xi32, #tpu.memory_space<vmem>>, vector<16xi32>,
      %get3A_189 = arith.constant 176 : index
      %get3A_190 = tpu.vector_load %arg7[%get3A_189] {strides = array<i32>} : memref<272xf32, #tpu.memory_space<vmem>>, vector<16xf32>,
      %reduce_max3A_191 = arith.constant true
      %reduce_max3A_192 = vector.broadcast %reduce_max3A_191 : i1 to vector<16xi1>
      %reduce_max3A_193 = tpu.scan <max>, %get3A_190 masked %reduce_max3A_192 : vector<16xf32>, vector<16xi1> -> vector<16xf32>
      %reduce_max3A_194 = vector.extract %reduce_max3A_193[15] : f32 from vector<16xf32>
      %broadcast_in_dim3A_195 = arith.constant 11 : i32
      %broadcast_in_dim3A_196 = vector.broadcast %broadcast_in_dim3A_195 : i32 to vector<16xi32>
      %broadcast_in_dim3A_197 = vector.broadcast %reduce_max3A_194 : f32 to vector<16xf32>
      tpu.vector_store_idx %arg11[%broadcast_in_dim3A_196], %broadcast_in_dim3A_197 masked %eq3A_5 : memref<16xf32, #tpu.memory_space<vmem>>[vector<16xi32>], vector<16xf32>, vector<16xi1>
      %add3A_198 = arith.constant 192 : i32
      %add3A_199 = vector.broadcast %add3A_198 : i32 to vector<16xi32>
      %add3A_200 = arith.addi %iota3A, %add3A_199 : vector<16xi32>
      %swap3A_201 = arith.constant 192 : index
      %swap3A_202 = tpu.vector_load %arg9[%swap3A_201] {strides = array<i32>} : memref<272xi32, #tpu.memory_space<vmem>>, vector<16xi32>,
      tpu.vector_store %arg9[%swap3A_201], %add3A_200 {strides = array<i32>} : memref<272xi32, #tpu.memory_space<vmem>>, vector<16xi32>,
      %swap3A_203 = arith.constant 192 : index
      %swap3A_204 = tpu.vector_load %arg12[%swap3A_203] {strides = array<i32>} : memref<272xi32, #tpu.memory_space<vmem>>, vector<16xi32>,
      tpu.vector_store %arg12[%swap3A_203], %broadcast_in_dim3A_8 {strides = array<i32>} : memref<272xi32, #tpu.memory_space<vmem>>, vector<16xi32>,
      %get3A_205 = arith.constant 192 : index
      %get3A_206 = tpu.vector_load %arg7[%get3A_205] {strides = array<i32>} : memref<272xf32, #tpu.memory_space<vmem>>, vector<16xf32>,
      %reduce_max3A_207 = arith.constant true
      %reduce_max3A_208 = vector.broadcast %reduce_max3A_207 : i1 to vector<16xi1>
      %reduce_max3A_209 = tpu.scan <max>, %get3A_206 masked %reduce_max3A_208 : vector<16xf32>, vector<16xi1> -> vector<16xf32>
      %reduce_max3A_210 = vector.extract %reduce_max3A_209[15] : f32 from vector<16xf32>
      %broadcast_in_dim3A_211 = arith.constant 12 : i32
      %broadcast_in_dim3A_212 = vector.broadcast %broadcast_in_dim3A_211 : i32 to vector<16xi32>
      %broadcast_in_dim3A_213 = vector.broadcast %reduce_max3A_210 : f32 to vector<16xf32>
      tpu.vector_store_idx %arg11[%broadcast_in_dim3A_212], %broadcast_in_dim3A_213 masked %eq3A_5 : memref<16xf32, #tpu.memory_space<vmem>>[vector<16xi32>], vector<16xf32>, vector<16xi1>
      %add3A_214 = arith.constant 208 : i32
      %add3A_215 = vector.broadcast %add3A_214 : i32 to vector<16xi32>
      %add3A_216 = arith.addi %iota3A, %add3A_215 : vector<16xi32>
      %swap3A_217 = arith.constant 208 : index
      %swap3A_218 = tpu.vector_load %arg9[%swap3A_217] {strides = array<i32>} : memref<272xi32, #tpu.memory_space<vmem>>, vector<16xi32>,
      tpu.vector_store %arg9[%swap3A_217], %add3A_216 {strides = array<i32>} : memref<272xi32, #tpu.memory_space<vmem>>, vector<16xi32>,
      %swap3A_219 = arith.constant 208 : index
      %swap3A_220 = tpu.vector_load %arg12[%swap3A_219] {strides = array<i32>} : memref<272xi32, #tpu.memory_space<vmem>>, vector<16xi32>,
      tpu.vector_store %arg12[%swap3A_219], %broadcast_in_dim3A_8 {strides = array<i32>} : memref<272xi32, #tpu.memory_space<vmem>>, vector<16xi32>,
      %get3A_221 = arith.constant 208 : index
      %get3A_222 = tpu.vector_load %arg7[%get3A_221] {strides = array<i32>} : memref<272xf32, #tpu.memory_space<vmem>>, vector<16xf32>,
      %reduce_max3A_223 = arith.constant true
      %reduce_max3A_224 = vector.broadcast %reduce_max3A_223 : i1 to vector<16xi1>
      %reduce_max3A_225 = tpu.scan <max>, %get3A_222 masked %reduce_max3A_224 : vector<16xf32>, vector<16xi1> -> vector<16xf32>
      %reduce_max3A_226 = vector.extract %reduce_max3A_225[15] : f32 from vector<16xf32>
      %broadcast_in_dim3A_227 = arith.constant 13 : i32
      %broadcast_in_dim3A_228 = vector.broadcast %broadcast_in_dim3A_227 : i32 to vector<16xi32>
      %broadcast_in_dim3A_229 = vector.broadcast %reduce_max3A_226 : f32 to vector<16xf32>
      tpu.vector_store_idx %arg11[%broadcast_in_dim3A_228], %broadcast_in_dim3A_229 masked %eq3A_5 : memref<16xf32, #tpu.memory_space<vmem>>[vector<16xi32>], vector<16xf32>, vector<16xi1>
      %add3A_230 = arith.constant 224 : i32
      %add3A_231 = vector.broadcast %add3A_230 : i32 to vector<16xi32>
      %add3A_232 = arith.addi %iota3A, %add3A_231 : vector<16xi32>
      %swap3A_233 = arith.constant 224 : index
      %swap3A_234 = tpu.vector_load %arg9[%swap3A_233] {strides = array<i32>} : memref<272xi32, #tpu.memory_space<vmem>>, vector<16xi32>,
      tpu.vector_store %arg9[%swap3A_233], %add3A_232 {strides = array<i32>} : memref<272xi32, #tpu.memory_space<vmem>>, vector<16xi32>,
      %swap3A_235 = arith.constant 224 : index
      %swap3A_236 = tpu.vector_load %arg12[%swap3A_235] {strides = array<i32>} : memref<272xi32, #tpu.memory_space<vmem>>, vector<16xi32>,
      tpu.vector_store %arg12[%swap3A_235], %broadcast_in_dim3A_8 {strides = array<i32>} : memref<272xi32, #tpu.memory_space<vmem>>, vector<16xi32>,
      %get3A_237 = arith.constant 224 : index
      %get3A_238 = tpu.vector_load %arg7[%get3A_237] {strides = array<i32>} : memref<272xf32, #tpu.memory_space<vmem>>, vector<16xf32>,
      %reduce_max3A_239 = arith.constant true
      %reduce_max3A_240 = vector.broadcast %reduce_max3A_239 : i1 to vector<16xi1>
      %reduce_max3A_241 = tpu.scan <max>, %get3A_238 masked %reduce_max3A_240 : vector<16xf32>, vector<16xi1> -> vector<16xf32>
      %reduce_max3A_242 = vector.extract %reduce_max3A_241[15] : f32 from vector<16xf32>
      %broadcast_in_dim3A_243 = arith.constant 14 : i32
      %broadcast_in_dim3A_244 = vector.broadcast %broadcast_in_dim3A_243 : i32 to vector<16xi32>
      %broadcast_in_dim3A_245 = vector.broadcast %reduce_max3A_242 : f32 to vector<16xf32>
      tpu.vector_store_idx %arg11[%broadcast_in_dim3A_244], %broadcast_in_dim3A_245 masked %eq3A_5 : memref<16xf32, #tpu.memory_space<vmem>>[vector<16xi32>], vector<16xf32>, vector<16xi1>
      %add3A_246 = arith.constant 240 : i32
      %add3A_247 = vector.broadcast %add3A_246 : i32 to vector<16xi32>
      %add3A_248 = arith.addi %iota3A, %add3A_247 : vector<16xi32>
      %swap3A_249 = arith.constant 240 : index
      %swap3A_250 = tpu.vector_load %arg9[%swap3A_249] {strides = array<i32>} : memref<272xi32, #tpu.memory_space<vmem>>, vector<16xi32>,
      tpu.vector_store %arg9[%swap3A_249], %add3A_248 {strides = array<i32>} : memref<272xi32, #tpu.memory_space<vmem>>, vector<16xi32>,
      %swap3A_251 = arith.constant 240 : index
      %swap3A_252 = tpu.vector_load %arg12[%swap3A_251] {strides = array<i32>} : memref<272xi32, #tpu.memory_space<vmem>>, vector<16xi32>,
      tpu.vector_store %arg12[%swap3A_251], %broadcast_in_dim3A_8 {strides = array<i32>} : memref<272xi32, #tpu.memory_space<vmem>>, vector<16xi32>,
      %get3A_253 = arith.constant 240 : index
      %get3A_254 = tpu.vector_load %arg7[%get3A_253] {strides = array<i32>} : memref<272xf32, #tpu.memory_space<vmem>>, vector<16xf32>,
      %reduce_max3A_255 = arith.constant true
      %reduce_max3A_256 = vector.broadcast %reduce_max3A_255 : i1 to vector<16xi1>
      %reduce_max3A_257 = tpu.scan <max>, %get3A_254 masked %reduce_max3A_256 : vector<16xf32>, vector<16xi1> -> vector<16xf32>
      %reduce_max3A_258 = vector.extract %reduce_max3A_257[15] : f32 from vector<16xf32>
      %broadcast_in_dim3A_259 = arith.constant 15 : i32
      %broadcast_in_dim3A_260 = vector.broadcast %broadcast_in_dim3A_259 : i32 to vector<16xi32>
      %broadcast_in_dim3A_261 = vector.broadcast %reduce_max3A_258 : f32 to vector<16xf32>
      tpu.vector_store_idx %arg11[%broadcast_in_dim3A_260], %broadcast_in_dim3A_261 masked %eq3A_5 : memref<16xf32, #tpu.memory_space<vmem>>[vector<16xi32>], vector<16xf32>, vector<16xi1>
      %scan3A = arith.constant 0 : i32
      %scan3A_262 = arith.constant 0 : i32
      %scan3A_263 = arith.constant 64 : i32
      %scan3A_264 = arith.addi %scan3A_262, %scan3A_263 : i32
      %scan3A_265 = arith.constant 1 : i32
      scf.for %scan3A_268 = %scan3A_262 to %scan3A_264 step %scan3A_265  : i32 {
        %get3A_269 = arith.constant 0 : index
        %get3A_270 = tpu.vector_load %arg11[%get3A_269] {strides = array<i32>} : memref<16xf32, #tpu.memory_space<vmem>>, vector<16xf32>,
        %reduce_max3A_271 = arith.constant true
        %reduce_max3A_272 = vector.broadcast %reduce_max3A_271 : i1 to vector<16xi1>
        %reduce_max3A_273 = tpu.scan <max>, %get3A_270 masked %reduce_max3A_272 : vector<16xf32>, vector<16xi1> -> vector<16xf32>
        %reduce_max3A_274 = vector.extract %reduce_max3A_273[15] : f32 from vector<16xf32>
        %eq3A_275 = vector.broadcast %reduce_max3A_274 : f32 to vector<16xf32>
        %eq3A_276 = arith.cmpf oeq, %get3A_270, %eq3A_275 : vector<16xf32>
        %all_reduce_ffs3A = tpu.all_reduce %eq3A_276 {dim = 0 : i64, kind = #tpu.reduction_kind<find_first_set>} : vector<16xi1> -> vector<16xi32>
        %slice3A = vector.extract_strided_slice %all_reduce_ffs3A {offsets = [0], sizes = [1], strides = [1]} : vector<16xi32> to vector<1xi32>
        %squeeze3A = vector.extract %slice3A[0] : i32 from vector<1xi32>
        %mul3A_277 = arith.constant 16 : i32
        %mul3A_278 = arith.muli %squeeze3A, %mul3A_277 : i32
        %get3A_279 = arith.index_cast %mul3A_278 : i32 to index
        %get3A_280 = tpu.vector_load %arg7[%get3A_279] {strides = array<i32>} : memref<272xf32, #tpu.memory_space<vmem>>, vector<16xf32>,
        %eq3A_281 = vector.broadcast %reduce_max3A_274 : f32 to vector<16xf32>
        %eq3A_282 = arith.cmpf oeq, %get3A_280, %eq3A_281 : vector<16xf32>
        %all_reduce_ffs3A_283 = tpu.all_reduce %eq3A_282 {dim = 0 : i64, kind = #tpu.reduction_kind<find_first_set>} : vector<16xi1> -> vector<16xi32>
        %slice3A_284 = vector.extract_strided_slice %all_reduce_ffs3A_283 {offsets = [0], sizes = [1], strides = [1]} : vector<16xi32> to vector<1xi32>
        %squeeze3A_285 = vector.extract %slice3A_284[0] : i32 from vector<1xi32>
        %add3A_286 = arith.addi %mul3A_278, %squeeze3A_285 : i32
        %get3A_287 = arith.index_cast %add3A_286 : i32 to index
        %get3A_288 = tpu.vector_load %arg8[%get3A_287] {strides = array<i32>} : memref<272xi32, #tpu.memory_space<vmem>>, vector<16xi32>,
        %slice3A_289 = vector.extract_strided_slice %get3A_288 {offsets = [0], sizes = [1], strides = [1]} : vector<16xi32> to vector<1xi32>
        %squeeze3A_290 = vector.extract %slice3A_289[0] : i32 from vector<1xi32>
        %get3A_291 = arith.index_cast %add3A_286 : i32 to index
        %get3A_292 = tpu.vector_load %arg9[%get3A_291] {strides = array<i32>} : memref<272xi32, #tpu.memory_space<vmem>>, vector<16xi32>,
        %slice3A_293 = vector.extract_strided_slice %get3A_292 {offsets = [0], sizes = [1], strides = [1]} : vector<16xi32> to vector<1xi32>
        %squeeze3A_294 = vector.extract %slice3A_293[0] : i32 from vector<1xi32>
        %get3A_295 = arith.index_cast %squeeze3A_290 : i32 to index
        %get3A_296 = tpu.vector_load %arg9[%get3A_295] {strides = array<i32>} : memref<272xi32, #tpu.memory_space<vmem>>, vector<16xi32>,
        %slice3A_297 = vector.extract_strided_slice %get3A_296 {offsets = [0], sizes = [1], strides = [1]} : vector<16xi32> to vector<1xi32>
        %squeeze3A_298 = vector.extract %slice3A_297[0] : i32 from vector<1xi32>
        %get3A_299 = arith.index_cast %squeeze3A_294 : i32 to index
        %get3A_300 = tpu.vector_load %arg12[%get3A_299] {strides = array<i32>} : memref<272xi32, #tpu.memory_space<vmem>>, vector<16xi32>,
        %slice3A_301 = vector.extract_strided_slice %get3A_300 {offsets = [0], sizes = [1], strides = [1]} : vector<16xi32> to vector<1xi32>
        %squeeze3A_302 = vector.extract %slice3A_301[0] : i32 from vector<1xi32>
        %get3A_303 = arith.index_cast %squeeze3A_298 : i32 to index
        %get3A_304 = tpu.vector_load %arg12[%get3A_303] {strides = array<i32>} : memref<272xi32, #tpu.memory_space<vmem>>, vector<16xi32>,
        %slice3A_305 = vector.extract_strided_slice %get3A_304 {offsets = [0], sizes = [1], strides = [1]} : vector<16xi32> to vector<1xi32>
        %squeeze3A_306 = vector.extract %slice3A_305[0] : i32 from vector<1xi32>
        %add3A_307 = arith.addi %squeeze3A_302, %squeeze3A_306 : i32
        %broadcast_in_dim3A_308 = vector.broadcast %squeeze3A_298 : i32 to vector<16xi32>
        %broadcast_in_dim3A_309 = vector.broadcast %add3A_307 : i32 to vector<16xi32>
        tpu.vector_store_idx %arg12[%broadcast_in_dim3A_308], %broadcast_in_dim3A_309 masked %eq3A_5 : memref<272xi32, #tpu.memory_space<vmem>>[vector<16xi32>], vector<16xi32>, vector<16xi1>
        %eq3A_310 = arith.constant 2 : i32
        %eq3A_311 = arith.cmpi eq, %add3A_307, %eq3A_310 : i32
        %convert_element_type3A_312 = arith.extui %eq3A_311 : i1 to i32
        %cond3A_313 = arith.constant 0 : i32
        %cond3A_314 = arith.cmpi ne, %convert_element_type3A_312, %cond3A_313 : i32
        scf.if %cond3A_314 {
          %broadcast_in_dim3A_319 = vector.broadcast %add3A_286 : i32 to vector<16xi32>
          %broadcast_in_dim3A_320 = vector.broadcast %squeeze3A_298 : i32 to vector<16xi32>
          tpu.vector_store_idx %arg9[%broadcast_in_dim3A_319], %broadcast_in_dim3A_320 masked %eq3A_5 : memref<272xi32, #tpu.memory_space<vmem>>[vector<16xi32>], vector<16xi32>, vector<16xi1>
          %broadcast_in_dim3A_321 = vector.broadcast %squeeze3A_298 : i32 to vector<16xi32>
          %broadcast_in_dim3A_322 = arith.constant 0 : i32
          %broadcast_in_dim3A_323 = vector.broadcast %broadcast_in_dim3A_322 : i32 to vector<16xi32>
          %get3A_324 = arith.constant 0 : index
          %get3A_325 = tpu.vector_load %arg9[%get3A_324] {strides = array<i32>} : memref<272xi32, #tpu.memory_space<vmem>>, vector<16xi32>,
          %eq3A_326 = arith.cmpi eq, %get3A_325, %broadcast_in_dim3A_321 : vector<16xi32>
          %get3A_327 = arith.index_cast %add3A_286 : i32 to index
          %get3A_328 = arith.constant 0 : index
          %get3A_329 = tpu.vector_load %arg6[%get3A_327, %get3A_328] {strides = array<i32>} : memref<256x256xf32, #tpu.memory_space<vmem>>, vector<16xf32>,
          %select_n3A = arith.select %eq3A_326, %broadcast_in_dim3A_6, %get3A_329 : vector<16xi1>, vector<16xf32>
          %gt3A = arith.cmpf ogt, %select_n3A, %broadcast_in_dim3A_6 : vector<16xf32>
          %select_n3A_330 = arith.select %gt3A, %select_n3A, %broadcast_in_dim3A_6 : vector<16xi1>, vector<16xf32>
          %jit3A = arith.constant 0 : i32
          %broadcast_in_dim3A_331 = vector.broadcast %jit3A : i32 to vector<16xi32>
          %select_n3A_332 = arith.select %gt3A, %broadcast_in_dim3A_331, %broadcast_in_dim3A_323 : vector<16xi1>, vector<16xi32>
          %get3A_333 = arith.constant 16 : index
          %get3A_334 = tpu.vector_load %arg9[%get3A_333] {strides = array<i32>} : memref<272xi32, #tpu.memory_space<vmem>>, vector<16xi32>,
          %eq3A_335 = arith.cmpi eq, %get3A_334, %broadcast_in_dim3A_321 : vector<16xi32>
          %get3A_336 = arith.index_cast %add3A_286 : i32 to index
          %get3A_337 = arith.constant 16 : index
          %get3A_338 = tpu.vector_load %arg6[%get3A_336, %get3A_337] {strides = array<i32>} : memref<256x256xf32, #tpu.memory_space<vmem>>, vector<16xf32>,
          %select_n3A_339 = arith.select %eq3A_335, %broadcast_in_dim3A_6, %get3A_338 : vector<16xi1>, vector<16xf32>
          %gt3A_340 = arith.cmpf ogt, %select_n3A_339, %select_n3A_330 : vector<16xf32>
          %select_n3A_341 = arith.select %gt3A_340, %select_n3A_339, %select_n3A_330 : vector<16xi1>, vector<16xf32>
          %jit3A_342 = arith.constant 1 : i32
          %broadcast_in_dim3A_343 = vector.broadcast %jit3A_342 : i32 to vector<16xi32>
          %select_n3A_344 = arith.select %gt3A_340, %broadcast_in_dim3A_343, %select_n3A_332 : vector<16xi1>, vector<16xi32>
          %get3A_345 = arith.constant 32 : index
          %get3A_346 = tpu.vector_load %arg9[%get3A_345] {strides = array<i32>} : memref<272xi32, #tpu.memory_space<vmem>>, vector<16xi32>,
          %eq3A_347 = arith.cmpi eq, %get3A_346, %broadcast_in_dim3A_321 : vector<16xi32>
          %get3A_348 = arith.index_cast %add3A_286 : i32 to index
          %get3A_349 = arith.constant 32 : index
          %get3A_350 = tpu.vector_load %arg6[%get3A_348, %get3A_349] {strides = array<i32>} : memref<256x256xf32, #tpu.memory_space<vmem>>, vector<16xf32>,
          %select_n3A_351 = arith.select %eq3A_347, %broadcast_in_dim3A_6, %get3A_350 : vector<16xi1>, vector<16xf32>
          %gt3A_352 = arith.cmpf ogt, %select_n3A_351, %select_n3A_341 : vector<16xf32>
          %select_n3A_353 = arith.select %gt3A_352, %select_n3A_351, %select_n3A_341 : vector<16xi1>, vector<16xf32>
          %jit3A_354 = arith.constant 2 : i32
          %broadcast_in_dim3A_355 = vector.broadcast %jit3A_354 : i32 to vector<16xi32>
          %select_n3A_356 = arith.select %gt3A_352, %broadcast_in_dim3A_355, %select_n3A_344 : vector<16xi1>, vector<16xi32>
          %get3A_357 = arith.constant 48 : index
          %get3A_358 = tpu.vector_load %arg9[%get3A_357] {strides = array<i32>} : memref<272xi32, #tpu.memory_space<vmem>>, vector<16xi32>,
          %eq3A_359 = arith.cmpi eq, %get3A_358, %broadcast_in_dim3A_321 : vector<16xi32>
          %get3A_360 = arith.index_cast %add3A_286 : i32 to index
          %get3A_361 = arith.constant 48 : index
          %get3A_362 = tpu.vector_load %arg6[%get3A_360, %get3A_361] {strides = array<i32>} : memref<256x256xf32, #tpu.memory_space<vmem>>, vector<16xf32>,
          %select_n3A_363 = arith.select %eq3A_359, %broadcast_in_dim3A_6, %get3A_362 : vector<16xi1>, vector<16xf32>
          %gt3A_364 = arith.cmpf ogt, %select_n3A_363, %select_n3A_353 : vector<16xf32>
          %select_n3A_365 = arith.select %gt3A_364, %select_n3A_363, %select_n3A_353 : vector<16xi1>, vector<16xf32>
          %jit3A_366 = arith.constant 3 : i32
          %broadcast_in_dim3A_367 = vector.broadcast %jit3A_366 : i32 to vector<16xi32>
          %select_n3A_368 = arith.select %gt3A_364, %broadcast_in_dim3A_367, %select_n3A_356 : vector<16xi1>, vector<16xi32>
          %get3A_369 = arith.constant 64 : index
          %get3A_370 = tpu.vector_load %arg9[%get3A_369] {strides = array<i32>} : memref<272xi32, #tpu.memory_space<vmem>>, vector<16xi32>,
          %eq3A_371 = arith.cmpi eq, %get3A_370, %broadcast_in_dim3A_321 : vector<16xi32>
          %get3A_372 = arith.index_cast %add3A_286 : i32 to index
          %get3A_373 = arith.constant 64 : index
          %get3A_374 = tpu.vector_load %arg6[%get3A_372, %get3A_373] {strides = array<i32>} : memref<256x256xf32, #tpu.memory_space<vmem>>, vector<16xf32>,
          %select_n3A_375 = arith.select %eq3A_371, %broadcast_in_dim3A_6, %get3A_374 : vector<16xi1>, vector<16xf32>
          %gt3A_376 = arith.cmpf ogt, %select_n3A_375, %select_n3A_365 : vector<16xf32>
          %select_n3A_377 = arith.select %gt3A_376, %select_n3A_375, %select_n3A_365 : vector<16xi1>, vector<16xf32>
          %jit3A_378 = arith.constant 4 : i32
          %broadcast_in_dim3A_379 = vector.broadcast %jit3A_378 : i32 to vector<16xi32>
          %select_n3A_380 = arith.select %gt3A_376, %broadcast_in_dim3A_379, %select_n3A_368 : vector<16xi1>, vector<16xi32>
          %get3A_381 = arith.constant 80 : index
          %get3A_382 = tpu.vector_load %arg9[%get3A_381] {strides = array<i32>} : memref<272xi32, #tpu.memory_space<vmem>>, vector<16xi32>,
          %eq3A_383 = arith.cmpi eq, %get3A_382, %broadcast_in_dim3A_321 : vector<16xi32>
          %get3A_384 = arith.index_cast %add3A_286 : i32 to index
          %get3A_385 = arith.constant 80 : index
          %get3A_386 = tpu.vector_load %arg6[%get3A_384, %get3A_385] {strides = array<i32>} : memref<256x256xf32, #tpu.memory_space<vmem>>, vector<16xf32>,
          %select_n3A_387 = arith.select %eq3A_383, %broadcast_in_dim3A_6, %get3A_386 : vector<16xi1>, vector<16xf32>
          %gt3A_388 = arith.cmpf ogt, %select_n3A_387, %select_n3A_377 : vector<16xf32>
          %select_n3A_389 = arith.select %gt3A_388, %select_n3A_387, %select_n3A_377 : vector<16xi1>, vector<16xf32>
          %jit3A_390 = arith.constant 5 : i32
          %broadcast_in_dim3A_391 = vector.broadcast %jit3A_390 : i32 to vector<16xi32>
          %select_n3A_392 = arith.select %gt3A_388, %broadcast_in_dim3A_391, %select_n3A_380 : vector<16xi1>, vector<16xi32>
          %get3A_393 = arith.constant 96 : index
          %get3A_394 = tpu.vector_load %arg9[%get3A_393] {strides = array<i32>} : memref<272xi32, #tpu.memory_space<vmem>>, vector<16xi32>,
          %eq3A_395 = arith.cmpi eq, %get3A_394, %broadcast_in_dim3A_321 : vector<16xi32>
          %get3A_396 = arith.index_cast %add3A_286 : i32 to index
          %get3A_397 = arith.constant 96 : index
          %get3A_398 = tpu.vector_load %arg6[%get3A_396, %get3A_397] {strides = array<i32>} : memref<256x256xf32, #tpu.memory_space<vmem>>, vector<16xf32>,
          %select_n3A_399 = arith.select %eq3A_395, %broadcast_in_dim3A_6, %get3A_398 : vector<16xi1>, vector<16xf32>
          %gt3A_400 = arith.cmpf ogt, %select_n3A_399, %select_n3A_389 : vector<16xf32>
          %select_n3A_401 = arith.select %gt3A_400, %select_n3A_399, %select_n3A_389 : vector<16xi1>, vector<16xf32>
          %jit3A_402 = arith.constant 6 : i32
          %broadcast_in_dim3A_403 = vector.broadcast %jit3A_402 : i32 to vector<16xi32>
          %select_n3A_404 = arith.select %gt3A_400, %broadcast_in_dim3A_403, %select_n3A_392 : vector<16xi1>, vector<16xi32>
          %get3A_405 = arith.constant 112 : index
          %get3A_406 = tpu.vector_load %arg9[%get3A_405] {strides = array<i32>} : memref<272xi32, #tpu.memory_space<vmem>>, vector<16xi32>,
          %eq3A_407 = arith.cmpi eq, %get3A_406, %broadcast_in_dim3A_321 : vector<16xi32>
          %get3A_408 = arith.index_cast %add3A_286 : i32 to index
          %get3A_409 = arith.constant 112 : index
          %get3A_410 = tpu.vector_load %arg6[%get3A_408, %get3A_409] {strides = array<i32>} : memref<256x256xf32, #tpu.memory_space<vmem>>, vector<16xf32>,
          %select_n3A_411 = arith.select %eq3A_407, %broadcast_in_dim3A_6, %get3A_410 : vector<16xi1>, vector<16xf32>
          %gt3A_412 = arith.cmpf ogt, %select_n3A_411, %select_n3A_401 : vector<16xf32>
          %select_n3A_413 = arith.select %gt3A_412, %select_n3A_411, %select_n3A_401 : vector<16xi1>, vector<16xf32>
          %jit3A_414 = arith.constant 7 : i32
          %broadcast_in_dim3A_415 = vector.broadcast %jit3A_414 : i32 to vector<16xi32>
          %select_n3A_416 = arith.select %gt3A_412, %broadcast_in_dim3A_415, %select_n3A_404 : vector<16xi1>, vector<16xi32>
          %get3A_417 = arith.constant 128 : index
          %get3A_418 = tpu.vector_load %arg9[%get3A_417] {strides = array<i32>} : memref<272xi32, #tpu.memory_space<vmem>>, vector<16xi32>,
          %eq3A_419 = arith.cmpi eq, %get3A_418, %broadcast_in_dim3A_321 : vector<16xi32>
          %get3A_420 = arith.index_cast %add3A_286 : i32 to index
          %get3A_421 = arith.constant 128 : index
          %get3A_422 = tpu.vector_load %arg6[%get3A_420, %get3A_421] {strides = array<i32>} : memref<256x256xf32, #tpu.memory_space<vmem>>, vector<16xf32>,
          %select_n3A_423 = arith.select %eq3A_419, %broadcast_in_dim3A_6, %get3A_422 : vector<16xi1>, vector<16xf32>
          %gt3A_424 = arith.cmpf ogt, %select_n3A_423, %select_n3A_413 : vector<16xf32>
          %select_n3A_425 = arith.select %gt3A_424, %select_n3A_423, %select_n3A_413 : vector<16xi1>, vector<16xf32>
          %jit3A_426 = arith.constant 8 : i32
          %broadcast_in_dim3A_427 = vector.broadcast %jit3A_426 : i32 to vector<16xi32>
          %select_n3A_428 = arith.select %gt3A_424, %broadcast_in_dim3A_427, %select_n3A_416 : vector<16xi1>, vector<16xi32>
          %get3A_429 = arith.constant 144 : index
          %get3A_430 = tpu.vector_load %arg9[%get3A_429] {strides = array<i32>} : memref<272xi32, #tpu.memory_space<vmem>>, vector<16xi32>,
          %eq3A_431 = arith.cmpi eq, %get3A_430, %broadcast_in_dim3A_321 : vector<16xi32>
          %get3A_432 = arith.index_cast %add3A_286 : i32 to index
          %get3A_433 = arith.constant 144 : index
          %get3A_434 = tpu.vector_load %arg6[%get3A_432, %get3A_433] {strides = array<i32>} : memref<256x256xf32, #tpu.memory_space<vmem>>, vector<16xf32>,
          %select_n3A_435 = arith.select %eq3A_431, %broadcast_in_dim3A_6, %get3A_434 : vector<16xi1>, vector<16xf32>
          %gt3A_436 = arith.cmpf ogt, %select_n3A_435, %select_n3A_425 : vector<16xf32>
          %select_n3A_437 = arith.select %gt3A_436, %select_n3A_435, %select_n3A_425 : vector<16xi1>, vector<16xf32>
          %jit3A_438 = arith.constant 9 : i32
          %broadcast_in_dim3A_439 = vector.broadcast %jit3A_438 : i32 to vector<16xi32>
          %select_n3A_440 = arith.select %gt3A_436, %broadcast_in_dim3A_439, %select_n3A_428 : vector<16xi1>, vector<16xi32>
          %get3A_441 = arith.constant 160 : index
          %get3A_442 = tpu.vector_load %arg9[%get3A_441] {strides = array<i32>} : memref<272xi32, #tpu.memory_space<vmem>>, vector<16xi32>,
          %eq3A_443 = arith.cmpi eq, %get3A_442, %broadcast_in_dim3A_321 : vector<16xi32>
          %get3A_444 = arith.index_cast %add3A_286 : i32 to index
          %get3A_445 = arith.constant 160 : index
          %get3A_446 = tpu.vector_load %arg6[%get3A_444, %get3A_445] {strides = array<i32>} : memref<256x256xf32, #tpu.memory_space<vmem>>, vector<16xf32>,
          %select_n3A_447 = arith.select %eq3A_443, %broadcast_in_dim3A_6, %get3A_446 : vector<16xi1>, vector<16xf32>
          %gt3A_448 = arith.cmpf ogt, %select_n3A_447, %select_n3A_437 : vector<16xf32>
          %select_n3A_449 = arith.select %gt3A_448, %select_n3A_447, %select_n3A_437 : vector<16xi1>, vector<16xf32>
          %jit3A_450 = arith.constant 10 : i32
          %broadcast_in_dim3A_451 = vector.broadcast %jit3A_450 : i32 to vector<16xi32>
          %select_n3A_452 = arith.select %gt3A_448, %broadcast_in_dim3A_451, %select_n3A_440 : vector<16xi1>, vector<16xi32>
          %get3A_453 = arith.constant 176 : index
          %get3A_454 = tpu.vector_load %arg9[%get3A_453] {strides = array<i32>} : memref<272xi32, #tpu.memory_space<vmem>>, vector<16xi32>,
          %eq3A_455 = arith.cmpi eq, %get3A_454, %broadcast_in_dim3A_321 : vector<16xi32>
          %get3A_456 = arith.index_cast %add3A_286 : i32 to index
          %get3A_457 = arith.constant 176 : index
          %get3A_458 = tpu.vector_load %arg6[%get3A_456, %get3A_457] {strides = array<i32>} : memref<256x256xf32, #tpu.memory_space<vmem>>, vector<16xf32>,
          %select_n3A_459 = arith.select %eq3A_455, %broadcast_in_dim3A_6, %get3A_458 : vector<16xi1>, vector<16xf32>
          %gt3A_460 = arith.cmpf ogt, %select_n3A_459, %select_n3A_449 : vector<16xf32>
          %select_n3A_461 = arith.select %gt3A_460, %select_n3A_459, %select_n3A_449 : vector<16xi1>, vector<16xf32>
          %jit3A_462 = arith.constant 11 : i32
          %broadcast_in_dim3A_463 = vector.broadcast %jit3A_462 : i32 to vector<16xi32>
          %select_n3A_464 = arith.select %gt3A_460, %broadcast_in_dim3A_463, %select_n3A_452 : vector<16xi1>, vector<16xi32>
          %get3A_465 = arith.constant 192 : index
          %get3A_466 = tpu.vector_load %arg9[%get3A_465] {strides = array<i32>} : memref<272xi32, #tpu.memory_space<vmem>>, vector<16xi32>,
          %eq3A_467 = arith.cmpi eq, %get3A_466, %broadcast_in_dim3A_321 : vector<16xi32>
          %get3A_468 = arith.index_cast %add3A_286 : i32 to index
          %get3A_469 = arith.constant 192 : index
          %get3A_470 = tpu.vector_load %arg6[%get3A_468, %get3A_469] {strides = array<i32>} : memref<256x256xf32, #tpu.memory_space<vmem>>, vector<16xf32>,
          %select_n3A_471 = arith.select %eq3A_467, %broadcast_in_dim3A_6, %get3A_470 : vector<16xi1>, vector<16xf32>
          %gt3A_472 = arith.cmpf ogt, %select_n3A_471, %select_n3A_461 : vector<16xf32>
          %select_n3A_473 = arith.select %gt3A_472, %select_n3A_471, %select_n3A_461 : vector<16xi1>, vector<16xf32>
          %jit3A_474 = arith.constant 12 : i32
          %broadcast_in_dim3A_475 = vector.broadcast %jit3A_474 : i32 to vector<16xi32>
          %select_n3A_476 = arith.select %gt3A_472, %broadcast_in_dim3A_475, %select_n3A_464 : vector<16xi1>, vector<16xi32>
          %get3A_477 = arith.constant 208 : index
          %get3A_478 = tpu.vector_load %arg9[%get3A_477] {strides = array<i32>} : memref<272xi32, #tpu.memory_space<vmem>>, vector<16xi32>,
          %eq3A_479 = arith.cmpi eq, %get3A_478, %broadcast_in_dim3A_321 : vector<16xi32>
          %get3A_480 = arith.index_cast %add3A_286 : i32 to index
          %get3A_481 = arith.constant 208 : index
          %get3A_482 = tpu.vector_load %arg6[%get3A_480, %get3A_481] {strides = array<i32>} : memref<256x256xf32, #tpu.memory_space<vmem>>, vector<16xf32>,
          %select_n3A_483 = arith.select %eq3A_479, %broadcast_in_dim3A_6, %get3A_482 : vector<16xi1>, vector<16xf32>
          %gt3A_484 = arith.cmpf ogt, %select_n3A_483, %select_n3A_473 : vector<16xf32>
          %select_n3A_485 = arith.select %gt3A_484, %select_n3A_483, %select_n3A_473 : vector<16xi1>, vector<16xf32>
          %jit3A_486 = arith.constant 13 : i32
          %broadcast_in_dim3A_487 = vector.broadcast %jit3A_486 : i32 to vector<16xi32>
          %select_n3A_488 = arith.select %gt3A_484, %broadcast_in_dim3A_487, %select_n3A_476 : vector<16xi1>, vector<16xi32>
          %get3A_489 = arith.constant 224 : index
          %get3A_490 = tpu.vector_load %arg9[%get3A_489] {strides = array<i32>} : memref<272xi32, #tpu.memory_space<vmem>>, vector<16xi32>,
          %eq3A_491 = arith.cmpi eq, %get3A_490, %broadcast_in_dim3A_321 : vector<16xi32>
          %get3A_492 = arith.index_cast %add3A_286 : i32 to index
          %get3A_493 = arith.constant 224 : index
          %get3A_494 = tpu.vector_load %arg6[%get3A_492, %get3A_493] {strides = array<i32>} : memref<256x256xf32, #tpu.memory_space<vmem>>, vector<16xf32>,
          %select_n3A_495 = arith.select %eq3A_491, %broadcast_in_dim3A_6, %get3A_494 : vector<16xi1>, vector<16xf32>
          %gt3A_496 = arith.cmpf ogt, %select_n3A_495, %select_n3A_485 : vector<16xf32>
          %select_n3A_497 = arith.select %gt3A_496, %select_n3A_495, %select_n3A_485 : vector<16xi1>, vector<16xf32>
          %jit3A_498 = arith.constant 14 : i32
          %broadcast_in_dim3A_499 = vector.broadcast %jit3A_498 : i32 to vector<16xi32>
          %select_n3A_500 = arith.select %gt3A_496, %broadcast_in_dim3A_499, %select_n3A_488 : vector<16xi1>, vector<16xi32>
          %get3A_501 = arith.constant 240 : index
          %get3A_502 = tpu.vector_load %arg9[%get3A_501] {strides = array<i32>} : memref<272xi32, #tpu.memory_space<vmem>>, vector<16xi32>,
          %eq3A_503 = arith.cmpi eq, %get3A_502, %broadcast_in_dim3A_321 : vector<16xi32>
          %get3A_504 = arith.index_cast %add3A_286 : i32 to index
          %get3A_505 = arith.constant 240 : index
          %get3A_506 = tpu.vector_load %arg6[%get3A_504, %get3A_505] {strides = array<i32>} : memref<256x256xf32, #tpu.memory_space<vmem>>, vector<16xf32>,
          %select_n3A_507 = arith.select %eq3A_503, %broadcast_in_dim3A_6, %get3A_506 : vector<16xi1>, vector<16xf32>
          %gt3A_508 = arith.cmpf ogt, %select_n3A_507, %select_n3A_497 : vector<16xf32>
          %select_n3A_509 = arith.select %gt3A_508, %select_n3A_507, %select_n3A_497 : vector<16xi1>, vector<16xf32>
          %jit3A_510 = arith.constant 15 : i32
          %broadcast_in_dim3A_511 = vector.broadcast %jit3A_510 : i32 to vector<16xi32>
          %select_n3A_512 = arith.select %gt3A_508, %broadcast_in_dim3A_511, %select_n3A_500 : vector<16xi1>, vector<16xi32>
          %reduce_max3A_513 = arith.constant true
          %reduce_max3A_514 = vector.broadcast %reduce_max3A_513 : i1 to vector<16xi1>
          %reduce_max3A_515 = tpu.scan <max>, %select_n3A_509 masked %reduce_max3A_514 : vector<16xf32>, vector<16xi1> -> vector<16xf32>
          %reduce_max3A_516 = vector.extract %reduce_max3A_515[15] : f32 from vector<16xf32>
          %eq3A_517 = vector.broadcast %reduce_max3A_516 : f32 to vector<16xf32>
          %eq3A_518 = arith.cmpf oeq, %select_n3A_509, %eq3A_517 : vector<16xf32>
          %mul3A_519 = arith.constant 16 : i32
          %mul3A_520 = vector.broadcast %mul3A_519 : i32 to vector<16xi32>
          %mul3A_521 = arith.muli %select_n3A_512, %mul3A_520 : vector<16xi32>
          %add3A_522 = arith.addi %mul3A_521, %iota3A : vector<16xi32>
          %jit3A_523 = arith.constant 512 : i32
          %broadcast_in_dim3A_524 = vector.broadcast %jit3A_523 : i32 to vector<16xi32>
          %select_n3A_525 = arith.select %eq3A_518, %add3A_522, %broadcast_in_dim3A_524 : vector<16xi1>, vector<16xi32>
          %reduce_min3A = arith.constant true
          %reduce_min3A_526 = vector.broadcast %reduce_min3A : i1 to vector<16xi1>
          %reduce_min3A_527 = arith.constant -2147483648 : i32
          %reduce_min3A_528 = vector.broadcast %reduce_min3A_527 : i32 to vector<16xi32>
          %reduce_min3A_529 = arith.xori %select_n3A_525, %reduce_min3A_528 : vector<16xi32>
          %reduce_min3A_530 = tpu.scan <min>, %reduce_min3A_529 masked %reduce_min3A_526 : vector<16xi32>, vector<16xi1> -> vector<16xi32>
          %reduce_min3A_531 = arith.xori %reduce_min3A_530, %reduce_min3A_528 : vector<16xi32>
          %reduce_min3A_532 = vector.extract %reduce_min3A_531[15] : i32 from vector<16xi32>
          %broadcast_in_dim3A_533 = vector.broadcast %add3A_286 : i32 to vector<16xi32>
          %broadcast_in_dim3A_534 = vector.broadcast %reduce_max3A_516 : f32 to vector<16xf32>
          tpu.vector_store_idx %arg7[%broadcast_in_dim3A_533], %broadcast_in_dim3A_534 masked %eq3A_5 : memref<272xf32, #tpu.memory_space<vmem>>[vector<16xi32>], vector<16xf32>, vector<16xi1>
          %broadcast_in_dim3A_535 = vector.broadcast %reduce_min3A_532 : i32 to vector<16xi32>
          tpu.vector_store_idx %arg8[%broadcast_in_dim3A_533], %broadcast_in_dim3A_535 masked %eq3A_5 : memref<272xi32, #tpu.memory_space<vmem>>[vector<16xi32>], vector<16xi32>, vector<16xi1>
          %shift_right_logical3A = arith.constant 4 : i32
          %shift_right_logical3A_536 = arith.shrui %add3A_286, %shift_right_logical3A : i32
          %mul3A_537 = arith.constant 16 : i32
          %mul3A_538 = arith.muli %shift_right_logical3A_536, %mul3A_537 : i32
          %get3A_539 = arith.index_cast %mul3A_538 : i32 to index
          %get3A_540 = tpu.vector_load %arg7[%get3A_539] {strides = array<i32>} : memref<272xf32, #tpu.memory_space<vmem>>, vector<16xf32>,
          %reduce_max3A_541 = arith.constant true
          %reduce_max3A_542 = vector.broadcast %reduce_max3A_541 : i1 to vector<16xi1>
          %reduce_max3A_543 = tpu.scan <max>, %get3A_540 masked %reduce_max3A_542 : vector<16xf32>, vector<16xi1> -> vector<16xf32>
          %reduce_max3A_544 = vector.extract %reduce_max3A_543[15] : f32 from vector<16xf32>
          %broadcast_in_dim3A_545 = vector.broadcast %shift_right_logical3A_536 : i32 to vector<16xi32>
          %broadcast_in_dim3A_546 = vector.broadcast %reduce_max3A_544 : f32 to vector<16xf32>
          tpu.vector_store_idx %arg11[%broadcast_in_dim3A_545], %broadcast_in_dim3A_546 masked %eq3A_5 : memref<16xf32, #tpu.memory_space<vmem>>[vector<16xi32>], vector<16xf32>, vector<16xi1>
          %get3A_547 = arith.index_cast %squeeze3A_290 : i32 to index
          %get3A_548 = tpu.vector_load %arg8[%get3A_547] {strides = array<i32>} : memref<272xi32, #tpu.memory_space<vmem>>, vector<16xi32>,
          %slice3A_549 = vector.extract_strided_slice %get3A_548 {offsets = [0], sizes = [1], strides = [1]} : vector<16xi32> to vector<1xi32>
          %squeeze3A_550 = vector.extract %slice3A_549[0] : i32 from vector<1xi32>
          %get3A_551 = arith.index_cast %squeeze3A_550 : i32 to index
          %get3A_552 = tpu.vector_load %arg9[%get3A_551] {strides = array<i32>} : memref<272xi32, #tpu.memory_space<vmem>>, vector<16xi32>,
          %slice3A_553 = vector.extract_strided_slice %get3A_552 {offsets = [0], sizes = [1], strides = [1]} : vector<16xi32> to vector<1xi32>
          %squeeze3A_554 = vector.extract %slice3A_553[0] : i32 from vector<1xi32>
          %eq3A_555 = arith.cmpi eq, %squeeze3A_554, %squeeze3A_298 : i32
          %convert_element_type3A_556 = arith.extui %eq3A_555 : i1 to i32
          %cond3A_557 = arith.constant 0 : i32
          %cond3A_558 = arith.cmpi ne, %convert_element_type3A_556, %cond3A_557 : i32
          scf.if %cond3A_558 {
            %broadcast_in_dim3A_559 = vector.broadcast %squeeze3A_298 : i32 to vector<16xi32>
            %broadcast_in_dim3A_560 = arith.constant 0 : i32
            %broadcast_in_dim3A_561 = vector.broadcast %broadcast_in_dim3A_560 : i32 to vector<16xi32>
            %get3A_562 = arith.constant 0 : index
            %get3A_563 = tpu.vector_load %arg9[%get3A_562] {strides = array<i32>} : memref<272xi32, #tpu.memory_space<vmem>>, vector<16xi32>,
            %eq3A_564 = arith.cmpi eq, %get3A_563, %broadcast_in_dim3A_559 : vector<16xi32>
            %get3A_565 = arith.index_cast %squeeze3A_290 : i32 to index
            %get3A_566 = arith.constant 0 : index
            %get3A_567 = tpu.vector_load %arg6[%get3A_565, %get3A_566] {strides = array<i32>} : memref<256x256xf32, #tpu.memory_space<vmem>>, vector<16xf32>,
            %select_n3A_568 = arith.select %eq3A_564, %broadcast_in_dim3A_6, %get3A_567 : vector<16xi1>, vector<16xf32>
            %gt3A_569 = arith.cmpf ogt, %select_n3A_568, %broadcast_in_dim3A_6 : vector<16xf32>
            %select_n3A_570 = arith.select %gt3A_569, %select_n3A_568, %broadcast_in_dim3A_6 : vector<16xi1>, vector<16xf32>
            %jit3A_571 = arith.constant 0 : i32
            %broadcast_in_dim3A_572 = vector.broadcast %jit3A_571 : i32 to vector<16xi32>
            %select_n3A_573 = arith.select %gt3A_569, %broadcast_in_dim3A_572, %broadcast_in_dim3A_561 : vector<16xi1>, vector<16xi32>
            %get3A_574 = arith.constant 16 : index
            %get3A_575 = tpu.vector_load %arg9[%get3A_574] {strides = array<i32>} : memref<272xi32, #tpu.memory_space<vmem>>, vector<16xi32>,
            %eq3A_576 = arith.cmpi eq, %get3A_575, %broadcast_in_dim3A_559 : vector<16xi32>
            %get3A_577 = arith.index_cast %squeeze3A_290 : i32 to index
            %get3A_578 = arith.constant 16 : index
            %get3A_579 = tpu.vector_load %arg6[%get3A_577, %get3A_578] {strides = array<i32>} : memref<256x256xf32, #tpu.memory_space<vmem>>, vector<16xf32>,
            %select_n3A_580 = arith.select %eq3A_576, %broadcast_in_dim3A_6, %get3A_579 : vector<16xi1>, vector<16xf32>
            %gt3A_581 = arith.cmpf ogt, %select_n3A_580, %select_n3A_570 : vector<16xf32>
            %select_n3A_582 = arith.select %gt3A_581, %select_n3A_580, %select_n3A_570 : vector<16xi1>, vector<16xf32>
            %jit3A_583 = arith.constant 1 : i32
            %broadcast_in_dim3A_584 = vector.broadcast %jit3A_583 : i32 to vector<16xi32>
            %select_n3A_585 = arith.select %gt3A_581, %broadcast_in_dim3A_584, %select_n3A_573 : vector<16xi1>, vector<16xi32>
            %get3A_586 = arith.constant 32 : index
            %get3A_587 = tpu.vector_load %arg9[%get3A_586] {strides = array<i32>} : memref<272xi32, #tpu.memory_space<vmem>>, vector<16xi32>,
            %eq3A_588 = arith.cmpi eq, %get3A_587, %broadcast_in_dim3A_559 : vector<16xi32>
            %get3A_589 = arith.index_cast %squeeze3A_290 : i32 to index
            %get3A_590 = arith.constant 32 : index
            %get3A_591 = tpu.vector_load %arg6[%get3A_589, %get3A_590] {strides = array<i32>} : memref<256x256xf32, #tpu.memory_space<vmem>>, vector<16xf32>,
            %select_n3A_592 = arith.select %eq3A_588, %broadcast_in_dim3A_6, %get3A_591 : vector<16xi1>, vector<16xf32>
            %gt3A_593 = arith.cmpf ogt, %select_n3A_592, %select_n3A_582 : vector<16xf32>
            %select_n3A_594 = arith.select %gt3A_593, %select_n3A_592, %select_n3A_582 : vector<16xi1>, vector<16xf32>
            %jit3A_595 = arith.constant 2 : i32
            %broadcast_in_dim3A_596 = vector.broadcast %jit3A_595 : i32 to vector<16xi32>
            %select_n3A_597 = arith.select %gt3A_593, %broadcast_in_dim3A_596, %select_n3A_585 : vector<16xi1>, vector<16xi32>
            %get3A_598 = arith.constant 48 : index
            %get3A_599 = tpu.vector_load %arg9[%get3A_598] {strides = array<i32>} : memref<272xi32, #tpu.memory_space<vmem>>, vector<16xi32>,
            %eq3A_600 = arith.cmpi eq, %get3A_599, %broadcast_in_dim3A_559 : vector<16xi32>
            %get3A_601 = arith.index_cast %squeeze3A_290 : i32 to index
            %get3A_602 = arith.constant 48 : index
            %get3A_603 = tpu.vector_load %arg6[%get3A_601, %get3A_602] {strides = array<i32>} : memref<256x256xf32, #tpu.memory_space<vmem>>, vector<16xf32>,
            %select_n3A_604 = arith.select %eq3A_600, %broadcast_in_dim3A_6, %get3A_603 : vector<16xi1>, vector<16xf32>
            %gt3A_605 = arith.cmpf ogt, %select_n3A_604, %select_n3A_594 : vector<16xf32>
            %select_n3A_606 = arith.select %gt3A_605, %select_n3A_604, %select_n3A_594 : vector<16xi1>, vector<16xf32>
            %jit3A_607 = arith.constant 3 : i32
            %broadcast_in_dim3A_608 = vector.broadcast %jit3A_607 : i32 to vector<16xi32>
            %select_n3A_609 = arith.select %gt3A_605, %broadcast_in_dim3A_608, %select_n3A_597 : vector<16xi1>, vector<16xi32>
            %get3A_610 = arith.constant 64 : index
            %get3A_611 = tpu.vector_load %arg9[%get3A_610] {strides = array<i32>} : memref<272xi32, #tpu.memory_space<vmem>>, vector<16xi32>,
            %eq3A_612 = arith.cmpi eq, %get3A_611, %broadcast_in_dim3A_559 : vector<16xi32>
            %get3A_613 = arith.index_cast %squeeze3A_290 : i32 to index
            %get3A_614 = arith.constant 64 : index
            %get3A_615 = tpu.vector_load %arg6[%get3A_613, %get3A_614] {strides = array<i32>} : memref<256x256xf32, #tpu.memory_space<vmem>>, vector<16xf32>,
            %select_n3A_616 = arith.select %eq3A_612, %broadcast_in_dim3A_6, %get3A_615 : vector<16xi1>, vector<16xf32>
            %gt3A_617 = arith.cmpf ogt, %select_n3A_616, %select_n3A_606 : vector<16xf32>
            %select_n3A_618 = arith.select %gt3A_617, %select_n3A_616, %select_n3A_606 : vector<16xi1>, vector<16xf32>
            %jit3A_619 = arith.constant 4 : i32
            %broadcast_in_dim3A_620 = vector.broadcast %jit3A_619 : i32 to vector<16xi32>
            %select_n3A_621 = arith.select %gt3A_617, %broadcast_in_dim3A_620, %select_n3A_609 : vector<16xi1>, vector<16xi32>
            %get3A_622 = arith.constant 80 : index
            %get3A_623 = tpu.vector_load %arg9[%get3A_622] {strides = array<i32>} : memref<272xi32, #tpu.memory_space<vmem>>, vector<16xi32>,
            %eq3A_624 = arith.cmpi eq, %get3A_623, %broadcast_in_dim3A_559 : vector<16xi32>
            %get3A_625 = arith.index_cast %squeeze3A_290 : i32 to index
            %get3A_626 = arith.constant 80 : index
            %get3A_627 = tpu.vector_load %arg6[%get3A_625, %get3A_626] {strides = array<i32>} : memref<256x256xf32, #tpu.memory_space<vmem>>, vector<16xf32>,
            %select_n3A_628 = arith.select %eq3A_624, %broadcast_in_dim3A_6, %get3A_627 : vector<16xi1>, vector<16xf32>
            %gt3A_629 = arith.cmpf ogt, %select_n3A_628, %select_n3A_618 : vector<16xf32>
            %select_n3A_630 = arith.select %gt3A_629, %select_n3A_628, %select_n3A_618 : vector<16xi1>, vector<16xf32>
            %jit3A_631 = arith.constant 5 : i32
            %broadcast_in_dim3A_632 = vector.broadcast %jit3A_631 : i32 to vector<16xi32>
            %select_n3A_633 = arith.select %gt3A_629, %broadcast_in_dim3A_632, %select_n3A_621 : vector<16xi1>, vector<16xi32>
            %get3A_634 = arith.constant 96 : index
            %get3A_635 = tpu.vector_load %arg9[%get3A_634] {strides = array<i32>} : memref<272xi32, #tpu.memory_space<vmem>>, vector<16xi32>,
            %eq3A_636 = arith.cmpi eq, %get3A_635, %broadcast_in_dim3A_559 : vector<16xi32>
            %get3A_637 = arith.index_cast %squeeze3A_290 : i32 to index
            %get3A_638 = arith.constant 96 : index
            %get3A_639 = tpu.vector_load %arg6[%get3A_637, %get3A_638] {strides = array<i32>} : memref<256x256xf32, #tpu.memory_space<vmem>>, vector<16xf32>,
            %select_n3A_640 = arith.select %eq3A_636, %broadcast_in_dim3A_6, %get3A_639 : vector<16xi1>, vector<16xf32>
            %gt3A_641 = arith.cmpf ogt, %select_n3A_640, %select_n3A_630 : vector<16xf32>
            %select_n3A_642 = arith.select %gt3A_641, %select_n3A_640, %select_n3A_630 : vector<16xi1>, vector<16xf32>
            %jit3A_643 = arith.constant 6 : i32
            %broadcast_in_dim3A_644 = vector.broadcast %jit3A_643 : i32 to vector<16xi32>
            %select_n3A_645 = arith.select %gt3A_641, %broadcast_in_dim3A_644, %select_n3A_633 : vector<16xi1>, vector<16xi32>
            %get3A_646 = arith.constant 112 : index
            %get3A_647 = tpu.vector_load %arg9[%get3A_646] {strides = array<i32>} : memref<272xi32, #tpu.memory_space<vmem>>, vector<16xi32>,
            %eq3A_648 = arith.cmpi eq, %get3A_647, %broadcast_in_dim3A_559 : vector<16xi32>
            %get3A_649 = arith.index_cast %squeeze3A_290 : i32 to index
            %get3A_650 = arith.constant 112 : index
            %get3A_651 = tpu.vector_load %arg6[%get3A_649, %get3A_650] {strides = array<i32>} : memref<256x256xf32, #tpu.memory_space<vmem>>, vector<16xf32>,
            %select_n3A_652 = arith.select %eq3A_648, %broadcast_in_dim3A_6, %get3A_651 : vector<16xi1>, vector<16xf32>
            %gt3A_653 = arith.cmpf ogt, %select_n3A_652, %select_n3A_642 : vector<16xf32>
            %select_n3A_654 = arith.select %gt3A_653, %select_n3A_652, %select_n3A_642 : vector<16xi1>, vector<16xf32>
            %jit3A_655 = arith.constant 7 : i32
            %broadcast_in_dim3A_656 = vector.broadcast %jit3A_655 : i32 to vector<16xi32>
            %select_n3A_657 = arith.select %gt3A_653, %broadcast_in_dim3A_656, %select_n3A_645 : vector<16xi1>, vector<16xi32>
            %get3A_658 = arith.constant 128 : index
            %get3A_659 = tpu.vector_load %arg9[%get3A_658] {strides = array<i32>} : memref<272xi32, #tpu.memory_space<vmem>>, vector<16xi32>,
            %eq3A_660 = arith.cmpi eq, %get3A_659, %broadcast_in_dim3A_559 : vector<16xi32>
            %get3A_661 = arith.index_cast %squeeze3A_290 : i32 to index
            %get3A_662 = arith.constant 128 : index
            %get3A_663 = tpu.vector_load %arg6[%get3A_661, %get3A_662] {strides = array<i32>} : memref<256x256xf32, #tpu.memory_space<vmem>>, vector<16xf32>,
            %select_n3A_664 = arith.select %eq3A_660, %broadcast_in_dim3A_6, %get3A_663 : vector<16xi1>, vector<16xf32>
            %gt3A_665 = arith.cmpf ogt, %select_n3A_664, %select_n3A_654 : vector<16xf32>
            %select_n3A_666 = arith.select %gt3A_665, %select_n3A_664, %select_n3A_654 : vector<16xi1>, vector<16xf32>
            %jit3A_667 = arith.constant 8 : i32
            %broadcast_in_dim3A_668 = vector.broadcast %jit3A_667 : i32 to vector<16xi32>
            %select_n3A_669 = arith.select %gt3A_665, %broadcast_in_dim3A_668, %select_n3A_657 : vector<16xi1>, vector<16xi32>
            %get3A_670 = arith.constant 144 : index
            %get3A_671 = tpu.vector_load %arg9[%get3A_670] {strides = array<i32>} : memref<272xi32, #tpu.memory_space<vmem>>, vector<16xi32>,
            %eq3A_672 = arith.cmpi eq, %get3A_671, %broadcast_in_dim3A_559 : vector<16xi32>
            %get3A_673 = arith.index_cast %squeeze3A_290 : i32 to index
            %get3A_674 = arith.constant 144 : index
            %get3A_675 = tpu.vector_load %arg6[%get3A_673, %get3A_674] {strides = array<i32>} : memref<256x256xf32, #tpu.memory_space<vmem>>, vector<16xf32>,
            %select_n3A_676 = arith.select %eq3A_672, %broadcast_in_dim3A_6, %get3A_675 : vector<16xi1>, vector<16xf32>
            %gt3A_677 = arith.cmpf ogt, %select_n3A_676, %select_n3A_666 : vector<16xf32>
            %select_n3A_678 = arith.select %gt3A_677, %select_n3A_676, %select_n3A_666 : vector<16xi1>, vector<16xf32>
            %jit3A_679 = arith.constant 9 : i32
            %broadcast_in_dim3A_680 = vector.broadcast %jit3A_679 : i32 to vector<16xi32>
            %select_n3A_681 = arith.select %gt3A_677, %broadcast_in_dim3A_680, %select_n3A_669 : vector<16xi1>, vector<16xi32>
            %get3A_682 = arith.constant 160 : index
            %get3A_683 = tpu.vector_load %arg9[%get3A_682] {strides = array<i32>} : memref<272xi32, #tpu.memory_space<vmem>>, vector<16xi32>,
            %eq3A_684 = arith.cmpi eq, %get3A_683, %broadcast_in_dim3A_559 : vector<16xi32>
            %get3A_685 = arith.index_cast %squeeze3A_290 : i32 to index
            %get3A_686 = arith.constant 160 : index
            %get3A_687 = tpu.vector_load %arg6[%get3A_685, %get3A_686] {strides = array<i32>} : memref<256x256xf32, #tpu.memory_space<vmem>>, vector<16xf32>,
            %select_n3A_688 = arith.select %eq3A_684, %broadcast_in_dim3A_6, %get3A_687 : vector<16xi1>, vector<16xf32>
            %gt3A_689 = arith.cmpf ogt, %select_n3A_688, %select_n3A_678 : vector<16xf32>
            %select_n3A_690 = arith.select %gt3A_689, %select_n3A_688, %select_n3A_678 : vector<16xi1>, vector<16xf32>
            %jit3A_691 = arith.constant 10 : i32
            %broadcast_in_dim3A_692 = vector.broadcast %jit3A_691 : i32 to vector<16xi32>
            %select_n3A_693 = arith.select %gt3A_689, %broadcast_in_dim3A_692, %select_n3A_681 : vector<16xi1>, vector<16xi32>
            %get3A_694 = arith.constant 176 : index
            %get3A_695 = tpu.vector_load %arg9[%get3A_694] {strides = array<i32>} : memref<272xi32, #tpu.memory_space<vmem>>, vector<16xi32>,
            %eq3A_696 = arith.cmpi eq, %get3A_695, %broadcast_in_dim3A_559 : vector<16xi32>
            %get3A_697 = arith.index_cast %squeeze3A_290 : i32 to index
            %get3A_698 = arith.constant 176 : index
            %get3A_699 = tpu.vector_load %arg6[%get3A_697, %get3A_698] {strides = array<i32>} : memref<256x256xf32, #tpu.memory_space<vmem>>, vector<16xf32>,
            %select_n3A_700 = arith.select %eq3A_696, %broadcast_in_dim3A_6, %get3A_699 : vector<16xi1>, vector<16xf32>
            %gt3A_701 = arith.cmpf ogt, %select_n3A_700, %select_n3A_690 : vector<16xf32>
            %select_n3A_702 = arith.select %gt3A_701, %select_n3A_700, %select_n3A_690 : vector<16xi1>, vector<16xf32>
            %jit3A_703 = arith.constant 11 : i32
            %broadcast_in_dim3A_704 = vector.broadcast %jit3A_703 : i32 to vector<16xi32>
            %select_n3A_705 = arith.select %gt3A_701, %broadcast_in_dim3A_704, %select_n3A_693 : vector<16xi1>, vector<16xi32>
            %get3A_706 = arith.constant 192 : index
            %get3A_707 = tpu.vector_load %arg9[%get3A_706] {strides = array<i32>} : memref<272xi32, #tpu.memory_space<vmem>>, vector<16xi32>,
            %eq3A_708 = arith.cmpi eq, %get3A_707, %broadcast_in_dim3A_559 : vector<16xi32>
            %get3A_709 = arith.index_cast %squeeze3A_290 : i32 to index
            %get3A_710 = arith.constant 192 : index
            %get3A_711 = tpu.vector_load %arg6[%get3A_709, %get3A_710] {strides = array<i32>} : memref<256x256xf32, #tpu.memory_space<vmem>>, vector<16xf32>,
            %select_n3A_712 = arith.select %eq3A_708, %broadcast_in_dim3A_6, %get3A_711 : vector<16xi1>, vector<16xf32>
            %gt3A_713 = arith.cmpf ogt, %select_n3A_712, %select_n3A_702 : vector<16xf32>
            %select_n3A_714 = arith.select %gt3A_713, %select_n3A_712, %select_n3A_702 : vector<16xi1>, vector<16xf32>
            %jit3A_715 = arith.constant 12 : i32
            %broadcast_in_dim3A_716 = vector.broadcast %jit3A_715 : i32 to vector<16xi32>
            %select_n3A_717 = arith.select %gt3A_713, %broadcast_in_dim3A_716, %select_n3A_705 : vector<16xi1>, vector<16xi32>
            %get3A_718 = arith.constant 208 : index
            %get3A_719 = tpu.vector_load %arg9[%get3A_718] {strides = array<i32>} : memref<272xi32, #tpu.memory_space<vmem>>, vector<16xi32>,
            %eq3A_720 = arith.cmpi eq, %get3A_719, %broadcast_in_dim3A_559 : vector<16xi32>
            %get3A_721 = arith.index_cast %squeeze3A_290 : i32 to index
            %get3A_722 = arith.constant 208 : index
            %get3A_723 = tpu.vector_load %arg6[%get3A_721, %get3A_722] {strides = array<i32>} : memref<256x256xf32, #tpu.memory_space<vmem>>, vector<16xf32>,
            %select_n3A_724 = arith.select %eq3A_720, %broadcast_in_dim3A_6, %get3A_723 : vector<16xi1>, vector<16xf32>
            %gt3A_725 = arith.cmpf ogt, %select_n3A_724, %select_n3A_714 : vector<16xf32>
            %select_n3A_726 = arith.select %gt3A_725, %select_n3A_724, %select_n3A_714 : vector<16xi1>, vector<16xf32>
            %jit3A_727 = arith.constant 13 : i32
            %broadcast_in_dim3A_728 = vector.broadcast %jit3A_727 : i32 to vector<16xi32>
            %select_n3A_729 = arith.select %gt3A_725, %broadcast_in_dim3A_728, %select_n3A_717 : vector<16xi1>, vector<16xi32>
            %get3A_730 = arith.constant 224 : index
            %get3A_731 = tpu.vector_load %arg9[%get3A_730] {strides = array<i32>} : memref<272xi32, #tpu.memory_space<vmem>>, vector<16xi32>,
            %eq3A_732 = arith.cmpi eq, %get3A_731, %broadcast_in_dim3A_559 : vector<16xi32>
            %get3A_733 = arith.index_cast %squeeze3A_290 : i32 to index
            %get3A_734 = arith.constant 224 : index
            %get3A_735 = tpu.vector_load %arg6[%get3A_733, %get3A_734] {strides = array<i32>} : memref<256x256xf32, #tpu.memory_space<vmem>>, vector<16xf32>,
            %select_n3A_736 = arith.select %eq3A_732, %broadcast_in_dim3A_6, %get3A_735 : vector<16xi1>, vector<16xf32>
            %gt3A_737 = arith.cmpf ogt, %select_n3A_736, %select_n3A_726 : vector<16xf32>
            %select_n3A_738 = arith.select %gt3A_737, %select_n3A_736, %select_n3A_726 : vector<16xi1>, vector<16xf32>
            %jit3A_739 = arith.constant 14 : i32
            %broadcast_in_dim3A_740 = vector.broadcast %jit3A_739 : i32 to vector<16xi32>
            %select_n3A_741 = arith.select %gt3A_737, %broadcast_in_dim3A_740, %select_n3A_729 : vector<16xi1>, vector<16xi32>
            %get3A_742 = arith.constant 240 : index
            %get3A_743 = tpu.vector_load %arg9[%get3A_742] {strides = array<i32>} : memref<272xi32, #tpu.memory_space<vmem>>, vector<16xi32>,
            %eq3A_744 = arith.cmpi eq, %get3A_743, %broadcast_in_dim3A_559 : vector<16xi32>
            %get3A_745 = arith.index_cast %squeeze3A_290 : i32 to index
            %get3A_746 = arith.constant 240 : index
            %get3A_747 = tpu.vector_load %arg6[%get3A_745, %get3A_746] {strides = array<i32>} : memref<256x256xf32, #tpu.memory_space<vmem>>, vector<16xf32>,
            %select_n3A_748 = arith.select %eq3A_744, %broadcast_in_dim3A_6, %get3A_747 : vector<16xi1>, vector<16xf32>
            %gt3A_749 = arith.cmpf ogt, %select_n3A_748, %select_n3A_738 : vector<16xf32>
            %select_n3A_750 = arith.select %gt3A_749, %select_n3A_748, %select_n3A_738 : vector<16xi1>, vector<16xf32>
            %jit3A_751 = arith.constant 15 : i32
            %broadcast_in_dim3A_752 = vector.broadcast %jit3A_751 : i32 to vector<16xi32>
            %select_n3A_753 = arith.select %gt3A_749, %broadcast_in_dim3A_752, %select_n3A_741 : vector<16xi1>, vector<16xi32>
            %reduce_max3A_754 = arith.constant true
            %reduce_max3A_755 = vector.broadcast %reduce_max3A_754 : i1 to vector<16xi1>
            %reduce_max3A_756 = tpu.scan <max>, %select_n3A_750 masked %reduce_max3A_755 : vector<16xf32>, vector<16xi1> -> vector<16xf32>
            %reduce_max3A_757 = vector.extract %reduce_max3A_756[15] : f32 from vector<16xf32>
            %eq3A_758 = vector.broadcast %reduce_max3A_757 : f32 to vector<16xf32>
            %eq3A_759 = arith.cmpf oeq, %select_n3A_750, %eq3A_758 : vector<16xf32>
            %mul3A_760 = arith.constant 16 : i32
            %mul3A_761 = vector.broadcast %mul3A_760 : i32 to vector<16xi32>
            %mul3A_762 = arith.muli %select_n3A_753, %mul3A_761 : vector<16xi32>
            %add3A_763 = arith.addi %mul3A_762, %iota3A : vector<16xi32>
            %jit3A_764 = arith.constant 512 : i32
            %broadcast_in_dim3A_765 = vector.broadcast %jit3A_764 : i32 to vector<16xi32>
            %select_n3A_766 = arith.select %eq3A_759, %add3A_763, %broadcast_in_dim3A_765 : vector<16xi1>, vector<16xi32>
            %reduce_min3A_767 = arith.constant true
            %reduce_min3A_768 = vector.broadcast %reduce_min3A_767 : i1 to vector<16xi1>
            %reduce_min3A_769 = arith.constant -2147483648 : i32
            %reduce_min3A_770 = vector.broadcast %reduce_min3A_769 : i32 to vector<16xi32>
            %reduce_min3A_771 = arith.xori %select_n3A_766, %reduce_min3A_770 : vector<16xi32>
            %reduce_min3A_772 = tpu.scan <min>, %reduce_min3A_771 masked %reduce_min3A_768 : vector<16xi32>, vector<16xi1> -> vector<16xi32>
            %reduce_min3A_773 = arith.xori %reduce_min3A_772, %reduce_min3A_770 : vector<16xi32>
            %reduce_min3A_774 = vector.extract %reduce_min3A_773[15] : i32 from vector<16xi32>
            %broadcast_in_dim3A_775 = vector.broadcast %squeeze3A_290 : i32 to vector<16xi32>
            %broadcast_in_dim3A_776 = vector.broadcast %reduce_max3A_757 : f32 to vector<16xf32>
            tpu.vector_store_idx %arg7[%broadcast_in_dim3A_775], %broadcast_in_dim3A_776 masked %eq3A_5 : memref<272xf32, #tpu.memory_space<vmem>>[vector<16xi32>], vector<16xf32>, vector<16xi1>
            %broadcast_in_dim3A_777 = vector.broadcast %reduce_min3A_774 : i32 to vector<16xi32>
            tpu.vector_store_idx %arg8[%broadcast_in_dim3A_775], %broadcast_in_dim3A_777 masked %eq3A_5 : memref<272xi32, #tpu.memory_space<vmem>>[vector<16xi32>], vector<16xi32>, vector<16xi1>
            %shift_right_logical3A_778 = arith.constant 4 : i32
            %shift_right_logical3A_779 = arith.shrui %squeeze3A_290, %shift_right_logical3A_778 : i32
            %mul3A_780 = arith.constant 16 : i32
            %mul3A_781 = arith.muli %shift_right_logical3A_779, %mul3A_780 : i32
            %get3A_782 = arith.index_cast %mul3A_781 : i32 to index
            %get3A_783 = tpu.vector_load %arg7[%get3A_782] {strides = array<i32>} : memref<272xf32, #tpu.memory_space<vmem>>, vector<16xf32>,
            %reduce_max3A_784 = arith.constant true
            %reduce_max3A_785 = vector.broadcast %reduce_max3A_784 : i1 to vector<16xi1>
            %reduce_max3A_786 = tpu.scan <max>, %get3A_783 masked %reduce_max3A_785 : vector<16xf32>, vector<16xi1> -> vector<16xf32>
            %reduce_max3A_787 = vector.extract %reduce_max3A_786[15] : f32 from vector<16xf32>
            %broadcast_in_dim3A_788 = vector.broadcast %shift_right_logical3A_779 : i32 to vector<16xi32>
            %broadcast_in_dim3A_789 = vector.broadcast %reduce_max3A_787 : f32 to vector<16xf32>
            tpu.vector_store_idx %arg11[%broadcast_in_dim3A_788], %broadcast_in_dim3A_789 masked %eq3A_5 : memref<16xf32, #tpu.memory_space<vmem>>[vector<16xi32>], vector<16xf32>, vector<16xi1>
          } else {
          }
        } else {
        }
        %ne3A = arith.constant 2 : i32
        %ne3A_315 = arith.cmpi ne, %add3A_307, %ne3A : i32
        %convert_element_type3A_316 = arith.extui %ne3A_315 : i1 to i32
        %cond3A_317 = arith.constant 0 : i32
        %cond3A_318 = arith.cmpi ne, %convert_element_type3A_316, %cond3A_317 : i32
        scf.if %cond3A_318 {
          %get3A_319 = arith.constant 0 : index
          %get3A_320 = tpu.vector_load %arg9[%get3A_319] {strides = array<i32>} : memref<272xi32, #tpu.memory_space<vmem>>, vector<16xi32>,
          %eq3A_321 = vector.broadcast %squeeze3A_294 : i32 to vector<16xi32>
          %eq3A_322 = arith.cmpi eq, %get3A_320, %eq3A_321 : vector<16xi32>
          %eq3A_323 = vector.broadcast %squeeze3A_298 : i32 to vector<16xi32>
          %eq3A_324 = arith.cmpi eq, %get3A_320, %eq3A_323 : vector<16xi32>
          %or3A = arith.ori %eq3A_322, %eq3A_324 : vector<16xi1>
          %broadcast_in_dim3A_325 = vector.broadcast %squeeze3A_298 : i32 to vector<16xi32>
          %select_n3A = arith.select %eq3A_322, %broadcast_in_dim3A_325, %get3A_320 : vector<16xi1>, vector<16xi32>
          %swap3A_326 = arith.constant 0 : index
          %swap3A_327 = tpu.vector_load %arg9[%swap3A_326] {strides = array<i32>} : memref<272xi32, #tpu.memory_space<vmem>>, vector<16xi32>,
          tpu.vector_store %arg9[%swap3A_326], %select_n3A {strides = array<i32>} : memref<272xi32, #tpu.memory_space<vmem>>, vector<16xi32>,
          %convert_element_type3A_328 = arith.extui %or3A : vector<16xi1> to vector<16xi32>
          %broadcast_in_dim3A_329 = arith.constant true
          %broadcast_in_dim3A_330 = vector.broadcast %broadcast_in_dim3A_329 : i1 to vector<16xi1>
          %masked_cumsum3A = tpu.scan <sum>, %convert_element_type3A_328 masked %broadcast_in_dim3A_330 : vector<16xi32>, vector<16xi1> -> vector<16xi32>
          %add3A_331 = arith.constant 0 : i32
          %add3A_332 = vector.broadcast %add3A_331 : i32 to vector<16xi32>
          %add3A_333 = arith.addi %add3A_332, %masked_cumsum3A : vector<16xi32>
          %sub3A = arith.constant 1 : i32
          %sub3A_334 = vector.broadcast %sub3A : i32 to vector<16xi32>
          %sub3A_335 = arith.subi %add3A_333, %sub3A_334 : vector<16xi32>
          %add3A_336 = arith.constant 0 : i32
          %add3A_337 = vector.broadcast %add3A_336 : i32 to vector<16xi32>
          %add3A_338 = arith.addi %iota3A, %add3A_337 : vector<16xi32>
          tpu.vector_store_idx %arg10[%sub3A_335], %add3A_338 masked %or3A : memref<272xi32, #tpu.memory_space<vmem>>[vector<16xi32>], vector<16xi32>, vector<16xi1>
          %all_reduce_population_count3A = tpu.all_reduce %or3A {dim = 0 : i64, kind = #tpu.reduction_kind<sum>} : vector<16xi1> -> vector<16xi32>
          %slice3A_339 = vector.extract_strided_slice %all_reduce_population_count3A {offsets = [0], sizes = [1], strides = [1]} : vector<16xi32> to vector<1xi32>
          %squeeze3A_340 = vector.extract %slice3A_339[0] : i32 from vector<1xi32>
          %add3A_341 = arith.constant 0 : i32
          %add3A_342 = arith.addi %add3A_341, %squeeze3A_340 : i32
          %get3A_343 = arith.constant 16 : index
          %get3A_344 = tpu.vector_load %arg9[%get3A_343] {strides = array<i32>} : memref<272xi32, #tpu.memory_space<vmem>>, vector<16xi32>,
          %eq3A_345 = vector.broadcast %squeeze3A_294 : i32 to vector<16xi32>
          %eq3A_346 = arith.cmpi eq, %get3A_344, %eq3A_345 : vector<16xi32>
          %eq3A_347 = vector.broadcast %squeeze3A_298 : i32 to vector<16xi32>
          %eq3A_348 = arith.cmpi eq, %get3A_344, %eq3A_347 : vector<16xi32>
          %or3A_349 = arith.ori %eq3A_346, %eq3A_348 : vector<16xi1>
          %broadcast_in_dim3A_350 = vector.broadcast %squeeze3A_298 : i32 to vector<16xi32>
          %select_n3A_351 = arith.select %eq3A_346, %broadcast_in_dim3A_350, %get3A_344 : vector<16xi1>, vector<16xi32>
          %swap3A_352 = arith.constant 16 : index
          %swap3A_353 = tpu.vector_load %arg9[%swap3A_352] {strides = array<i32>} : memref<272xi32, #tpu.memory_space<vmem>>, vector<16xi32>,
          tpu.vector_store %arg9[%swap3A_352], %select_n3A_351 {strides = array<i32>} : memref<272xi32, #tpu.memory_space<vmem>>, vector<16xi32>,
          %convert_element_type3A_354 = arith.extui %or3A_349 : vector<16xi1> to vector<16xi32>
          %broadcast_in_dim3A_355 = arith.constant true
          %broadcast_in_dim3A_356 = vector.broadcast %broadcast_in_dim3A_355 : i1 to vector<16xi1>
          %masked_cumsum3A_357 = tpu.scan <sum>, %convert_element_type3A_354 masked %broadcast_in_dim3A_356 : vector<16xi32>, vector<16xi1> -> vector<16xi32>
          %add3A_358 = vector.broadcast %add3A_342 : i32 to vector<16xi32>
          %add3A_359 = arith.addi %add3A_358, %masked_cumsum3A_357 : vector<16xi32>
          %sub3A_360 = arith.constant 1 : i32
          %sub3A_361 = vector.broadcast %sub3A_360 : i32 to vector<16xi32>
          %sub3A_362 = arith.subi %add3A_359, %sub3A_361 : vector<16xi32>
          %add3A_363 = arith.constant 16 : i32
          %add3A_364 = vector.broadcast %add3A_363 : i32 to vector<16xi32>
          %add3A_365 = arith.addi %iota3A, %add3A_364 : vector<16xi32>
          tpu.vector_store_idx %arg10[%sub3A_362], %add3A_365 masked %or3A_349 : memref<272xi32, #tpu.memory_space<vmem>>[vector<16xi32>], vector<16xi32>, vector<16xi1>
          %all_reduce_population_count3A_366 = tpu.all_reduce %or3A_349 {dim = 0 : i64, kind = #tpu.reduction_kind<sum>} : vector<16xi1> -> vector<16xi32>
          %slice3A_367 = vector.extract_strided_slice %all_reduce_population_count3A_366 {offsets = [0], sizes = [1], strides = [1]} : vector<16xi32> to vector<1xi32>
          %squeeze3A_368 = vector.extract %slice3A_367[0] : i32 from vector<1xi32>
          %add3A_369 = arith.addi %add3A_342, %squeeze3A_368 : i32
          %get3A_370 = arith.constant 32 : index
          %get3A_371 = tpu.vector_load %arg9[%get3A_370] {strides = array<i32>} : memref<272xi32, #tpu.memory_space<vmem>>, vector<16xi32>,
          %eq3A_372 = vector.broadcast %squeeze3A_294 : i32 to vector<16xi32>
          %eq3A_373 = arith.cmpi eq, %get3A_371, %eq3A_372 : vector<16xi32>
          %eq3A_374 = vector.broadcast %squeeze3A_298 : i32 to vector<16xi32>
          %eq3A_375 = arith.cmpi eq, %get3A_371, %eq3A_374 : vector<16xi32>
          %or3A_376 = arith.ori %eq3A_373, %eq3A_375 : vector<16xi1>
          %broadcast_in_dim3A_377 = vector.broadcast %squeeze3A_298 : i32 to vector<16xi32>
          %select_n3A_378 = arith.select %eq3A_373, %broadcast_in_dim3A_377, %get3A_371 : vector<16xi1>, vector<16xi32>
          %swap3A_379 = arith.constant 32 : index
          %swap3A_380 = tpu.vector_load %arg9[%swap3A_379] {strides = array<i32>} : memref<272xi32, #tpu.memory_space<vmem>>, vector<16xi32>,
          tpu.vector_store %arg9[%swap3A_379], %select_n3A_378 {strides = array<i32>} : memref<272xi32, #tpu.memory_space<vmem>>, vector<16xi32>,
          %convert_element_type3A_381 = arith.extui %or3A_376 : vector<16xi1> to vector<16xi32>
          %broadcast_in_dim3A_382 = arith.constant true
          %broadcast_in_dim3A_383 = vector.broadcast %broadcast_in_dim3A_382 : i1 to vector<16xi1>
          %masked_cumsum3A_384 = tpu.scan <sum>, %convert_element_type3A_381 masked %broadcast_in_dim3A_383 : vector<16xi32>, vector<16xi1> -> vector<16xi32>
          %add3A_385 = vector.broadcast %add3A_369 : i32 to vector<16xi32>
          %add3A_386 = arith.addi %add3A_385, %masked_cumsum3A_384 : vector<16xi32>
          %sub3A_387 = arith.constant 1 : i32
          %sub3A_388 = vector.broadcast %sub3A_387 : i32 to vector<16xi32>
          %sub3A_389 = arith.subi %add3A_386, %sub3A_388 : vector<16xi32>
          %add3A_390 = arith.constant 32 : i32
          %add3A_391 = vector.broadcast %add3A_390 : i32 to vector<16xi32>
          %add3A_392 = arith.addi %iota3A, %add3A_391 : vector<16xi32>
          tpu.vector_store_idx %arg10[%sub3A_389], %add3A_392 masked %or3A_376 : memref<272xi32, #tpu.memory_space<vmem>>[vector<16xi32>], vector<16xi32>, vector<16xi1>
          %all_reduce_population_count3A_393 = tpu.all_reduce %or3A_376 {dim = 0 : i64, kind = #tpu.reduction_kind<sum>} : vector<16xi1> -> vector<16xi32>
          %slice3A_394 = vector.extract_strided_slice %all_reduce_population_count3A_393 {offsets = [0], sizes = [1], strides = [1]} : vector<16xi32> to vector<1xi32>
          %squeeze3A_395 = vector.extract %slice3A_394[0] : i32 from vector<1xi32>
          %add3A_396 = arith.addi %add3A_369, %squeeze3A_395 : i32
          %get3A_397 = arith.constant 48 : index
          %get3A_398 = tpu.vector_load %arg9[%get3A_397] {strides = array<i32>} : memref<272xi32, #tpu.memory_space<vmem>>, vector<16xi32>,
          %eq3A_399 = vector.broadcast %squeeze3A_294 : i32 to vector<16xi32>
          %eq3A_400 = arith.cmpi eq, %get3A_398, %eq3A_399 : vector<16xi32>
          %eq3A_401 = vector.broadcast %squeeze3A_298 : i32 to vector<16xi32>
          %eq3A_402 = arith.cmpi eq, %get3A_398, %eq3A_401 : vector<16xi32>
          %or3A_403 = arith.ori %eq3A_400, %eq3A_402 : vector<16xi1>
          %broadcast_in_dim3A_404 = vector.broadcast %squeeze3A_298 : i32 to vector<16xi32>
          %select_n3A_405 = arith.select %eq3A_400, %broadcast_in_dim3A_404, %get3A_398 : vector<16xi1>, vector<16xi32>
          %swap3A_406 = arith.constant 48 : index
          %swap3A_407 = tpu.vector_load %arg9[%swap3A_406] {strides = array<i32>} : memref<272xi32, #tpu.memory_space<vmem>>, vector<16xi32>,
          tpu.vector_store %arg9[%swap3A_406], %select_n3A_405 {strides = array<i32>} : memref<272xi32, #tpu.memory_space<vmem>>, vector<16xi32>,
          %convert_element_type3A_408 = arith.extui %or3A_403 : vector<16xi1> to vector<16xi32>
          %broadcast_in_dim3A_409 = arith.constant true
          %broadcast_in_dim3A_410 = vector.broadcast %broadcast_in_dim3A_409 : i1 to vector<16xi1>
          %masked_cumsum3A_411 = tpu.scan <sum>, %convert_element_type3A_408 masked %broadcast_in_dim3A_410 : vector<16xi32>, vector<16xi1> -> vector<16xi32>
          %add3A_412 = vector.broadcast %add3A_396 : i32 to vector<16xi32>
          %add3A_413 = arith.addi %add3A_412, %masked_cumsum3A_411 : vector<16xi32>
          %sub3A_414 = arith.constant 1 : i32
          %sub3A_415 = vector.broadcast %sub3A_414 : i32 to vector<16xi32>
          %sub3A_416 = arith.subi %add3A_413, %sub3A_415 : vector<16xi32>
          %add3A_417 = arith.constant 48 : i32
          %add3A_418 = vector.broadcast %add3A_417 : i32 to vector<16xi32>
          %add3A_419 = arith.addi %iota3A, %add3A_418 : vector<16xi32>
          tpu.vector_store_idx %arg10[%sub3A_416], %add3A_419 masked %or3A_403 : memref<272xi32, #tpu.memory_space<vmem>>[vector<16xi32>], vector<16xi32>, vector<16xi1>
          %all_reduce_population_count3A_420 = tpu.all_reduce %or3A_403 {dim = 0 : i64, kind = #tpu.reduction_kind<sum>} : vector<16xi1> -> vector<16xi32>
          %slice3A_421 = vector.extract_strided_slice %all_reduce_population_count3A_420 {offsets = [0], sizes = [1], strides = [1]} : vector<16xi32> to vector<1xi32>
          %squeeze3A_422 = vector.extract %slice3A_421[0] : i32 from vector<1xi32>
          %add3A_423 = arith.addi %add3A_396, %squeeze3A_422 : i32
          %get3A_424 = arith.constant 64 : index
          %get3A_425 = tpu.vector_load %arg9[%get3A_424] {strides = array<i32>} : memref<272xi32, #tpu.memory_space<vmem>>, vector<16xi32>,
          %eq3A_426 = vector.broadcast %squeeze3A_294 : i32 to vector<16xi32>
          %eq3A_427 = arith.cmpi eq, %get3A_425, %eq3A_426 : vector<16xi32>
          %eq3A_428 = vector.broadcast %squeeze3A_298 : i32 to vector<16xi32>
          %eq3A_429 = arith.cmpi eq, %get3A_425, %eq3A_428 : vector<16xi32>
          %or3A_430 = arith.ori %eq3A_427, %eq3A_429 : vector<16xi1>
          %broadcast_in_dim3A_431 = vector.broadcast %squeeze3A_298 : i32 to vector<16xi32>
          %select_n3A_432 = arith.select %eq3A_427, %broadcast_in_dim3A_431, %get3A_425 : vector<16xi1>, vector<16xi32>
          %swap3A_433 = arith.constant 64 : index
          %swap3A_434 = tpu.vector_load %arg9[%swap3A_433] {strides = array<i32>} : memref<272xi32, #tpu.memory_space<vmem>>, vector<16xi32>,
          tpu.vector_store %arg9[%swap3A_433], %select_n3A_432 {strides = array<i32>} : memref<272xi32, #tpu.memory_space<vmem>>, vector<16xi32>,
          %convert_element_type3A_435 = arith.extui %or3A_430 : vector<16xi1> to vector<16xi32>
          %broadcast_in_dim3A_436 = arith.constant true
          %broadcast_in_dim3A_437 = vector.broadcast %broadcast_in_dim3A_436 : i1 to vector<16xi1>
          %masked_cumsum3A_438 = tpu.scan <sum>, %convert_element_type3A_435 masked %broadcast_in_dim3A_437 : vector<16xi32>, vector<16xi1> -> vector<16xi32>
          %add3A_439 = vector.broadcast %add3A_423 : i32 to vector<16xi32>
          %add3A_440 = arith.addi %add3A_439, %masked_cumsum3A_438 : vector<16xi32>
          %sub3A_441 = arith.constant 1 : i32
          %sub3A_442 = vector.broadcast %sub3A_441 : i32 to vector<16xi32>
          %sub3A_443 = arith.subi %add3A_440, %sub3A_442 : vector<16xi32>
          %add3A_444 = arith.constant 64 : i32
          %add3A_445 = vector.broadcast %add3A_444 : i32 to vector<16xi32>
          %add3A_446 = arith.addi %iota3A, %add3A_445 : vector<16xi32>
          tpu.vector_store_idx %arg10[%sub3A_443], %add3A_446 masked %or3A_430 : memref<272xi32, #tpu.memory_space<vmem>>[vector<16xi32>], vector<16xi32>, vector<16xi1>
          %all_reduce_population_count3A_447 = tpu.all_reduce %or3A_430 {dim = 0 : i64, kind = #tpu.reduction_kind<sum>} : vector<16xi1> -> vector<16xi32>
          %slice3A_448 = vector.extract_strided_slice %all_reduce_population_count3A_447 {offsets = [0], sizes = [1], strides = [1]} : vector<16xi32> to vector<1xi32>
          %squeeze3A_449 = vector.extract %slice3A_448[0] : i32 from vector<1xi32>
          %add3A_450 = arith.addi %add3A_423, %squeeze3A_449 : i32
          %get3A_451 = arith.constant 80 : index
          %get3A_452 = tpu.vector_load %arg9[%get3A_451] {strides = array<i32>} : memref<272xi32, #tpu.memory_space<vmem>>, vector<16xi32>,
          %eq3A_453 = vector.broadcast %squeeze3A_294 : i32 to vector<16xi32>
          %eq3A_454 = arith.cmpi eq, %get3A_452, %eq3A_453 : vector<16xi32>
          %eq3A_455 = vector.broadcast %squeeze3A_298 : i32 to vector<16xi32>
          %eq3A_456 = arith.cmpi eq, %get3A_452, %eq3A_455 : vector<16xi32>
          %or3A_457 = arith.ori %eq3A_454, %eq3A_456 : vector<16xi1>
          %broadcast_in_dim3A_458 = vector.broadcast %squeeze3A_298 : i32 to vector<16xi32>
          %select_n3A_459 = arith.select %eq3A_454, %broadcast_in_dim3A_458, %get3A_452 : vector<16xi1>, vector<16xi32>
          %swap3A_460 = arith.constant 80 : index
          %swap3A_461 = tpu.vector_load %arg9[%swap3A_460] {strides = array<i32>} : memref<272xi32, #tpu.memory_space<vmem>>, vector<16xi32>,
          tpu.vector_store %arg9[%swap3A_460], %select_n3A_459 {strides = array<i32>} : memref<272xi32, #tpu.memory_space<vmem>>, vector<16xi32>,
          %convert_element_type3A_462 = arith.extui %or3A_457 : vector<16xi1> to vector<16xi32>
          %broadcast_in_dim3A_463 = arith.constant true
          %broadcast_in_dim3A_464 = vector.broadcast %broadcast_in_dim3A_463 : i1 to vector<16xi1>
          %masked_cumsum3A_465 = tpu.scan <sum>, %convert_element_type3A_462 masked %broadcast_in_dim3A_464 : vector<16xi32>, vector<16xi1> -> vector<16xi32>
          %add3A_466 = vector.broadcast %add3A_450 : i32 to vector<16xi32>
          %add3A_467 = arith.addi %add3A_466, %masked_cumsum3A_465 : vector<16xi32>
          %sub3A_468 = arith.constant 1 : i32
          %sub3A_469 = vector.broadcast %sub3A_468 : i32 to vector<16xi32>
          %sub3A_470 = arith.subi %add3A_467, %sub3A_469 : vector<16xi32>
          %add3A_471 = arith.constant 80 : i32
          %add3A_472 = vector.broadcast %add3A_471 : i32 to vector<16xi32>
          %add3A_473 = arith.addi %iota3A, %add3A_472 : vector<16xi32>
          tpu.vector_store_idx %arg10[%sub3A_470], %add3A_473 masked %or3A_457 : memref<272xi32, #tpu.memory_space<vmem>>[vector<16xi32>], vector<16xi32>, vector<16xi1>
          %all_reduce_population_count3A_474 = tpu.all_reduce %or3A_457 {dim = 0 : i64, kind = #tpu.reduction_kind<sum>} : vector<16xi1> -> vector<16xi32>
          %slice3A_475 = vector.extract_strided_slice %all_reduce_population_count3A_474 {offsets = [0], sizes = [1], strides = [1]} : vector<16xi32> to vector<1xi32>
          %squeeze3A_476 = vector.extract %slice3A_475[0] : i32 from vector<1xi32>
          %add3A_477 = arith.addi %add3A_450, %squeeze3A_476 : i32
          %get3A_478 = arith.constant 96 : index
          %get3A_479 = tpu.vector_load %arg9[%get3A_478] {strides = array<i32>} : memref<272xi32, #tpu.memory_space<vmem>>, vector<16xi32>,
          %eq3A_480 = vector.broadcast %squeeze3A_294 : i32 to vector<16xi32>
          %eq3A_481 = arith.cmpi eq, %get3A_479, %eq3A_480 : vector<16xi32>
          %eq3A_482 = vector.broadcast %squeeze3A_298 : i32 to vector<16xi32>
          %eq3A_483 = arith.cmpi eq, %get3A_479, %eq3A_482 : vector<16xi32>
          %or3A_484 = arith.ori %eq3A_481, %eq3A_483 : vector<16xi1>
          %broadcast_in_dim3A_485 = vector.broadcast %squeeze3A_298 : i32 to vector<16xi32>
          %select_n3A_486 = arith.select %eq3A_481, %broadcast_in_dim3A_485, %get3A_479 : vector<16xi1>, vector<16xi32>
          %swap3A_487 = arith.constant 96 : index
          %swap3A_488 = tpu.vector_load %arg9[%swap3A_487] {strides = array<i32>} : memref<272xi32, #tpu.memory_space<vmem>>, vector<16xi32>,
          tpu.vector_store %arg9[%swap3A_487], %select_n3A_486 {strides = array<i32>} : memref<272xi32, #tpu.memory_space<vmem>>, vector<16xi32>,
          %convert_element_type3A_489 = arith.extui %or3A_484 : vector<16xi1> to vector<16xi32>
          %broadcast_in_dim3A_490 = arith.constant true
          %broadcast_in_dim3A_491 = vector.broadcast %broadcast_in_dim3A_490 : i1 to vector<16xi1>
          %masked_cumsum3A_492 = tpu.scan <sum>, %convert_element_type3A_489 masked %broadcast_in_dim3A_491 : vector<16xi32>, vector<16xi1> -> vector<16xi32>
          %add3A_493 = vector.broadcast %add3A_477 : i32 to vector<16xi32>
          %add3A_494 = arith.addi %add3A_493, %masked_cumsum3A_492 : vector<16xi32>
          %sub3A_495 = arith.constant 1 : i32
          %sub3A_496 = vector.broadcast %sub3A_495 : i32 to vector<16xi32>
          %sub3A_497 = arith.subi %add3A_494, %sub3A_496 : vector<16xi32>
          %add3A_498 = arith.constant 96 : i32
          %add3A_499 = vector.broadcast %add3A_498 : i32 to vector<16xi32>
          %add3A_500 = arith.addi %iota3A, %add3A_499 : vector<16xi32>
          tpu.vector_store_idx %arg10[%sub3A_497], %add3A_500 masked %or3A_484 : memref<272xi32, #tpu.memory_space<vmem>>[vector<16xi32>], vector<16xi32>, vector<16xi1>
          %all_reduce_population_count3A_501 = tpu.all_reduce %or3A_484 {dim = 0 : i64, kind = #tpu.reduction_kind<sum>} : vector<16xi1> -> vector<16xi32>
          %slice3A_502 = vector.extract_strided_slice %all_reduce_population_count3A_501 {offsets = [0], sizes = [1], strides = [1]} : vector<16xi32> to vector<1xi32>
          %squeeze3A_503 = vector.extract %slice3A_502[0] : i32 from vector<1xi32>
          %add3A_504 = arith.addi %add3A_477, %squeeze3A_503 : i32
          %get3A_505 = arith.constant 112 : index
          %get3A_506 = tpu.vector_load %arg9[%get3A_505] {strides = array<i32>} : memref<272xi32, #tpu.memory_space<vmem>>, vector<16xi32>,
          %eq3A_507 = vector.broadcast %squeeze3A_294 : i32 to vector<16xi32>
          %eq3A_508 = arith.cmpi eq, %get3A_506, %eq3A_507 : vector<16xi32>
          %eq3A_509 = vector.broadcast %squeeze3A_298 : i32 to vector<16xi32>
          %eq3A_510 = arith.cmpi eq, %get3A_506, %eq3A_509 : vector<16xi32>
          %or3A_511 = arith.ori %eq3A_508, %eq3A_510 : vector<16xi1>
          %broadcast_in_dim3A_512 = vector.broadcast %squeeze3A_298 : i32 to vector<16xi32>
          %select_n3A_513 = arith.select %eq3A_508, %broadcast_in_dim3A_512, %get3A_506 : vector<16xi1>, vector<16xi32>
          %swap3A_514 = arith.constant 112 : index
          %swap3A_515 = tpu.vector_load %arg9[%swap3A_514] {strides = array<i32>} : memref<272xi32, #tpu.memory_space<vmem>>, vector<16xi32>,
          tpu.vector_store %arg9[%swap3A_514], %select_n3A_513 {strides = array<i32>} : memref<272xi32, #tpu.memory_space<vmem>>, vector<16xi32>,
          %convert_element_type3A_516 = arith.extui %or3A_511 : vector<16xi1> to vector<16xi32>
          %broadcast_in_dim3A_517 = arith.constant true
          %broadcast_in_dim3A_518 = vector.broadcast %broadcast_in_dim3A_517 : i1 to vector<16xi1>
          %masked_cumsum3A_519 = tpu.scan <sum>, %convert_element_type3A_516 masked %broadcast_in_dim3A_518 : vector<16xi32>, vector<16xi1> -> vector<16xi32>
          %add3A_520 = vector.broadcast %add3A_504 : i32 to vector<16xi32>
          %add3A_521 = arith.addi %add3A_520, %masked_cumsum3A_519 : vector<16xi32>
          %sub3A_522 = arith.constant 1 : i32
          %sub3A_523 = vector.broadcast %sub3A_522 : i32 to vector<16xi32>
          %sub3A_524 = arith.subi %add3A_521, %sub3A_523 : vector<16xi32>
          %add3A_525 = arith.constant 112 : i32
          %add3A_526 = vector.broadcast %add3A_525 : i32 to vector<16xi32>
          %add3A_527 = arith.addi %iota3A, %add3A_526 : vector<16xi32>
          tpu.vector_store_idx %arg10[%sub3A_524], %add3A_527 masked %or3A_511 : memref<272xi32, #tpu.memory_space<vmem>>[vector<16xi32>], vector<16xi32>, vector<16xi1>
          %all_reduce_population_count3A_528 = tpu.all_reduce %or3A_511 {dim = 0 : i64, kind = #tpu.reduction_kind<sum>} : vector<16xi1> -> vector<16xi32>
          %slice3A_529 = vector.extract_strided_slice %all_reduce_population_count3A_528 {offsets = [0], sizes = [1], strides = [1]} : vector<16xi32> to vector<1xi32>
          %squeeze3A_530 = vector.extract %slice3A_529[0] : i32 from vector<1xi32>
          %add3A_531 = arith.addi %add3A_504, %squeeze3A_530 : i32
          %get3A_532 = arith.constant 128 : index
          %get3A_533 = tpu.vector_load %arg9[%get3A_532] {strides = array<i32>} : memref<272xi32, #tpu.memory_space<vmem>>, vector<16xi32>,
          %eq3A_534 = vector.broadcast %squeeze3A_294 : i32 to vector<16xi32>
          %eq3A_535 = arith.cmpi eq, %get3A_533, %eq3A_534 : vector<16xi32>
          %eq3A_536 = vector.broadcast %squeeze3A_298 : i32 to vector<16xi32>
          %eq3A_537 = arith.cmpi eq, %get3A_533, %eq3A_536 : vector<16xi32>
          %or3A_538 = arith.ori %eq3A_535, %eq3A_537 : vector<16xi1>
          %broadcast_in_dim3A_539 = vector.broadcast %squeeze3A_298 : i32 to vector<16xi32>
          %select_n3A_540 = arith.select %eq3A_535, %broadcast_in_dim3A_539, %get3A_533 : vector<16xi1>, vector<16xi32>
          %swap3A_541 = arith.constant 128 : index
          %swap3A_542 = tpu.vector_load %arg9[%swap3A_541] {strides = array<i32>} : memref<272xi32, #tpu.memory_space<vmem>>, vector<16xi32>,
          tpu.vector_store %arg9[%swap3A_541], %select_n3A_540 {strides = array<i32>} : memref<272xi32, #tpu.memory_space<vmem>>, vector<16xi32>,
          %convert_element_type3A_543 = arith.extui %or3A_538 : vector<16xi1> to vector<16xi32>
          %broadcast_in_dim3A_544 = arith.constant true
          %broadcast_in_dim3A_545 = vector.broadcast %broadcast_in_dim3A_544 : i1 to vector<16xi1>
          %masked_cumsum3A_546 = tpu.scan <sum>, %convert_element_type3A_543 masked %broadcast_in_dim3A_545 : vector<16xi32>, vector<16xi1> -> vector<16xi32>
          %add3A_547 = vector.broadcast %add3A_531 : i32 to vector<16xi32>
          %add3A_548 = arith.addi %add3A_547, %masked_cumsum3A_546 : vector<16xi32>
          %sub3A_549 = arith.constant 1 : i32
          %sub3A_550 = vector.broadcast %sub3A_549 : i32 to vector<16xi32>
          %sub3A_551 = arith.subi %add3A_548, %sub3A_550 : vector<16xi32>
          %add3A_552 = arith.constant 128 : i32
          %add3A_553 = vector.broadcast %add3A_552 : i32 to vector<16xi32>
          %add3A_554 = arith.addi %iota3A, %add3A_553 : vector<16xi32>
          tpu.vector_store_idx %arg10[%sub3A_551], %add3A_554 masked %or3A_538 : memref<272xi32, #tpu.memory_space<vmem>>[vector<16xi32>], vector<16xi32>, vector<16xi1>
          %all_reduce_population_count3A_555 = tpu.all_reduce %or3A_538 {dim = 0 : i64, kind = #tpu.reduction_kind<sum>} : vector<16xi1> -> vector<16xi32>
          %slice3A_556 = vector.extract_strided_slice %all_reduce_population_count3A_555 {offsets = [0], sizes = [1], strides = [1]} : vector<16xi32> to vector<1xi32>
          %squeeze3A_557 = vector.extract %slice3A_556[0] : i32 from vector<1xi32>
          %add3A_558 = arith.addi %add3A_531, %squeeze3A_557 : i32
          %get3A_559 = arith.constant 144 : index
          %get3A_560 = tpu.vector_load %arg9[%get3A_559] {strides = array<i32>} : memref<272xi32, #tpu.memory_space<vmem>>, vector<16xi32>,
          %eq3A_561 = vector.broadcast %squeeze3A_294 : i32 to vector<16xi32>
          %eq3A_562 = arith.cmpi eq, %get3A_560, %eq3A_561 : vector<16xi32>
          %eq3A_563 = vector.broadcast %squeeze3A_298 : i32 to vector<16xi32>
          %eq3A_564 = arith.cmpi eq, %get3A_560, %eq3A_563 : vector<16xi32>
          %or3A_565 = arith.ori %eq3A_562, %eq3A_564 : vector<16xi1>
          %broadcast_in_dim3A_566 = vector.broadcast %squeeze3A_298 : i32 to vector<16xi32>
          %select_n3A_567 = arith.select %eq3A_562, %broadcast_in_dim3A_566, %get3A_560 : vector<16xi1>, vector<16xi32>
          %swap3A_568 = arith.constant 144 : index
          %swap3A_569 = tpu.vector_load %arg9[%swap3A_568] {strides = array<i32>} : memref<272xi32, #tpu.memory_space<vmem>>, vector<16xi32>,
          tpu.vector_store %arg9[%swap3A_568], %select_n3A_567 {strides = array<i32>} : memref<272xi32, #tpu.memory_space<vmem>>, vector<16xi32>,
          %convert_element_type3A_570 = arith.extui %or3A_565 : vector<16xi1> to vector<16xi32>
          %broadcast_in_dim3A_571 = arith.constant true
          %broadcast_in_dim3A_572 = vector.broadcast %broadcast_in_dim3A_571 : i1 to vector<16xi1>
          %masked_cumsum3A_573 = tpu.scan <sum>, %convert_element_type3A_570 masked %broadcast_in_dim3A_572 : vector<16xi32>, vector<16xi1> -> vector<16xi32>
          %add3A_574 = vector.broadcast %add3A_558 : i32 to vector<16xi32>
          %add3A_575 = arith.addi %add3A_574, %masked_cumsum3A_573 : vector<16xi32>
          %sub3A_576 = arith.constant 1 : i32
          %sub3A_577 = vector.broadcast %sub3A_576 : i32 to vector<16xi32>
          %sub3A_578 = arith.subi %add3A_575, %sub3A_577 : vector<16xi32>
          %add3A_579 = arith.constant 144 : i32
          %add3A_580 = vector.broadcast %add3A_579 : i32 to vector<16xi32>
          %add3A_581 = arith.addi %iota3A, %add3A_580 : vector<16xi32>
          tpu.vector_store_idx %arg10[%sub3A_578], %add3A_581 masked %or3A_565 : memref<272xi32, #tpu.memory_space<vmem>>[vector<16xi32>], vector<16xi32>, vector<16xi1>
          %all_reduce_population_count3A_582 = tpu.all_reduce %or3A_565 {dim = 0 : i64, kind = #tpu.reduction_kind<sum>} : vector<16xi1> -> vector<16xi32>
          %slice3A_583 = vector.extract_strided_slice %all_reduce_population_count3A_582 {offsets = [0], sizes = [1], strides = [1]} : vector<16xi32> to vector<1xi32>
          %squeeze3A_584 = vector.extract %slice3A_583[0] : i32 from vector<1xi32>
          %add3A_585 = arith.addi %add3A_558, %squeeze3A_584 : i32
          %get3A_586 = arith.constant 160 : index
          %get3A_587 = tpu.vector_load %arg9[%get3A_586] {strides = array<i32>} : memref<272xi32, #tpu.memory_space<vmem>>, vector<16xi32>,
          %eq3A_588 = vector.broadcast %squeeze3A_294 : i32 to vector<16xi32>
          %eq3A_589 = arith.cmpi eq, %get3A_587, %eq3A_588 : vector<16xi32>
          %eq3A_590 = vector.broadcast %squeeze3A_298 : i32 to vector<16xi32>
          %eq3A_591 = arith.cmpi eq, %get3A_587, %eq3A_590 : vector<16xi32>
          %or3A_592 = arith.ori %eq3A_589, %eq3A_591 : vector<16xi1>
          %broadcast_in_dim3A_593 = vector.broadcast %squeeze3A_298 : i32 to vector<16xi32>
          %select_n3A_594 = arith.select %eq3A_589, %broadcast_in_dim3A_593, %get3A_587 : vector<16xi1>, vector<16xi32>
          %swap3A_595 = arith.constant 160 : index
          %swap3A_596 = tpu.vector_load %arg9[%swap3A_595] {strides = array<i32>} : memref<272xi32, #tpu.memory_space<vmem>>, vector<16xi32>,
          tpu.vector_store %arg9[%swap3A_595], %select_n3A_594 {strides = array<i32>} : memref<272xi32, #tpu.memory_space<vmem>>, vector<16xi32>,
          %convert_element_type3A_597 = arith.extui %or3A_592 : vector<16xi1> to vector<16xi32>
          %broadcast_in_dim3A_598 = arith.constant true
          %broadcast_in_dim3A_599 = vector.broadcast %broadcast_in_dim3A_598 : i1 to vector<16xi1>
          %masked_cumsum3A_600 = tpu.scan <sum>, %convert_element_type3A_597 masked %broadcast_in_dim3A_599 : vector<16xi32>, vector<16xi1> -> vector<16xi32>
          %add3A_601 = vector.broadcast %add3A_585 : i32 to vector<16xi32>
          %add3A_602 = arith.addi %add3A_601, %masked_cumsum3A_600 : vector<16xi32>
          %sub3A_603 = arith.constant 1 : i32
          %sub3A_604 = vector.broadcast %sub3A_603 : i32 to vector<16xi32>
          %sub3A_605 = arith.subi %add3A_602, %sub3A_604 : vector<16xi32>
          %add3A_606 = arith.constant 160 : i32
          %add3A_607 = vector.broadcast %add3A_606 : i32 to vector<16xi32>
          %add3A_608 = arith.addi %iota3A, %add3A_607 : vector<16xi32>
          tpu.vector_store_idx %arg10[%sub3A_605], %add3A_608 masked %or3A_592 : memref<272xi32, #tpu.memory_space<vmem>>[vector<16xi32>], vector<16xi32>, vector<16xi1>
          %all_reduce_population_count3A_609 = tpu.all_reduce %or3A_592 {dim = 0 : i64, kind = #tpu.reduction_kind<sum>} : vector<16xi1> -> vector<16xi32>
          %slice3A_610 = vector.extract_strided_slice %all_reduce_population_count3A_609 {offsets = [0], sizes = [1], strides = [1]} : vector<16xi32> to vector<1xi32>
          %squeeze3A_611 = vector.extract %slice3A_610[0] : i32 from vector<1xi32>
          %add3A_612 = arith.addi %add3A_585, %squeeze3A_611 : i32
          %get3A_613 = arith.constant 176 : index
          %get3A_614 = tpu.vector_load %arg9[%get3A_613] {strides = array<i32>} : memref<272xi32, #tpu.memory_space<vmem>>, vector<16xi32>,
          %eq3A_615 = vector.broadcast %squeeze3A_294 : i32 to vector<16xi32>
          %eq3A_616 = arith.cmpi eq, %get3A_614, %eq3A_615 : vector<16xi32>
          %eq3A_617 = vector.broadcast %squeeze3A_298 : i32 to vector<16xi32>
          %eq3A_618 = arith.cmpi eq, %get3A_614, %eq3A_617 : vector<16xi32>
          %or3A_619 = arith.ori %eq3A_616, %eq3A_618 : vector<16xi1>
          %broadcast_in_dim3A_620 = vector.broadcast %squeeze3A_298 : i32 to vector<16xi32>
          %select_n3A_621 = arith.select %eq3A_616, %broadcast_in_dim3A_620, %get3A_614 : vector<16xi1>, vector<16xi32>
          %swap3A_622 = arith.constant 176 : index
          %swap3A_623 = tpu.vector_load %arg9[%swap3A_622] {strides = array<i32>} : memref<272xi32, #tpu.memory_space<vmem>>, vector<16xi32>,
          tpu.vector_store %arg9[%swap3A_622], %select_n3A_621 {strides = array<i32>} : memref<272xi32, #tpu.memory_space<vmem>>, vector<16xi32>,
          %convert_element_type3A_624 = arith.extui %or3A_619 : vector<16xi1> to vector<16xi32>
          %broadcast_in_dim3A_625 = arith.constant true
          %broadcast_in_dim3A_626 = vector.broadcast %broadcast_in_dim3A_625 : i1 to vector<16xi1>
          %masked_cumsum3A_627 = tpu.scan <sum>, %convert_element_type3A_624 masked %broadcast_in_dim3A_626 : vector<16xi32>, vector<16xi1> -> vector<16xi32>
          %add3A_628 = vector.broadcast %add3A_612 : i32 to vector<16xi32>
          %add3A_629 = arith.addi %add3A_628, %masked_cumsum3A_627 : vector<16xi32>
          %sub3A_630 = arith.constant 1 : i32
          %sub3A_631 = vector.broadcast %sub3A_630 : i32 to vector<16xi32>
          %sub3A_632 = arith.subi %add3A_629, %sub3A_631 : vector<16xi32>
          %add3A_633 = arith.constant 176 : i32
          %add3A_634 = vector.broadcast %add3A_633 : i32 to vector<16xi32>
          %add3A_635 = arith.addi %iota3A, %add3A_634 : vector<16xi32>
          tpu.vector_store_idx %arg10[%sub3A_632], %add3A_635 masked %or3A_619 : memref<272xi32, #tpu.memory_space<vmem>>[vector<16xi32>], vector<16xi32>, vector<16xi1>
          %all_reduce_population_count3A_636 = tpu.all_reduce %or3A_619 {dim = 0 : i64, kind = #tpu.reduction_kind<sum>} : vector<16xi1> -> vector<16xi32>
          %slice3A_637 = vector.extract_strided_slice %all_reduce_population_count3A_636 {offsets = [0], sizes = [1], strides = [1]} : vector<16xi32> to vector<1xi32>
          %squeeze3A_638 = vector.extract %slice3A_637[0] : i32 from vector<1xi32>
          %add3A_639 = arith.addi %add3A_612, %squeeze3A_638 : i32
          %get3A_640 = arith.constant 192 : index
          %get3A_641 = tpu.vector_load %arg9[%get3A_640] {strides = array<i32>} : memref<272xi32, #tpu.memory_space<vmem>>, vector<16xi32>,
          %eq3A_642 = vector.broadcast %squeeze3A_294 : i32 to vector<16xi32>
          %eq3A_643 = arith.cmpi eq, %get3A_641, %eq3A_642 : vector<16xi32>
          %eq3A_644 = vector.broadcast %squeeze3A_298 : i32 to vector<16xi32>
          %eq3A_645 = arith.cmpi eq, %get3A_641, %eq3A_644 : vector<16xi32>
          %or3A_646 = arith.ori %eq3A_643, %eq3A_645 : vector<16xi1>
          %broadcast_in_dim3A_647 = vector.broadcast %squeeze3A_298 : i32 to vector<16xi32>
          %select_n3A_648 = arith.select %eq3A_643, %broadcast_in_dim3A_647, %get3A_641 : vector<16xi1>, vector<16xi32>
          %swap3A_649 = arith.constant 192 : index
          %swap3A_650 = tpu.vector_load %arg9[%swap3A_649] {strides = array<i32>} : memref<272xi32, #tpu.memory_space<vmem>>, vector<16xi32>,
          tpu.vector_store %arg9[%swap3A_649], %select_n3A_648 {strides = array<i32>} : memref<272xi32, #tpu.memory_space<vmem>>, vector<16xi32>,
          %convert_element_type3A_651 = arith.extui %or3A_646 : vector<16xi1> to vector<16xi32>
          %broadcast_in_dim3A_652 = arith.constant true
          %broadcast_in_dim3A_653 = vector.broadcast %broadcast_in_dim3A_652 : i1 to vector<16xi1>
          %masked_cumsum3A_654 = tpu.scan <sum>, %convert_element_type3A_651 masked %broadcast_in_dim3A_653 : vector<16xi32>, vector<16xi1> -> vector<16xi32>
          %add3A_655 = vector.broadcast %add3A_639 : i32 to vector<16xi32>
          %add3A_656 = arith.addi %add3A_655, %masked_cumsum3A_654 : vector<16xi32>
          %sub3A_657 = arith.constant 1 : i32
          %sub3A_658 = vector.broadcast %sub3A_657 : i32 to vector<16xi32>
          %sub3A_659 = arith.subi %add3A_656, %sub3A_658 : vector<16xi32>
          %add3A_660 = arith.constant 192 : i32
          %add3A_661 = vector.broadcast %add3A_660 : i32 to vector<16xi32>
          %add3A_662 = arith.addi %iota3A, %add3A_661 : vector<16xi32>
          tpu.vector_store_idx %arg10[%sub3A_659], %add3A_662 masked %or3A_646 : memref<272xi32, #tpu.memory_space<vmem>>[vector<16xi32>], vector<16xi32>, vector<16xi1>
          %all_reduce_population_count3A_663 = tpu.all_reduce %or3A_646 {dim = 0 : i64, kind = #tpu.reduction_kind<sum>} : vector<16xi1> -> vector<16xi32>
          %slice3A_664 = vector.extract_strided_slice %all_reduce_population_count3A_663 {offsets = [0], sizes = [1], strides = [1]} : vector<16xi32> to vector<1xi32>
          %squeeze3A_665 = vector.extract %slice3A_664[0] : i32 from vector<1xi32>
          %add3A_666 = arith.addi %add3A_639, %squeeze3A_665 : i32
          %get3A_667 = arith.constant 208 : index
          %get3A_668 = tpu.vector_load %arg9[%get3A_667] {strides = array<i32>} : memref<272xi32, #tpu.memory_space<vmem>>, vector<16xi32>,
          %eq3A_669 = vector.broadcast %squeeze3A_294 : i32 to vector<16xi32>
          %eq3A_670 = arith.cmpi eq, %get3A_668, %eq3A_669 : vector<16xi32>
          %eq3A_671 = vector.broadcast %squeeze3A_298 : i32 to vector<16xi32>
          %eq3A_672 = arith.cmpi eq, %get3A_668, %eq3A_671 : vector<16xi32>
          %or3A_673 = arith.ori %eq3A_670, %eq3A_672 : vector<16xi1>
          %broadcast_in_dim3A_674 = vector.broadcast %squeeze3A_298 : i32 to vector<16xi32>
          %select_n3A_675 = arith.select %eq3A_670, %broadcast_in_dim3A_674, %get3A_668 : vector<16xi1>, vector<16xi32>
          %swap3A_676 = arith.constant 208 : index
          %swap3A_677 = tpu.vector_load %arg9[%swap3A_676] {strides = array<i32>} : memref<272xi32, #tpu.memory_space<vmem>>, vector<16xi32>,
          tpu.vector_store %arg9[%swap3A_676], %select_n3A_675 {strides = array<i32>} : memref<272xi32, #tpu.memory_space<vmem>>, vector<16xi32>,
          %convert_element_type3A_678 = arith.extui %or3A_673 : vector<16xi1> to vector<16xi32>
          %broadcast_in_dim3A_679 = arith.constant true
          %broadcast_in_dim3A_680 = vector.broadcast %broadcast_in_dim3A_679 : i1 to vector<16xi1>
          %masked_cumsum3A_681 = tpu.scan <sum>, %convert_element_type3A_678 masked %broadcast_in_dim3A_680 : vector<16xi32>, vector<16xi1> -> vector<16xi32>
          %add3A_682 = vector.broadcast %add3A_666 : i32 to vector<16xi32>
          %add3A_683 = arith.addi %add3A_682, %masked_cumsum3A_681 : vector<16xi32>
          %sub3A_684 = arith.constant 1 : i32
          %sub3A_685 = vector.broadcast %sub3A_684 : i32 to vector<16xi32>
          %sub3A_686 = arith.subi %add3A_683, %sub3A_685 : vector<16xi32>
          %add3A_687 = arith.constant 208 : i32
          %add3A_688 = vector.broadcast %add3A_687 : i32 to vector<16xi32>
          %add3A_689 = arith.addi %iota3A, %add3A_688 : vector<16xi32>
          tpu.vector_store_idx %arg10[%sub3A_686], %add3A_689 masked %or3A_673 : memref<272xi32, #tpu.memory_space<vmem>>[vector<16xi32>], vector<16xi32>, vector<16xi1>
          %all_reduce_population_count3A_690 = tpu.all_reduce %or3A_673 {dim = 0 : i64, kind = #tpu.reduction_kind<sum>} : vector<16xi1> -> vector<16xi32>
          %slice3A_691 = vector.extract_strided_slice %all_reduce_population_count3A_690 {offsets = [0], sizes = [1], strides = [1]} : vector<16xi32> to vector<1xi32>
          %squeeze3A_692 = vector.extract %slice3A_691[0] : i32 from vector<1xi32>
          %add3A_693 = arith.addi %add3A_666, %squeeze3A_692 : i32
          %get3A_694 = arith.constant 224 : index
          %get3A_695 = tpu.vector_load %arg9[%get3A_694] {strides = array<i32>} : memref<272xi32, #tpu.memory_space<vmem>>, vector<16xi32>,
          %eq3A_696 = vector.broadcast %squeeze3A_294 : i32 to vector<16xi32>
          %eq3A_697 = arith.cmpi eq, %get3A_695, %eq3A_696 : vector<16xi32>
          %eq3A_698 = vector.broadcast %squeeze3A_298 : i32 to vector<16xi32>
          %eq3A_699 = arith.cmpi eq, %get3A_695, %eq3A_698 : vector<16xi32>
          %or3A_700 = arith.ori %eq3A_697, %eq3A_699 : vector<16xi1>
          %broadcast_in_dim3A_701 = vector.broadcast %squeeze3A_298 : i32 to vector<16xi32>
          %select_n3A_702 = arith.select %eq3A_697, %broadcast_in_dim3A_701, %get3A_695 : vector<16xi1>, vector<16xi32>
          %swap3A_703 = arith.constant 224 : index
          %swap3A_704 = tpu.vector_load %arg9[%swap3A_703] {strides = array<i32>} : memref<272xi32, #tpu.memory_space<vmem>>, vector<16xi32>,
          tpu.vector_store %arg9[%swap3A_703], %select_n3A_702 {strides = array<i32>} : memref<272xi32, #tpu.memory_space<vmem>>, vector<16xi32>,
          %convert_element_type3A_705 = arith.extui %or3A_700 : vector<16xi1> to vector<16xi32>
          %broadcast_in_dim3A_706 = arith.constant true
          %broadcast_in_dim3A_707 = vector.broadcast %broadcast_in_dim3A_706 : i1 to vector<16xi1>
          %masked_cumsum3A_708 = tpu.scan <sum>, %convert_element_type3A_705 masked %broadcast_in_dim3A_707 : vector<16xi32>, vector<16xi1> -> vector<16xi32>
          %add3A_709 = vector.broadcast %add3A_693 : i32 to vector<16xi32>
          %add3A_710 = arith.addi %add3A_709, %masked_cumsum3A_708 : vector<16xi32>
          %sub3A_711 = arith.constant 1 : i32
          %sub3A_712 = vector.broadcast %sub3A_711 : i32 to vector<16xi32>
          %sub3A_713 = arith.subi %add3A_710, %sub3A_712 : vector<16xi32>
          %add3A_714 = arith.constant 224 : i32
          %add3A_715 = vector.broadcast %add3A_714 : i32 to vector<16xi32>
          %add3A_716 = arith.addi %iota3A, %add3A_715 : vector<16xi32>
          tpu.vector_store_idx %arg10[%sub3A_713], %add3A_716 masked %or3A_700 : memref<272xi32, #tpu.memory_space<vmem>>[vector<16xi32>], vector<16xi32>, vector<16xi1>
          %all_reduce_population_count3A_717 = tpu.all_reduce %or3A_700 {dim = 0 : i64, kind = #tpu.reduction_kind<sum>} : vector<16xi1> -> vector<16xi32>
          %slice3A_718 = vector.extract_strided_slice %all_reduce_population_count3A_717 {offsets = [0], sizes = [1], strides = [1]} : vector<16xi32> to vector<1xi32>
          %squeeze3A_719 = vector.extract %slice3A_718[0] : i32 from vector<1xi32>
          %add3A_720 = arith.addi %add3A_693, %squeeze3A_719 : i32
          %get3A_721 = arith.constant 240 : index
          %get3A_722 = tpu.vector_load %arg9[%get3A_721] {strides = array<i32>} : memref<272xi32, #tpu.memory_space<vmem>>, vector<16xi32>,
          %eq3A_723 = vector.broadcast %squeeze3A_294 : i32 to vector<16xi32>
          %eq3A_724 = arith.cmpi eq, %get3A_722, %eq3A_723 : vector<16xi32>
          %eq3A_725 = vector.broadcast %squeeze3A_298 : i32 to vector<16xi32>
          %eq3A_726 = arith.cmpi eq, %get3A_722, %eq3A_725 : vector<16xi32>
          %or3A_727 = arith.ori %eq3A_724, %eq3A_726 : vector<16xi1>
          %broadcast_in_dim3A_728 = vector.broadcast %squeeze3A_298 : i32 to vector<16xi32>
          %select_n3A_729 = arith.select %eq3A_724, %broadcast_in_dim3A_728, %get3A_722 : vector<16xi1>, vector<16xi32>
          %swap3A_730 = arith.constant 240 : index
          %swap3A_731 = tpu.vector_load %arg9[%swap3A_730] {strides = array<i32>} : memref<272xi32, #tpu.memory_space<vmem>>, vector<16xi32>,
          tpu.vector_store %arg9[%swap3A_730], %select_n3A_729 {strides = array<i32>} : memref<272xi32, #tpu.memory_space<vmem>>, vector<16xi32>,
          %convert_element_type3A_732 = arith.extui %or3A_727 : vector<16xi1> to vector<16xi32>
          %broadcast_in_dim3A_733 = arith.constant true
          %broadcast_in_dim3A_734 = vector.broadcast %broadcast_in_dim3A_733 : i1 to vector<16xi1>
          %masked_cumsum3A_735 = tpu.scan <sum>, %convert_element_type3A_732 masked %broadcast_in_dim3A_734 : vector<16xi32>, vector<16xi1> -> vector<16xi32>
          %add3A_736 = vector.broadcast %add3A_720 : i32 to vector<16xi32>
          %add3A_737 = arith.addi %add3A_736, %masked_cumsum3A_735 : vector<16xi32>
          %sub3A_738 = arith.constant 1 : i32
          %sub3A_739 = vector.broadcast %sub3A_738 : i32 to vector<16xi32>
          %sub3A_740 = arith.subi %add3A_737, %sub3A_739 : vector<16xi32>
          %add3A_741 = arith.constant 240 : i32
          %add3A_742 = vector.broadcast %add3A_741 : i32 to vector<16xi32>
          %add3A_743 = arith.addi %iota3A, %add3A_742 : vector<16xi32>
          tpu.vector_store_idx %arg10[%sub3A_740], %add3A_743 masked %or3A_727 : memref<272xi32, #tpu.memory_space<vmem>>[vector<16xi32>], vector<16xi32>, vector<16xi1>
          %all_reduce_population_count3A_744 = tpu.all_reduce %or3A_727 {dim = 0 : i64, kind = #tpu.reduction_kind<sum>} : vector<16xi1> -> vector<16xi32>
          %slice3A_745 = vector.extract_strided_slice %all_reduce_population_count3A_744 {offsets = [0], sizes = [1], strides = [1]} : vector<16xi32> to vector<1xi32>
          %squeeze3A_746 = vector.extract %slice3A_745[0] : i32 from vector<1xi32>
          %add3A_747 = arith.addi %add3A_720, %squeeze3A_746 : i32
          %while3A = arith.constant 0 : i32
          %while3A_748 = arith.constant 0 : i32
          %while3A_749 = arith.subi %add3A_747, %while3A : i32
          %while3A_750 = arith.addi %while3A, %while3A_749 : i32
          %while3A_751 = arith.constant 1 : i32
          %while3A_752 = arith.divsi %while3A_749, %while3A_751 : i32
          %while3A_753 = arith.muli %while3A_752, %while3A_751 : i32
          %while3A_754 = arith.addi %while3A, %while3A_753 : i32
          %while3A_755 = arith.constant 1 : i32
          %while3A_756 = scf.for %while3A_759 = %while3A to %while3A_754 step %while3A_755 iter_args(%while3A_760 = %while3A_748) -> (i32)  : i32 {
            %get3A_761 = arith.index_cast %while3A_759 : i32 to index
            %get3A_762 = tpu.vector_load %arg10[%get3A_761] {strides = array<i32>} : memref<272xi32, #tpu.memory_space<vmem>>, vector<16xi32>,
            %slice3A_763 = vector.extract_strided_slice %get3A_762 {offsets = [0], sizes = [1], strides = [1]} : vector<16xi32> to vector<1xi32>
            %squeeze3A_764 = vector.extract %slice3A_763[0] : i32 from vector<1xi32>
            %get3A_765 = arith.index_cast %squeeze3A_764 : i32 to index
            %get3A_766 = tpu.vector_load %arg8[%get3A_765] {strides = array<i32>} : memref<272xi32, #tpu.memory_space<vmem>>, vector<16xi32>,
            %slice3A_767 = vector.extract_strided_slice %get3A_766 {offsets = [0], sizes = [1], strides = [1]} : vector<16xi32> to vector<1xi32>
            %squeeze3A_768 = vector.extract %slice3A_767[0] : i32 from vector<1xi32>
            %get3A_769 = arith.index_cast %squeeze3A_768 : i32 to index
            %get3A_770 = tpu.vector_load %arg9[%get3A_769] {strides = array<i32>} : memref<272xi32, #tpu.memory_space<vmem>>, vector<16xi32>,
            %slice3A_771 = vector.extract_strided_slice %get3A_770 {offsets = [0], sizes = [1], strides = [1]} : vector<16xi32> to vector<1xi32>
            %squeeze3A_772 = vector.extract %slice3A_771[0] : i32 from vector<1xi32>
            %eq3A_773 = arith.cmpi eq, %squeeze3A_772, %squeeze3A_298 : i32
            %convert_element_type3A_774 = arith.extui %eq3A_773 : i1 to i32
            %cond3A_775 = arith.constant 0 : i32
            %cond3A_776 = arith.cmpi ne, %convert_element_type3A_774, %cond3A_775 : i32
            scf.if %cond3A_776 {
              %broadcast_in_dim3A_778 = vector.broadcast %squeeze3A_298 : i32 to vector<16xi32>
              %broadcast_in_dim3A_779 = arith.constant 0 : i32
              %broadcast_in_dim3A_780 = vector.broadcast %broadcast_in_dim3A_779 : i32 to vector<16xi32>
              %get3A_781 = arith.constant 0 : index
              %get3A_782 = tpu.vector_load %arg9[%get3A_781] {strides = array<i32>} : memref<272xi32, #tpu.memory_space<vmem>>, vector<16xi32>,
              %eq3A_783 = arith.cmpi eq, %get3A_782, %broadcast_in_dim3A_778 : vector<16xi32>
              %get3A_784 = arith.index_cast %squeeze3A_764 : i32 to index
              %get3A_785 = arith.constant 0 : index
              %get3A_786 = tpu.vector_load %arg6[%get3A_784, %get3A_785] {strides = array<i32>} : memref<256x256xf32, #tpu.memory_space<vmem>>, vector<16xf32>,
              %select_n3A_787 = arith.select %eq3A_783, %broadcast_in_dim3A_6, %get3A_786 : vector<16xi1>, vector<16xf32>
              %gt3A = arith.cmpf ogt, %select_n3A_787, %broadcast_in_dim3A_6 : vector<16xf32>
              %select_n3A_788 = arith.select %gt3A, %select_n3A_787, %broadcast_in_dim3A_6 : vector<16xi1>, vector<16xf32>
              %jit3A = arith.constant 0 : i32
              %broadcast_in_dim3A_789 = vector.broadcast %jit3A : i32 to vector<16xi32>
              %select_n3A_790 = arith.select %gt3A, %broadcast_in_dim3A_789, %broadcast_in_dim3A_780 : vector<16xi1>, vector<16xi32>
              %get3A_791 = arith.constant 16 : index
              %get3A_792 = tpu.vector_load %arg9[%get3A_791] {strides = array<i32>} : memref<272xi32, #tpu.memory_space<vmem>>, vector<16xi32>,
              %eq3A_793 = arith.cmpi eq, %get3A_792, %broadcast_in_dim3A_778 : vector<16xi32>
              %get3A_794 = arith.index_cast %squeeze3A_764 : i32 to index
              %get3A_795 = arith.constant 16 : index
              %get3A_796 = tpu.vector_load %arg6[%get3A_794, %get3A_795] {strides = array<i32>} : memref<256x256xf32, #tpu.memory_space<vmem>>, vector<16xf32>,
              %select_n3A_797 = arith.select %eq3A_793, %broadcast_in_dim3A_6, %get3A_796 : vector<16xi1>, vector<16xf32>
              %gt3A_798 = arith.cmpf ogt, %select_n3A_797, %select_n3A_788 : vector<16xf32>
              %select_n3A_799 = arith.select %gt3A_798, %select_n3A_797, %select_n3A_788 : vector<16xi1>, vector<16xf32>
              %jit3A_800 = arith.constant 1 : i32
              %broadcast_in_dim3A_801 = vector.broadcast %jit3A_800 : i32 to vector<16xi32>
              %select_n3A_802 = arith.select %gt3A_798, %broadcast_in_dim3A_801, %select_n3A_790 : vector<16xi1>, vector<16xi32>
              %get3A_803 = arith.constant 32 : index
              %get3A_804 = tpu.vector_load %arg9[%get3A_803] {strides = array<i32>} : memref<272xi32, #tpu.memory_space<vmem>>, vector<16xi32>,
              %eq3A_805 = arith.cmpi eq, %get3A_804, %broadcast_in_dim3A_778 : vector<16xi32>
              %get3A_806 = arith.index_cast %squeeze3A_764 : i32 to index
              %get3A_807 = arith.constant 32 : index
              %get3A_808 = tpu.vector_load %arg6[%get3A_806, %get3A_807] {strides = array<i32>} : memref<256x256xf32, #tpu.memory_space<vmem>>, vector<16xf32>,
              %select_n3A_809 = arith.select %eq3A_805, %broadcast_in_dim3A_6, %get3A_808 : vector<16xi1>, vector<16xf32>
              %gt3A_810 = arith.cmpf ogt, %select_n3A_809, %select_n3A_799 : vector<16xf32>
              %select_n3A_811 = arith.select %gt3A_810, %select_n3A_809, %select_n3A_799 : vector<16xi1>, vector<16xf32>
              %jit3A_812 = arith.constant 2 : i32
              %broadcast_in_dim3A_813 = vector.broadcast %jit3A_812 : i32 to vector<16xi32>
              %select_n3A_814 = arith.select %gt3A_810, %broadcast_in_dim3A_813, %select_n3A_802 : vector<16xi1>, vector<16xi32>
              %get3A_815 = arith.constant 48 : index
              %get3A_816 = tpu.vector_load %arg9[%get3A_815] {strides = array<i32>} : memref<272xi32, #tpu.memory_space<vmem>>, vector<16xi32>,
              %eq3A_817 = arith.cmpi eq, %get3A_816, %broadcast_in_dim3A_778 : vector<16xi32>
              %get3A_818 = arith.index_cast %squeeze3A_764 : i32 to index
              %get3A_819 = arith.constant 48 : index
              %get3A_820 = tpu.vector_load %arg6[%get3A_818, %get3A_819] {strides = array<i32>} : memref<256x256xf32, #tpu.memory_space<vmem>>, vector<16xf32>,
              %select_n3A_821 = arith.select %eq3A_817, %broadcast_in_dim3A_6, %get3A_820 : vector<16xi1>, vector<16xf32>
              %gt3A_822 = arith.cmpf ogt, %select_n3A_821, %select_n3A_811 : vector<16xf32>
              %select_n3A_823 = arith.select %gt3A_822, %select_n3A_821, %select_n3A_811 : vector<16xi1>, vector<16xf32>
              %jit3A_824 = arith.constant 3 : i32
              %broadcast_in_dim3A_825 = vector.broadcast %jit3A_824 : i32 to vector<16xi32>
              %select_n3A_826 = arith.select %gt3A_822, %broadcast_in_dim3A_825, %select_n3A_814 : vector<16xi1>, vector<16xi32>
              %get3A_827 = arith.constant 64 : index
              %get3A_828 = tpu.vector_load %arg9[%get3A_827] {strides = array<i32>} : memref<272xi32, #tpu.memory_space<vmem>>, vector<16xi32>,
              %eq3A_829 = arith.cmpi eq, %get3A_828, %broadcast_in_dim3A_778 : vector<16xi32>
              %get3A_830 = arith.index_cast %squeeze3A_764 : i32 to index
              %get3A_831 = arith.constant 64 : index
              %get3A_832 = tpu.vector_load %arg6[%get3A_830, %get3A_831] {strides = array<i32>} : memref<256x256xf32, #tpu.memory_space<vmem>>, vector<16xf32>,
              %select_n3A_833 = arith.select %eq3A_829, %broadcast_in_dim3A_6, %get3A_832 : vector<16xi1>, vector<16xf32>
              %gt3A_834 = arith.cmpf ogt, %select_n3A_833, %select_n3A_823 : vector<16xf32>
              %select_n3A_835 = arith.select %gt3A_834, %select_n3A_833, %select_n3A_823 : vector<16xi1>, vector<16xf32>
              %jit3A_836 = arith.constant 4 : i32
              %broadcast_in_dim3A_837 = vector.broadcast %jit3A_836 : i32 to vector<16xi32>
              %select_n3A_838 = arith.select %gt3A_834, %broadcast_in_dim3A_837, %select_n3A_826 : vector<16xi1>, vector<16xi32>
              %get3A_839 = arith.constant 80 : index
              %get3A_840 = tpu.vector_load %arg9[%get3A_839] {strides = array<i32>} : memref<272xi32, #tpu.memory_space<vmem>>, vector<16xi32>,
              %eq3A_841 = arith.cmpi eq, %get3A_840, %broadcast_in_dim3A_778 : vector<16xi32>
              %get3A_842 = arith.index_cast %squeeze3A_764 : i32 to index
              %get3A_843 = arith.constant 80 : index
              %get3A_844 = tpu.vector_load %arg6[%get3A_842, %get3A_843] {strides = array<i32>} : memref<256x256xf32, #tpu.memory_space<vmem>>, vector<16xf32>,
              %select_n3A_845 = arith.select %eq3A_841, %broadcast_in_dim3A_6, %get3A_844 : vector<16xi1>, vector<16xf32>
              %gt3A_846 = arith.cmpf ogt, %select_n3A_845, %select_n3A_835 : vector<16xf32>
              %select_n3A_847 = arith.select %gt3A_846, %select_n3A_845, %select_n3A_835 : vector<16xi1>, vector<16xf32>
              %jit3A_848 = arith.constant 5 : i32
              %broadcast_in_dim3A_849 = vector.broadcast %jit3A_848 : i32 to vector<16xi32>
              %select_n3A_850 = arith.select %gt3A_846, %broadcast_in_dim3A_849, %select_n3A_838 : vector<16xi1>, vector<16xi32>
              %get3A_851 = arith.constant 96 : index
              %get3A_852 = tpu.vector_load %arg9[%get3A_851] {strides = array<i32>} : memref<272xi32, #tpu.memory_space<vmem>>, vector<16xi32>,
              %eq3A_853 = arith.cmpi eq, %get3A_852, %broadcast_in_dim3A_778 : vector<16xi32>
              %get3A_854 = arith.index_cast %squeeze3A_764 : i32 to index
              %get3A_855 = arith.constant 96 : index
              %get3A_856 = tpu.vector_load %arg6[%get3A_854, %get3A_855] {strides = array<i32>} : memref<256x256xf32, #tpu.memory_space<vmem>>, vector<16xf32>,
              %select_n3A_857 = arith.select %eq3A_853, %broadcast_in_dim3A_6, %get3A_856 : vector<16xi1>, vector<16xf32>
              %gt3A_858 = arith.cmpf ogt, %select_n3A_857, %select_n3A_847 : vector<16xf32>
              %select_n3A_859 = arith.select %gt3A_858, %select_n3A_857, %select_n3A_847 : vector<16xi1>, vector<16xf32>
              %jit3A_860 = arith.constant 6 : i32
              %broadcast_in_dim3A_861 = vector.broadcast %jit3A_860 : i32 to vector<16xi32>
              %select_n3A_862 = arith.select %gt3A_858, %broadcast_in_dim3A_861, %select_n3A_850 : vector<16xi1>, vector<16xi32>
              %get3A_863 = arith.constant 112 : index
              %get3A_864 = tpu.vector_load %arg9[%get3A_863] {strides = array<i32>} : memref<272xi32, #tpu.memory_space<vmem>>, vector<16xi32>,
              %eq3A_865 = arith.cmpi eq, %get3A_864, %broadcast_in_dim3A_778 : vector<16xi32>
              %get3A_866 = arith.index_cast %squeeze3A_764 : i32 to index
              %get3A_867 = arith.constant 112 : index
              %get3A_868 = tpu.vector_load %arg6[%get3A_866, %get3A_867] {strides = array<i32>} : memref<256x256xf32, #tpu.memory_space<vmem>>, vector<16xf32>,
              %select_n3A_869 = arith.select %eq3A_865, %broadcast_in_dim3A_6, %get3A_868 : vector<16xi1>, vector<16xf32>
              %gt3A_870 = arith.cmpf ogt, %select_n3A_869, %select_n3A_859 : vector<16xf32>
              %select_n3A_871 = arith.select %gt3A_870, %select_n3A_869, %select_n3A_859 : vector<16xi1>, vector<16xf32>
              %jit3A_872 = arith.constant 7 : i32
              %broadcast_in_dim3A_873 = vector.broadcast %jit3A_872 : i32 to vector<16xi32>
              %select_n3A_874 = arith.select %gt3A_870, %broadcast_in_dim3A_873, %select_n3A_862 : vector<16xi1>, vector<16xi32>
              %get3A_875 = arith.constant 128 : index
              %get3A_876 = tpu.vector_load %arg9[%get3A_875] {strides = array<i32>} : memref<272xi32, #tpu.memory_space<vmem>>, vector<16xi32>,
              %eq3A_877 = arith.cmpi eq, %get3A_876, %broadcast_in_dim3A_778 : vector<16xi32>
              %get3A_878 = arith.index_cast %squeeze3A_764 : i32 to index
              %get3A_879 = arith.constant 128 : index
              %get3A_880 = tpu.vector_load %arg6[%get3A_878, %get3A_879] {strides = array<i32>} : memref<256x256xf32, #tpu.memory_space<vmem>>, vector<16xf32>,
              %select_n3A_881 = arith.select %eq3A_877, %broadcast_in_dim3A_6, %get3A_880 : vector<16xi1>, vector<16xf32>
              %gt3A_882 = arith.cmpf ogt, %select_n3A_881, %select_n3A_871 : vector<16xf32>
              %select_n3A_883 = arith.select %gt3A_882, %select_n3A_881, %select_n3A_871 : vector<16xi1>, vector<16xf32>
              %jit3A_884 = arith.constant 8 : i32
              %broadcast_in_dim3A_885 = vector.broadcast %jit3A_884 : i32 to vector<16xi32>
              %select_n3A_886 = arith.select %gt3A_882, %broadcast_in_dim3A_885, %select_n3A_874 : vector<16xi1>, vector<16xi32>
              %get3A_887 = arith.constant 144 : index
              %get3A_888 = tpu.vector_load %arg9[%get3A_887] {strides = array<i32>} : memref<272xi32, #tpu.memory_space<vmem>>, vector<16xi32>,
              %eq3A_889 = arith.cmpi eq, %get3A_888, %broadcast_in_dim3A_778 : vector<16xi32>
              %get3A_890 = arith.index_cast %squeeze3A_764 : i32 to index
              %get3A_891 = arith.constant 144 : index
              %get3A_892 = tpu.vector_load %arg6[%get3A_890, %get3A_891] {strides = array<i32>} : memref<256x256xf32, #tpu.memory_space<vmem>>, vector<16xf32>,
              %select_n3A_893 = arith.select %eq3A_889, %broadcast_in_dim3A_6, %get3A_892 : vector<16xi1>, vector<16xf32>
              %gt3A_894 = arith.cmpf ogt, %select_n3A_893, %select_n3A_883 : vector<16xf32>
              %select_n3A_895 = arith.select %gt3A_894, %select_n3A_893, %select_n3A_883 : vector<16xi1>, vector<16xf32>
              %jit3A_896 = arith.constant 9 : i32
              %broadcast_in_dim3A_897 = vector.broadcast %jit3A_896 : i32 to vector<16xi32>
              %select_n3A_898 = arith.select %gt3A_894, %broadcast_in_dim3A_897, %select_n3A_886 : vector<16xi1>, vector<16xi32>
              %get3A_899 = arith.constant 160 : index
              %get3A_900 = tpu.vector_load %arg9[%get3A_899] {strides = array<i32>} : memref<272xi32, #tpu.memory_space<vmem>>, vector<16xi32>,
              %eq3A_901 = arith.cmpi eq, %get3A_900, %broadcast_in_dim3A_778 : vector<16xi32>
              %get3A_902 = arith.index_cast %squeeze3A_764 : i32 to index
              %get3A_903 = arith.constant 160 : index
              %get3A_904 = tpu.vector_load %arg6[%get3A_902, %get3A_903] {strides = array<i32>} : memref<256x256xf32, #tpu.memory_space<vmem>>, vector<16xf32>,
              %select_n3A_905 = arith.select %eq3A_901, %broadcast_in_dim3A_6, %get3A_904 : vector<16xi1>, vector<16xf32>
              %gt3A_906 = arith.cmpf ogt, %select_n3A_905, %select_n3A_895 : vector<16xf32>
              %select_n3A_907 = arith.select %gt3A_906, %select_n3A_905, %select_n3A_895 : vector<16xi1>, vector<16xf32>
              %jit3A_908 = arith.constant 10 : i32
              %broadcast_in_dim3A_909 = vector.broadcast %jit3A_908 : i32 to vector<16xi32>
              %select_n3A_910 = arith.select %gt3A_906, %broadcast_in_dim3A_909, %select_n3A_898 : vector<16xi1>, vector<16xi32>
              %get3A_911 = arith.constant 176 : index
              %get3A_912 = tpu.vector_load %arg9[%get3A_911] {strides = array<i32>} : memref<272xi32, #tpu.memory_space<vmem>>, vector<16xi32>,
              %eq3A_913 = arith.cmpi eq, %get3A_912, %broadcast_in_dim3A_778 : vector<16xi32>
              %get3A_914 = arith.index_cast %squeeze3A_764 : i32 to index
              %get3A_915 = arith.constant 176 : index
              %get3A_916 = tpu.vector_load %arg6[%get3A_914, %get3A_915] {strides = array<i32>} : memref<256x256xf32, #tpu.memory_space<vmem>>, vector<16xf32>,
              %select_n3A_917 = arith.select %eq3A_913, %broadcast_in_dim3A_6, %get3A_916 : vector<16xi1>, vector<16xf32>
              %gt3A_918 = arith.cmpf ogt, %select_n3A_917, %select_n3A_907 : vector<16xf32>
              %select_n3A_919 = arith.select %gt3A_918, %select_n3A_917, %select_n3A_907 : vector<16xi1>, vector<16xf32>
              %jit3A_920 = arith.constant 11 : i32
              %broadcast_in_dim3A_921 = vector.broadcast %jit3A_920 : i32 to vector<16xi32>
              %select_n3A_922 = arith.select %gt3A_918, %broadcast_in_dim3A_921, %select_n3A_910 : vector<16xi1>, vector<16xi32>
              %get3A_923 = arith.constant 192 : index
              %get3A_924 = tpu.vector_load %arg9[%get3A_923] {strides = array<i32>} : memref<272xi32, #tpu.memory_space<vmem>>, vector<16xi32>,
              %eq3A_925 = arith.cmpi eq, %get3A_924, %broadcast_in_dim3A_778 : vector<16xi32>
              %get3A_926 = arith.index_cast %squeeze3A_764 : i32 to index
              %get3A_927 = arith.constant 192 : index
              %get3A_928 = tpu.vector_load %arg6[%get3A_926, %get3A_927] {strides = array<i32>} : memref<256x256xf32, #tpu.memory_space<vmem>>, vector<16xf32>,
              %select_n3A_929 = arith.select %eq3A_925, %broadcast_in_dim3A_6, %get3A_928 : vector<16xi1>, vector<16xf32>
              %gt3A_930 = arith.cmpf ogt, %select_n3A_929, %select_n3A_919 : vector<16xf32>
              %select_n3A_931 = arith.select %gt3A_930, %select_n3A_929, %select_n3A_919 : vector<16xi1>, vector<16xf32>
              %jit3A_932 = arith.constant 12 : i32
              %broadcast_in_dim3A_933 = vector.broadcast %jit3A_932 : i32 to vector<16xi32>
              %select_n3A_934 = arith.select %gt3A_930, %broadcast_in_dim3A_933, %select_n3A_922 : vector<16xi1>, vector<16xi32>
              %get3A_935 = arith.constant 208 : index
              %get3A_936 = tpu.vector_load %arg9[%get3A_935] {strides = array<i32>} : memref<272xi32, #tpu.memory_space<vmem>>, vector<16xi32>,
              %eq3A_937 = arith.cmpi eq, %get3A_936, %broadcast_in_dim3A_778 : vector<16xi32>
              %get3A_938 = arith.index_cast %squeeze3A_764 : i32 to index
              %get3A_939 = arith.constant 208 : index
              %get3A_940 = tpu.vector_load %arg6[%get3A_938, %get3A_939] {strides = array<i32>} : memref<256x256xf32, #tpu.memory_space<vmem>>, vector<16xf32>,
              %select_n3A_941 = arith.select %eq3A_937, %broadcast_in_dim3A_6, %get3A_940 : vector<16xi1>, vector<16xf32>
              %gt3A_942 = arith.cmpf ogt, %select_n3A_941, %select_n3A_931 : vector<16xf32>
              %select_n3A_943 = arith.select %gt3A_942, %select_n3A_941, %select_n3A_931 : vector<16xi1>, vector<16xf32>
              %jit3A_944 = arith.constant 13 : i32
              %broadcast_in_dim3A_945 = vector.broadcast %jit3A_944 : i32 to vector<16xi32>
              %select_n3A_946 = arith.select %gt3A_942, %broadcast_in_dim3A_945, %select_n3A_934 : vector<16xi1>, vector<16xi32>
              %get3A_947 = arith.constant 224 : index
              %get3A_948 = tpu.vector_load %arg9[%get3A_947] {strides = array<i32>} : memref<272xi32, #tpu.memory_space<vmem>>, vector<16xi32>,
              %eq3A_949 = arith.cmpi eq, %get3A_948, %broadcast_in_dim3A_778 : vector<16xi32>
              %get3A_950 = arith.index_cast %squeeze3A_764 : i32 to index
              %get3A_951 = arith.constant 224 : index
              %get3A_952 = tpu.vector_load %arg6[%get3A_950, %get3A_951] {strides = array<i32>} : memref<256x256xf32, #tpu.memory_space<vmem>>, vector<16xf32>,
              %select_n3A_953 = arith.select %eq3A_949, %broadcast_in_dim3A_6, %get3A_952 : vector<16xi1>, vector<16xf32>
              %gt3A_954 = arith.cmpf ogt, %select_n3A_953, %select_n3A_943 : vector<16xf32>
              %select_n3A_955 = arith.select %gt3A_954, %select_n3A_953, %select_n3A_943 : vector<16xi1>, vector<16xf32>
              %jit3A_956 = arith.constant 14 : i32
              %broadcast_in_dim3A_957 = vector.broadcast %jit3A_956 : i32 to vector<16xi32>
              %select_n3A_958 = arith.select %gt3A_954, %broadcast_in_dim3A_957, %select_n3A_946 : vector<16xi1>, vector<16xi32>
              %get3A_959 = arith.constant 240 : index
              %get3A_960 = tpu.vector_load %arg9[%get3A_959] {strides = array<i32>} : memref<272xi32, #tpu.memory_space<vmem>>, vector<16xi32>,
              %eq3A_961 = arith.cmpi eq, %get3A_960, %broadcast_in_dim3A_778 : vector<16xi32>
              %get3A_962 = arith.index_cast %squeeze3A_764 : i32 to index
              %get3A_963 = arith.constant 240 : index
              %get3A_964 = tpu.vector_load %arg6[%get3A_962, %get3A_963] {strides = array<i32>} : memref<256x256xf32, #tpu.memory_space<vmem>>, vector<16xf32>,
              %select_n3A_965 = arith.select %eq3A_961, %broadcast_in_dim3A_6, %get3A_964 : vector<16xi1>, vector<16xf32>
              %gt3A_966 = arith.cmpf ogt, %select_n3A_965, %select_n3A_955 : vector<16xf32>
              %select_n3A_967 = arith.select %gt3A_966, %select_n3A_965, %select_n3A_955 : vector<16xi1>, vector<16xf32>
              %jit3A_968 = arith.constant 15 : i32
              %broadcast_in_dim3A_969 = vector.broadcast %jit3A_968 : i32 to vector<16xi32>
              %select_n3A_970 = arith.select %gt3A_966, %broadcast_in_dim3A_969, %select_n3A_958 : vector<16xi1>, vector<16xi32>
              %reduce_max3A_971 = arith.constant true
              %reduce_max3A_972 = vector.broadcast %reduce_max3A_971 : i1 to vector<16xi1>
              %reduce_max3A_973 = tpu.scan <max>, %select_n3A_967 masked %reduce_max3A_972 : vector<16xf32>, vector<16xi1> -> vector<16xf32>
              %reduce_max3A_974 = vector.extract %reduce_max3A_973[15] : f32 from vector<16xf32>
              %eq3A_975 = vector.broadcast %reduce_max3A_974 : f32 to vector<16xf32>
              %eq3A_976 = arith.cmpf oeq, %select_n3A_967, %eq3A_975 : vector<16xf32>
              %mul3A_977 = arith.constant 16 : i32
              %mul3A_978 = vector.broadcast %mul3A_977 : i32 to vector<16xi32>
              %mul3A_979 = arith.muli %select_n3A_970, %mul3A_978 : vector<16xi32>
              %add3A_980 = arith.addi %mul3A_979, %iota3A : vector<16xi32>
              %jit3A_981 = arith.constant 512 : i32
              %broadcast_in_dim3A_982 = vector.broadcast %jit3A_981 : i32 to vector<16xi32>
              %select_n3A_983 = arith.select %eq3A_976, %add3A_980, %broadcast_in_dim3A_982 : vector<16xi1>, vector<16xi32>
              %reduce_min3A = arith.constant true
              %reduce_min3A_984 = vector.broadcast %reduce_min3A : i1 to vector<16xi1>
              %reduce_min3A_985 = arith.constant -2147483648 : i32
              %reduce_min3A_986 = vector.broadcast %reduce_min3A_985 : i32 to vector<16xi32>
              %reduce_min3A_987 = arith.xori %select_n3A_983, %reduce_min3A_986 : vector<16xi32>
              %reduce_min3A_988 = tpu.scan <min>, %reduce_min3A_987 masked %reduce_min3A_984 : vector<16xi32>, vector<16xi1> -> vector<16xi32>
              %reduce_min3A_989 = arith.xori %reduce_min3A_988, %reduce_min3A_986 : vector<16xi32>
              %reduce_min3A_990 = vector.extract %reduce_min3A_989[15] : i32 from vector<16xi32>
              %broadcast_in_dim3A_991 = vector.broadcast %squeeze3A_764 : i32 to vector<16xi32>
              %broadcast_in_dim3A_992 = vector.broadcast %reduce_max3A_974 : f32 to vector<16xf32>
              tpu.vector_store_idx %arg7[%broadcast_in_dim3A_991], %broadcast_in_dim3A_992 masked %eq3A_5 : memref<272xf32, #tpu.memory_space<vmem>>[vector<16xi32>], vector<16xf32>, vector<16xi1>
              %broadcast_in_dim3A_993 = vector.broadcast %reduce_min3A_990 : i32 to vector<16xi32>
              tpu.vector_store_idx %arg8[%broadcast_in_dim3A_991], %broadcast_in_dim3A_993 masked %eq3A_5 : memref<272xi32, #tpu.memory_space<vmem>>[vector<16xi32>], vector<16xi32>, vector<16xi1>
              %shift_right_logical3A = arith.constant 4 : i32
              %shift_right_logical3A_994 = arith.shrui %squeeze3A_764, %shift_right_logical3A : i32
              %mul3A_995 = arith.constant 16 : i32
              %mul3A_996 = arith.muli %shift_right_logical3A_994, %mul3A_995 : i32
              %get3A_997 = arith.index_cast %mul3A_996 : i32 to index
              %get3A_998 = tpu.vector_load %arg7[%get3A_997] {strides = array<i32>} : memref<272xf32, #tpu.memory_space<vmem>>, vector<16xf32>,
              %reduce_max3A_999 = arith.constant true
              %reduce_max3A_1000 = vector.broadcast %reduce_max3A_999 : i1 to vector<16xi1>
              %reduce_max3A_1001 = tpu.scan <max>, %get3A_998 masked %reduce_max3A_1000 : vector<16xf32>, vector<16xi1> -> vector<16xf32>
              %reduce_max3A_1002 = vector.extract %reduce_max3A_1001[15] : f32 from vector<16xf32>
              %broadcast_in_dim3A_1003 = vector.broadcast %shift_right_logical3A_994 : i32 to vector<16xi32>
              %broadcast_in_dim3A_1004 = vector.broadcast %reduce_max3A_1002 : f32 to vector<16xf32>
              tpu.vector_store_idx %arg11[%broadcast_in_dim3A_1003], %broadcast_in_dim3A_1004 masked %eq3A_5 : memref<16xf32, #tpu.memory_space<vmem>>[vector<16xi32>], vector<16xf32>, vector<16xi1>
            } else {
            }
            %while3A_777 = arith.constant 0 : i32
            scf.yield %while3A_777 : i32
          }
          %while3A_757 = arith.constant 1 : i32
          %while3A_758 = scf.for %while3A_759 = %while3A_754 to %while3A_750 step %while3A_757 iter_args(%while3A_760 = %while3A_756) -> (i32)  : i32 {
            %get3A_761 = arith.index_cast %while3A_759 : i32 to index
            %get3A_762 = tpu.vector_load %arg10[%get3A_761] {strides = array<i32>} : memref<272xi32, #tpu.memory_space<vmem>>, vector<16xi32>,
            %slice3A_763 = vector.extract_strided_slice %get3A_762 {offsets = [0], sizes = [1], strides = [1]} : vector<16xi32> to vector<1xi32>
            %squeeze3A_764 = vector.extract %slice3A_763[0] : i32 from vector<1xi32>
            %get3A_765 = arith.index_cast %squeeze3A_764 : i32 to index
            %get3A_766 = tpu.vector_load %arg8[%get3A_765] {strides = array<i32>} : memref<272xi32, #tpu.memory_space<vmem>>, vector<16xi32>,
            %slice3A_767 = vector.extract_strided_slice %get3A_766 {offsets = [0], sizes = [1], strides = [1]} : vector<16xi32> to vector<1xi32>
            %squeeze3A_768 = vector.extract %slice3A_767[0] : i32 from vector<1xi32>
            %get3A_769 = arith.index_cast %squeeze3A_768 : i32 to index
            %get3A_770 = tpu.vector_load %arg9[%get3A_769] {strides = array<i32>} : memref<272xi32, #tpu.memory_space<vmem>>, vector<16xi32>,
            %slice3A_771 = vector.extract_strided_slice %get3A_770 {offsets = [0], sizes = [1], strides = [1]} : vector<16xi32> to vector<1xi32>
            %squeeze3A_772 = vector.extract %slice3A_771[0] : i32 from vector<1xi32>
            %eq3A_773 = arith.cmpi eq, %squeeze3A_772, %squeeze3A_298 : i32
            %convert_element_type3A_774 = arith.extui %eq3A_773 : i1 to i32
            %cond3A_775 = arith.constant 0 : i32
            %cond3A_776 = arith.cmpi ne, %convert_element_type3A_774, %cond3A_775 : i32
            scf.if %cond3A_776 {
              %broadcast_in_dim3A_778 = vector.broadcast %squeeze3A_298 : i32 to vector<16xi32>
              %broadcast_in_dim3A_779 = arith.constant 0 : i32
              %broadcast_in_dim3A_780 = vector.broadcast %broadcast_in_dim3A_779 : i32 to vector<16xi32>
              %get3A_781 = arith.constant 0 : index
              %get3A_782 = tpu.vector_load %arg9[%get3A_781] {strides = array<i32>} : memref<272xi32, #tpu.memory_space<vmem>>, vector<16xi32>,
              %eq3A_783 = arith.cmpi eq, %get3A_782, %broadcast_in_dim3A_778 : vector<16xi32>
              %get3A_784 = arith.index_cast %squeeze3A_764 : i32 to index
              %get3A_785 = arith.constant 0 : index
              %get3A_786 = tpu.vector_load %arg6[%get3A_784, %get3A_785] {strides = array<i32>} : memref<256x256xf32, #tpu.memory_space<vmem>>, vector<16xf32>,
              %select_n3A_787 = arith.select %eq3A_783, %broadcast_in_dim3A_6, %get3A_786 : vector<16xi1>, vector<16xf32>
              %gt3A = arith.cmpf ogt, %select_n3A_787, %broadcast_in_dim3A_6 : vector<16xf32>
              %select_n3A_788 = arith.select %gt3A, %select_n3A_787, %broadcast_in_dim3A_6 : vector<16xi1>, vector<16xf32>
              %jit3A = arith.constant 0 : i32
              %broadcast_in_dim3A_789 = vector.broadcast %jit3A : i32 to vector<16xi32>
              %select_n3A_790 = arith.select %gt3A, %broadcast_in_dim3A_789, %broadcast_in_dim3A_780 : vector<16xi1>, vector<16xi32>
              %get3A_791 = arith.constant 16 : index
              %get3A_792 = tpu.vector_load %arg9[%get3A_791] {strides = array<i32>} : memref<272xi32, #tpu.memory_space<vmem>>, vector<16xi32>,
              %eq3A_793 = arith.cmpi eq, %get3A_792, %broadcast_in_dim3A_778 : vector<16xi32>
              %get3A_794 = arith.index_cast %squeeze3A_764 : i32 to index
              %get3A_795 = arith.constant 16 : index
              %get3A_796 = tpu.vector_load %arg6[%get3A_794, %get3A_795] {strides = array<i32>} : memref<256x256xf32, #tpu.memory_space<vmem>>, vector<16xf32>,
              %select_n3A_797 = arith.select %eq3A_793, %broadcast_in_dim3A_6, %get3A_796 : vector<16xi1>, vector<16xf32>
              %gt3A_798 = arith.cmpf ogt, %select_n3A_797, %select_n3A_788 : vector<16xf32>
              %select_n3A_799 = arith.select %gt3A_798, %select_n3A_797, %select_n3A_788 : vector<16xi1>, vector<16xf32>
              %jit3A_800 = arith.constant 1 : i32
              %broadcast_in_dim3A_801 = vector.broadcast %jit3A_800 : i32 to vector<16xi32>
              %select_n3A_802 = arith.select %gt3A_798, %broadcast_in_dim3A_801, %select_n3A_790 : vector<16xi1>, vector<16xi32>
              %get3A_803 = arith.constant 32 : index
              %get3A_804 = tpu.vector_load %arg9[%get3A_803] {strides = array<i32>} : memref<272xi32, #tpu.memory_space<vmem>>, vector<16xi32>,
              %eq3A_805 = arith.cmpi eq, %get3A_804, %broadcast_in_dim3A_778 : vector<16xi32>
              %get3A_806 = arith.index_cast %squeeze3A_764 : i32 to index
              %get3A_807 = arith.constant 32 : index
              %get3A_808 = tpu.vector_load %arg6[%get3A_806, %get3A_807] {strides = array<i32>} : memref<256x256xf32, #tpu.memory_space<vmem>>, vector<16xf32>,
              %select_n3A_809 = arith.select %eq3A_805, %broadcast_in_dim3A_6, %get3A_808 : vector<16xi1>, vector<16xf32>
              %gt3A_810 = arith.cmpf ogt, %select_n3A_809, %select_n3A_799 : vector<16xf32>
              %select_n3A_811 = arith.select %gt3A_810, %select_n3A_809, %select_n3A_799 : vector<16xi1>, vector<16xf32>
              %jit3A_812 = arith.constant 2 : i32
              %broadcast_in_dim3A_813 = vector.broadcast %jit3A_812 : i32 to vector<16xi32>
              %select_n3A_814 = arith.select %gt3A_810, %broadcast_in_dim3A_813, %select_n3A_802 : vector<16xi1>, vector<16xi32>
              %get3A_815 = arith.constant 48 : index
              %get3A_816 = tpu.vector_load %arg9[%get3A_815] {strides = array<i32>} : memref<272xi32, #tpu.memory_space<vmem>>, vector<16xi32>,
              %eq3A_817 = arith.cmpi eq, %get3A_816, %broadcast_in_dim3A_778 : vector<16xi32>
              %get3A_818 = arith.index_cast %squeeze3A_764 : i32 to index
              %get3A_819 = arith.constant 48 : index
              %get3A_820 = tpu.vector_load %arg6[%get3A_818, %get3A_819] {strides = array<i32>} : memref<256x256xf32, #tpu.memory_space<vmem>>, vector<16xf32>,
              %select_n3A_821 = arith.select %eq3A_817, %broadcast_in_dim3A_6, %get3A_820 : vector<16xi1>, vector<16xf32>
              %gt3A_822 = arith.cmpf ogt, %select_n3A_821, %select_n3A_811 : vector<16xf32>
              %select_n3A_823 = arith.select %gt3A_822, %select_n3A_821, %select_n3A_811 : vector<16xi1>, vector<16xf32>
              %jit3A_824 = arith.constant 3 : i32
              %broadcast_in_dim3A_825 = vector.broadcast %jit3A_824 : i32 to vector<16xi32>
              %select_n3A_826 = arith.select %gt3A_822, %broadcast_in_dim3A_825, %select_n3A_814 : vector<16xi1>, vector<16xi32>
              %get3A_827 = arith.constant 64 : index
              %get3A_828 = tpu.vector_load %arg9[%get3A_827] {strides = array<i32>} : memref<272xi32, #tpu.memory_space<vmem>>, vector<16xi32>,
              %eq3A_829 = arith.cmpi eq, %get3A_828, %broadcast_in_dim3A_778 : vector<16xi32>
              %get3A_830 = arith.index_cast %squeeze3A_764 : i32 to index
              %get3A_831 = arith.constant 64 : index
              %get3A_832 = tpu.vector_load %arg6[%get3A_830, %get3A_831] {strides = array<i32>} : memref<256x256xf32, #tpu.memory_space<vmem>>, vector<16xf32>,
              %select_n3A_833 = arith.select %eq3A_829, %broadcast_in_dim3A_6, %get3A_832 : vector<16xi1>, vector<16xf32>
              %gt3A_834 = arith.cmpf ogt, %select_n3A_833, %select_n3A_823 : vector<16xf32>
              %select_n3A_835 = arith.select %gt3A_834, %select_n3A_833, %select_n3A_823 : vector<16xi1>, vector<16xf32>
              %jit3A_836 = arith.constant 4 : i32
              %broadcast_in_dim3A_837 = vector.broadcast %jit3A_836 : i32 to vector<16xi32>
              %select_n3A_838 = arith.select %gt3A_834, %broadcast_in_dim3A_837, %select_n3A_826 : vector<16xi1>, vector<16xi32>
              %get3A_839 = arith.constant 80 : index
              %get3A_840 = tpu.vector_load %arg9[%get3A_839] {strides = array<i32>} : memref<272xi32, #tpu.memory_space<vmem>>, vector<16xi32>,
              %eq3A_841 = arith.cmpi eq, %get3A_840, %broadcast_in_dim3A_778 : vector<16xi32>
              %get3A_842 = arith.index_cast %squeeze3A_764 : i32 to index
              %get3A_843 = arith.constant 80 : index
              %get3A_844 = tpu.vector_load %arg6[%get3A_842, %get3A_843] {strides = array<i32>} : memref<256x256xf32, #tpu.memory_space<vmem>>, vector<16xf32>,
              %select_n3A_845 = arith.select %eq3A_841, %broadcast_in_dim3A_6, %get3A_844 : vector<16xi1>, vector<16xf32>
              %gt3A_846 = arith.cmpf ogt, %select_n3A_845, %select_n3A_835 : vector<16xf32>
              %select_n3A_847 = arith.select %gt3A_846, %select_n3A_845, %select_n3A_835 : vector<16xi1>, vector<16xf32>
              %jit3A_848 = arith.constant 5 : i32
              %broadcast_in_dim3A_849 = vector.broadcast %jit3A_848 : i32 to vector<16xi32>
              %select_n3A_850 = arith.select %gt3A_846, %broadcast_in_dim3A_849, %select_n3A_838 : vector<16xi1>, vector<16xi32>
              %get3A_851 = arith.constant 96 : index
              %get3A_852 = tpu.vector_load %arg9[%get3A_851] {strides = array<i32>} : memref<272xi32, #tpu.memory_space<vmem>>, vector<16xi32>,
              %eq3A_853 = arith.cmpi eq, %get3A_852, %broadcast_in_dim3A_778 : vector<16xi32>
              %get3A_854 = arith.index_cast %squeeze3A_764 : i32 to index
              %get3A_855 = arith.constant 96 : index
              %get3A_856 = tpu.vector_load %arg6[%get3A_854, %get3A_855] {strides = array<i32>} : memref<256x256xf32, #tpu.memory_space<vmem>>, vector<16xf32>,
              %select_n3A_857 = arith.select %eq3A_853, %broadcast_in_dim3A_6, %get3A_856 : vector<16xi1>, vector<16xf32>
              %gt3A_858 = arith.cmpf ogt, %select_n3A_857, %select_n3A_847 : vector<16xf32>
              %select_n3A_859 = arith.select %gt3A_858, %select_n3A_857, %select_n3A_847 : vector<16xi1>, vector<16xf32>
              %jit3A_860 = arith.constant 6 : i32
              %broadcast_in_dim3A_861 = vector.broadcast %jit3A_860 : i32 to vector<16xi32>
              %select_n3A_862 = arith.select %gt3A_858, %broadcast_in_dim3A_861, %select_n3A_850 : vector<16xi1>, vector<16xi32>
              %get3A_863 = arith.constant 112 : index
              %get3A_864 = tpu.vector_load %arg9[%get3A_863] {strides = array<i32>} : memref<272xi32, #tpu.memory_space<vmem>>, vector<16xi32>,
              %eq3A_865 = arith.cmpi eq, %get3A_864, %broadcast_in_dim3A_778 : vector<16xi32>
              %get3A_866 = arith.index_cast %squeeze3A_764 : i32 to index
              %get3A_867 = arith.constant 112 : index
              %get3A_868 = tpu.vector_load %arg6[%get3A_866, %get3A_867] {strides = array<i32>} : memref<256x256xf32, #tpu.memory_space<vmem>>, vector<16xf32>,
              %select_n3A_869 = arith.select %eq3A_865, %broadcast_in_dim3A_6, %get3A_868 : vector<16xi1>, vector<16xf32>
              %gt3A_870 = arith.cmpf ogt, %select_n3A_869, %select_n3A_859 : vector<16xf32>
              %select_n3A_871 = arith.select %gt3A_870, %select_n3A_869, %select_n3A_859 : vector<16xi1>, vector<16xf32>
              %jit3A_872 = arith.constant 7 : i32
              %broadcast_in_dim3A_873 = vector.broadcast %jit3A_872 : i32 to vector<16xi32>
              %select_n3A_874 = arith.select %gt3A_870, %broadcast_in_dim3A_873, %select_n3A_862 : vector<16xi1>, vector<16xi32>
              %get3A_875 = arith.constant 128 : index
              %get3A_876 = tpu.vector_load %arg9[%get3A_875] {strides = array<i32>} : memref<272xi32, #tpu.memory_space<vmem>>, vector<16xi32>,
              %eq3A_877 = arith.cmpi eq, %get3A_876, %broadcast_in_dim3A_778 : vector<16xi32>
              %get3A_878 = arith.index_cast %squeeze3A_764 : i32 to index
              %get3A_879 = arith.constant 128 : index
              %get3A_880 = tpu.vector_load %arg6[%get3A_878, %get3A_879] {strides = array<i32>} : memref<256x256xf32, #tpu.memory_space<vmem>>, vector<16xf32>,
              %select_n3A_881 = arith.select %eq3A_877, %broadcast_in_dim3A_6, %get3A_880 : vector<16xi1>, vector<16xf32>
              %gt3A_882 = arith.cmpf ogt, %select_n3A_881, %select_n3A_871 : vector<16xf32>
              %select_n3A_883 = arith.select %gt3A_882, %select_n3A_881, %select_n3A_871 : vector<16xi1>, vector<16xf32>
              %jit3A_884 = arith.constant 8 : i32
              %broadcast_in_dim3A_885 = vector.broadcast %jit3A_884 : i32 to vector<16xi32>
              %select_n3A_886 = arith.select %gt3A_882, %broadcast_in_dim3A_885, %select_n3A_874 : vector<16xi1>, vector<16xi32>
              %get3A_887 = arith.constant 144 : index
              %get3A_888 = tpu.vector_load %arg9[%get3A_887] {strides = array<i32>} : memref<272xi32, #tpu.memory_space<vmem>>, vector<16xi32>,
              %eq3A_889 = arith.cmpi eq, %get3A_888, %broadcast_in_dim3A_778 : vector<16xi32>
              %get3A_890 = arith.index_cast %squeeze3A_764 : i32 to index
              %get3A_891 = arith.constant 144 : index
              %get3A_892 = tpu.vector_load %arg6[%get3A_890, %get3A_891] {strides = array<i32>} : memref<256x256xf32, #tpu.memory_space<vmem>>, vector<16xf32>,
              %select_n3A_893 = arith.select %eq3A_889, %broadcast_in_dim3A_6, %get3A_892 : vector<16xi1>, vector<16xf32>
              %gt3A_894 = arith.cmpf ogt, %select_n3A_893, %select_n3A_883 : vector<16xf32>
              %select_n3A_895 = arith.select %gt3A_894, %select_n3A_893, %select_n3A_883 : vector<16xi1>, vector<16xf32>
              %jit3A_896 = arith.constant 9 : i32
              %broadcast_in_dim3A_897 = vector.broadcast %jit3A_896 : i32 to vector<16xi32>
              %select_n3A_898 = arith.select %gt3A_894, %broadcast_in_dim3A_897, %select_n3A_886 : vector<16xi1>, vector<16xi32>
              %get3A_899 = arith.constant 160 : index
              %get3A_900 = tpu.vector_load %arg9[%get3A_899] {strides = array<i32>} : memref<272xi32, #tpu.memory_space<vmem>>, vector<16xi32>,
              %eq3A_901 = arith.cmpi eq, %get3A_900, %broadcast_in_dim3A_778 : vector<16xi32>
              %get3A_902 = arith.index_cast %squeeze3A_764 : i32 to index
              %get3A_903 = arith.constant 160 : index
              %get3A_904 = tpu.vector_load %arg6[%get3A_902, %get3A_903] {strides = array<i32>} : memref<256x256xf32, #tpu.memory_space<vmem>>, vector<16xf32>,
              %select_n3A_905 = arith.select %eq3A_901, %broadcast_in_dim3A_6, %get3A_904 : vector<16xi1>, vector<16xf32>
              %gt3A_906 = arith.cmpf ogt, %select_n3A_905, %select_n3A_895 : vector<16xf32>
              %select_n3A_907 = arith.select %gt3A_906, %select_n3A_905, %select_n3A_895 : vector<16xi1>, vector<16xf32>
              %jit3A_908 = arith.constant 10 : i32
              %broadcast_in_dim3A_909 = vector.broadcast %jit3A_908 : i32 to vector<16xi32>
              %select_n3A_910 = arith.select %gt3A_906, %broadcast_in_dim3A_909, %select_n3A_898 : vector<16xi1>, vector<16xi32>
              %get3A_911 = arith.constant 176 : index
              %get3A_912 = tpu.vector_load %arg9[%get3A_911] {strides = array<i32>} : memref<272xi32, #tpu.memory_space<vmem>>, vector<16xi32>,
              %eq3A_913 = arith.cmpi eq, %get3A_912, %broadcast_in_dim3A_778 : vector<16xi32>
              %get3A_914 = arith.index_cast %squeeze3A_764 : i32 to index
              %get3A_915 = arith.constant 176 : index
              %get3A_916 = tpu.vector_load %arg6[%get3A_914, %get3A_915] {strides = array<i32>} : memref<256x256xf32, #tpu.memory_space<vmem>>, vector<16xf32>,
              %select_n3A_917 = arith.select %eq3A_913, %broadcast_in_dim3A_6, %get3A_916 : vector<16xi1>, vector<16xf32>
              %gt3A_918 = arith.cmpf ogt, %select_n3A_917, %select_n3A_907 : vector<16xf32>
              %select_n3A_919 = arith.select %gt3A_918, %select_n3A_917, %select_n3A_907 : vector<16xi1>, vector<16xf32>
              %jit3A_920 = arith.constant 11 : i32
              %broadcast_in_dim3A_921 = vector.broadcast %jit3A_920 : i32 to vector<16xi32>
              %select_n3A_922 = arith.select %gt3A_918, %broadcast_in_dim3A_921, %select_n3A_910 : vector<16xi1>, vector<16xi32>
              %get3A_923 = arith.constant 192 : index
              %get3A_924 = tpu.vector_load %arg9[%get3A_923] {strides = array<i32>} : memref<272xi32, #tpu.memory_space<vmem>>, vector<16xi32>,
              %eq3A_925 = arith.cmpi eq, %get3A_924, %broadcast_in_dim3A_778 : vector<16xi32>
              %get3A_926 = arith.index_cast %squeeze3A_764 : i32 to index
              %get3A_927 = arith.constant 192 : index
              %get3A_928 = tpu.vector_load %arg6[%get3A_926, %get3A_927] {strides = array<i32>} : memref<256x256xf32, #tpu.memory_space<vmem>>, vector<16xf32>,
              %select_n3A_929 = arith.select %eq3A_925, %broadcast_in_dim3A_6, %get3A_928 : vector<16xi1>, vector<16xf32>
              %gt3A_930 = arith.cmpf ogt, %select_n3A_929, %select_n3A_919 : vector<16xf32>
              %select_n3A_931 = arith.select %gt3A_930, %select_n3A_929, %select_n3A_919 : vector<16xi1>, vector<16xf32>
              %jit3A_932 = arith.constant 12 : i32
              %broadcast_in_dim3A_933 = vector.broadcast %jit3A_932 : i32 to vector<16xi32>
              %select_n3A_934 = arith.select %gt3A_930, %broadcast_in_dim3A_933, %select_n3A_922 : vector<16xi1>, vector<16xi32>
              %get3A_935 = arith.constant 208 : index
              %get3A_936 = tpu.vector_load %arg9[%get3A_935] {strides = array<i32>} : memref<272xi32, #tpu.memory_space<vmem>>, vector<16xi32>,
              %eq3A_937 = arith.cmpi eq, %get3A_936, %broadcast_in_dim3A_778 : vector<16xi32>
              %get3A_938 = arith.index_cast %squeeze3A_764 : i32 to index
              %get3A_939 = arith.constant 208 : index
              %get3A_940 = tpu.vector_load %arg6[%get3A_938, %get3A_939] {strides = array<i32>} : memref<256x256xf32, #tpu.memory_space<vmem>>, vector<16xf32>,
              %select_n3A_941 = arith.select %eq3A_937, %broadcast_in_dim3A_6, %get3A_940 : vector<16xi1>, vector<16xf32>
              %gt3A_942 = arith.cmpf ogt, %select_n3A_941, %select_n3A_931 : vector<16xf32>
              %select_n3A_943 = arith.select %gt3A_942, %select_n3A_941, %select_n3A_931 : vector<16xi1>, vector<16xf32>
              %jit3A_944 = arith.constant 13 : i32
              %broadcast_in_dim3A_945 = vector.broadcast %jit3A_944 : i32 to vector<16xi32>
              %select_n3A_946 = arith.select %gt3A_942, %broadcast_in_dim3A_945, %select_n3A_934 : vector<16xi1>, vector<16xi32>
              %get3A_947 = arith.constant 224 : index
              %get3A_948 = tpu.vector_load %arg9[%get3A_947] {strides = array<i32>} : memref<272xi32, #tpu.memory_space<vmem>>, vector<16xi32>,
              %eq3A_949 = arith.cmpi eq, %get3A_948, %broadcast_in_dim3A_778 : vector<16xi32>
              %get3A_950 = arith.index_cast %squeeze3A_764 : i32 to index
              %get3A_951 = arith.constant 224 : index
              %get3A_952 = tpu.vector_load %arg6[%get3A_950, %get3A_951] {strides = array<i32>} : memref<256x256xf32, #tpu.memory_space<vmem>>, vector<16xf32>,
              %select_n3A_953 = arith.select %eq3A_949, %broadcast_in_dim3A_6, %get3A_952 : vector<16xi1>, vector<16xf32>
              %gt3A_954 = arith.cmpf ogt, %select_n3A_953, %select_n3A_943 : vector<16xf32>
              %select_n3A_955 = arith.select %gt3A_954, %select_n3A_953, %select_n3A_943 : vector<16xi1>, vector<16xf32>
              %jit3A_956 = arith.constant 14 : i32
              %broadcast_in_dim3A_957 = vector.broadcast %jit3A_956 : i32 to vector<16xi32>
              %select_n3A_958 = arith.select %gt3A_954, %broadcast_in_dim3A_957, %select_n3A_946 : vector<16xi1>, vector<16xi32>
              %get3A_959 = arith.constant 240 : index
              %get3A_960 = tpu.vector_load %arg9[%get3A_959] {strides = array<i32>} : memref<272xi32, #tpu.memory_space<vmem>>, vector<16xi32>,
              %eq3A_961 = arith.cmpi eq, %get3A_960, %broadcast_in_dim3A_778 : vector<16xi32>
              %get3A_962 = arith.index_cast %squeeze3A_764 : i32 to index
              %get3A_963 = arith.constant 240 : index
              %get3A_964 = tpu.vector_load %arg6[%get3A_962, %get3A_963] {strides = array<i32>} : memref<256x256xf32, #tpu.memory_space<vmem>>, vector<16xf32>,
              %select_n3A_965 = arith.select %eq3A_961, %broadcast_in_dim3A_6, %get3A_964 : vector<16xi1>, vector<16xf32>
              %gt3A_966 = arith.cmpf ogt, %select_n3A_965, %select_n3A_955 : vector<16xf32>
              %select_n3A_967 = arith.select %gt3A_966, %select_n3A_965, %select_n3A_955 : vector<16xi1>, vector<16xf32>
              %jit3A_968 = arith.constant 15 : i32
              %broadcast_in_dim3A_969 = vector.broadcast %jit3A_968 : i32 to vector<16xi32>
              %select_n3A_970 = arith.select %gt3A_966, %broadcast_in_dim3A_969, %select_n3A_958 : vector<16xi1>, vector<16xi32>
              %reduce_max3A_971 = arith.constant true
              %reduce_max3A_972 = vector.broadcast %reduce_max3A_971 : i1 to vector<16xi1>
              %reduce_max3A_973 = tpu.scan <max>, %select_n3A_967 masked %reduce_max3A_972 : vector<16xf32>, vector<16xi1> -> vector<16xf32>
              %reduce_max3A_974 = vector.extract %reduce_max3A_973[15] : f32 from vector<16xf32>
              %eq3A_975 = vector.broadcast %reduce_max3A_974 : f32 to vector<16xf32>
              %eq3A_976 = arith.cmpf oeq, %select_n3A_967, %eq3A_975 : vector<16xf32>
              %mul3A_977 = arith.constant 16 : i32
              %mul3A_978 = vector.broadcast %mul3A_977 : i32 to vector<16xi32>
              %mul3A_979 = arith.muli %select_n3A_970, %mul3A_978 : vector<16xi32>
              %add3A_980 = arith.addi %mul3A_979, %iota3A : vector<16xi32>
              %jit3A_981 = arith.constant 512 : i32
              %broadcast_in_dim3A_982 = vector.broadcast %jit3A_981 : i32 to vector<16xi32>
              %select_n3A_983 = arith.select %eq3A_976, %add3A_980, %broadcast_in_dim3A_982 : vector<16xi1>, vector<16xi32>
              %reduce_min3A = arith.constant true
              %reduce_min3A_984 = vector.broadcast %reduce_min3A : i1 to vector<16xi1>
              %reduce_min3A_985 = arith.constant -2147483648 : i32
              %reduce_min3A_986 = vector.broadcast %reduce_min3A_985 : i32 to vector<16xi32>
              %reduce_min3A_987 = arith.xori %select_n3A_983, %reduce_min3A_986 : vector<16xi32>
              %reduce_min3A_988 = tpu.scan <min>, %reduce_min3A_987 masked %reduce_min3A_984 : vector<16xi32>, vector<16xi1> -> vector<16xi32>
              %reduce_min3A_989 = arith.xori %reduce_min3A_988, %reduce_min3A_986 : vector<16xi32>
              %reduce_min3A_990 = vector.extract %reduce_min3A_989[15] : i32 from vector<16xi32>
              %broadcast_in_dim3A_991 = vector.broadcast %squeeze3A_764 : i32 to vector<16xi32>
              %broadcast_in_dim3A_992 = vector.broadcast %reduce_max3A_974 : f32 to vector<16xf32>
              tpu.vector_store_idx %arg7[%broadcast_in_dim3A_991], %broadcast_in_dim3A_992 masked %eq3A_5 : memref<272xf32, #tpu.memory_space<vmem>>[vector<16xi32>], vector<16xf32>, vector<16xi1>
              %broadcast_in_dim3A_993 = vector.broadcast %reduce_min3A_990 : i32 to vector<16xi32>
              tpu.vector_store_idx %arg8[%broadcast_in_dim3A_991], %broadcast_in_dim3A_993 masked %eq3A_5 : memref<272xi32, #tpu.memory_space<vmem>>[vector<16xi32>], vector<16xi32>, vector<16xi1>
              %shift_right_logical3A = arith.constant 4 : i32
              %shift_right_logical3A_994 = arith.shrui %squeeze3A_764, %shift_right_logical3A : i32
              %mul3A_995 = arith.constant 16 : i32
              %mul3A_996 = arith.muli %shift_right_logical3A_994, %mul3A_995 : i32
              %get3A_997 = arith.index_cast %mul3A_996 : i32 to index
              %get3A_998 = tpu.vector_load %arg7[%get3A_997] {strides = array<i32>} : memref<272xf32, #tpu.memory_space<vmem>>, vector<16xf32>,
              %reduce_max3A_999 = arith.constant true
              %reduce_max3A_1000 = vector.broadcast %reduce_max3A_999 : i1 to vector<16xi1>
              %reduce_max3A_1001 = tpu.scan <max>, %get3A_998 masked %reduce_max3A_1000 : vector<16xf32>, vector<16xi1> -> vector<16xf32>
              %reduce_max3A_1002 = vector.extract %reduce_max3A_1001[15] : f32 from vector<16xf32>
              %broadcast_in_dim3A_1003 = vector.broadcast %shift_right_logical3A_994 : i32 to vector<16xi32>
              %broadcast_in_dim3A_1004 = vector.broadcast %reduce_max3A_1002 : f32 to vector<16xf32>
              tpu.vector_store_idx %arg11[%broadcast_in_dim3A_1003], %broadcast_in_dim3A_1004 masked %eq3A_5 : memref<16xf32, #tpu.memory_space<vmem>>[vector<16xi32>], vector<16xf32>, vector<16xi1>
            } else {
            }
            %while3A_777 = arith.constant 0 : i32
            scf.yield %while3A_777 : i32
          }
        } else {
        }
      }
      %scan3A_266 = arith.constant 64 : i32
      %run_scoped3A_267 = arith.constant 0 : i32
      "tpu.region"() ({
        %run_scoped3A_268 = tpu.sem_alloc : memref<!tpu.dma_semaphore, #tpu.memory_space<semaphore_mem>>
        %dma_start3A = arith.constant 0 : i32
        %dma_start3A_269 = tpu.memref_slice %arg9[%dma_start3A] : memref<272xi32, #tpu.memory_space<vmem>> -> memref<256xi32, #tpu.memory_space<vmem>>
        %dma_start3A_270 = arith.constant 0 : i32
        %dma_start3A_271 = tpu.memref_slice %arg5[%add3A, %run_scoped3A_267, %dma_start3A_270] : memref<8x1x256xi32, #tpu.memory_space<hbm>> -> memref<1x1x256xi32, #tpu.memory_space<hbm>>
        %dma_start3A_272 = tpu.memref_squeeze %dma_start3A_271 : memref<1x1x256xi32, #tpu.memory_space<hbm>> -> memref<256xi32, #tpu.memory_space<hbm>>
        %dma_start3A_273 = arith.constant 0 : i32
        %dma_start3A_274 = tpu.memref_slice %arg5[%add3A, %run_scoped3A_267, %dma_start3A_273] : memref<8x1x256xi32, #tpu.memory_space<hbm>> -> memref<1x1x256xi32, #tpu.memory_space<hbm>>
        %dma_start3A_275 = tpu.memref_squeeze %dma_start3A_274 : memref<1x1x256xi32, #tpu.memory_space<hbm>> -> memref<256xi32, #tpu.memory_space<hbm>>
        %dma_start3A_276 = arith.constant 0 : i32
        %dma_start3A_277 = tpu.memref_slice %arg9[%dma_start3A_276] : memref<272xi32, #tpu.memory_space<vmem>> -> memref<256xi32, #tpu.memory_space<vmem>>
        tpu.enqueue_dma source(%dma_start3A_277 : memref<256xi32, #tpu.memory_space<vmem>>) target(%dma_start3A_275 : memref<256xi32, #tpu.memory_space<hbm>>) target_semaphore(%run_scoped3A_268 : memref<!tpu.dma_semaphore, #tpu.memory_space<semaphore_mem>>)
        %dma_wait3A = arith.constant 0 : i32
        %dma_wait3A_278 = tpu.memref_slice %arg9[%dma_wait3A] : memref<272xi32, #tpu.memory_space<vmem>> -> memref<256xi32, #tpu.memory_space<vmem>>
        %dma_wait3A_279 = arith.constant 0 : i32
        %dma_wait3A_280 = tpu.memref_slice %arg5[%add3A, %run_scoped3A_267, %dma_wait3A_279] : memref<8x1x256xi32, #tpu.memory_space<hbm>> -> memref<1x1x256xi32, #tpu.memory_space<hbm>>
        %dma_wait3A_281 = tpu.memref_squeeze %dma_wait3A_280 : memref<1x1x256xi32, #tpu.memory_space<hbm>> -> memref<256xi32, #tpu.memory_space<hbm>>
        %dma_wait3A_282 = arith.constant 0 : i32
        %dma_wait3A_283 = tpu.memref_slice %arg5[%add3A, %run_scoped3A_267, %dma_wait3A_282] : memref<8x1x256xi32, #tpu.memory_space<hbm>> -> memref<1x1x256xi32, #tpu.memory_space<hbm>>
        %dma_wait3A_284 = tpu.memref_squeeze %dma_wait3A_283 : memref<1x1x256xi32, #tpu.memory_space<hbm>> -> memref<256xi32, #tpu.memory_space<hbm>>
        %dma_wait3A_285 = arith.constant 0 : i32
        %dma_wait3A_286 = tpu.memref_slice %arg9[%dma_wait3A_285] : memref<272xi32, #tpu.memory_space<vmem>> -> memref<256xi32, #tpu.memory_space<vmem>>
        tpu.wait_dma2 semaphore(%run_scoped3A_268 : memref<!tpu.dma_semaphore, #tpu.memory_space<semaphore_mem>>) src(%dma_wait3A_286 : memref<256xi32, #tpu.memory_space<vmem>>) dst(%dma_wait3A_284 : memref<256xi32, #tpu.memory_space<hbm>>)
        tpu.yield
      }) : () -> ()
    } else {
    }
    return
  }
}

module attributes {stable_mosaic.version = 14 : i64} {
  func.func @_scores_body(%arg0: i32, %arg1: memref<1x256x384xf32, #tpu.memory_space<vmem>>, %arg2: memref<1x256x256xf32, #tpu.memory_space<vmem>>, %arg3: memref<1x1x256xf32, #tpu.memory_space<vmem>>, %arg4: memref<1x1x256xi32, #tpu.memory_space<vmem>>) attributes {dimension_semantics = [#tpu.dimension_semantics<arbitrary>], iteration_bounds = array<i64: 8>, scalar_prefetch = 0 : i64, scratch_operands = 0 : i64, tpu.core_type = #tpu.core_type<tc>, window_params = [{transform_indices = @transform_0, window_bounds = array<i64: 1, 256, 384>}, {transform_indices = @transform_1, window_bounds = array<i64: 1, 256, 256>}, {transform_indices = @transform_2, window_bounds = array<i64: 1, 1, 256>}, {transform_indices = @transform_3, window_bounds = array<i64: 1, 1, 256>}]} {
    %get3A = arith.constant 0 : index
    %get3A_0 = arith.constant 0 : index
    %get3A_1 = arith.constant 0 : index
    %get3A_2 = vector.load %arg1[%get3A, %get3A_0, %get3A_1] : memref<1x256x384xf32, #tpu.memory_space<vmem>>, vector<1x256x384xf32>
    %get3A_3 = vector.shape_cast %get3A_2 : vector<1x256x384xf32> to vector<256x384xf32>
    %mul3A = arith.mulf %get3A_3, %get3A_3 : vector<256x384xf32>
    %reduce_sum3A = arith.constant dense<0.000000e+00> : vector<256xf32>
    %reduce_sum3A_4 = vector.multi_reduction <add>, %mul3A, %reduce_sum3A [1] : vector<256x384xf32> to vector<256xf32>
    %broadcast_in_dim3A = vector.shape_cast %reduce_sum3A_4 : vector<256xf32> to vector<256x1xf32>
    %sqrt3A = math.sqrt %broadcast_in_dim3A : vector<256x1xf32>
    %div3A = vector.broadcast %sqrt3A : vector<256x1xf32> to vector<256x384xf32>
    %div3A_5 = arith.divf %get3A_3, %div3A : vector<256x384xf32>
    %dot_general3A = arith.constant dense<0.000000e+00> : vector<256x256xf32>
    %dot_general3A_6 = tpu.matmul %div3A_5, %div3A_5, %dot_general3A {dimension_numbers = #tpu.dot_dimension_numbers<[1], [1], [0], [0], [0, 0, 1, 0], [], []>, transpose_lhs_hint = false} : vector<256x384xf32>, vector<256x384xf32>, vector<256x256xf32> -> vector<256x256xf32>
    %iota3A = tpu.iota {dimensions = array<i32: 0>} : vector<256x256xi32>
    %iota3A_7 = tpu.iota {dimensions = array<i32: 1>} : vector<256x256xi32>
    %eq3A = arith.cmpi eq, %iota3A, %iota3A_7 : vector<256x256xi32>
    %jit3A = arith.constant -3.000000e+38 : f32
    %broadcast_in_dim3A_8 = vector.broadcast %jit3A : f32 to vector<256x256xf32>
    %select_n3A = arith.select %eq3A, %broadcast_in_dim3A_8, %dot_general3A_6 : vector<256x256xi1>, vector<256x256xf32>
    %swap3A = arith.constant 0 : index
    %swap3A_9 = arith.constant 0 : index
    %swap3A_10 = arith.constant 0 : index
    %swap3A_11 = vector.load %arg2[%swap3A, %swap3A_9, %swap3A_10] : memref<1x256x256xf32, #tpu.memory_space<vmem>>, vector<1x256x256xf32>
    %swap3A_12 = vector.shape_cast %swap3A_11 : vector<1x256x256xf32> to vector<256x256xf32>
    %swap3A_13 = vector.shape_cast %select_n3A : vector<256x256xf32> to vector<1x256x256xf32>
    tpu.vector_store %arg2[%swap3A, %swap3A_9, %swap3A_10], %swap3A_13 {strides = array<i32>} : memref<1x256x256xf32, #tpu.memory_space<vmem>>, vector<1x256x256xf32>,
    %reduce_max3A = arith.constant dense<0xFF800000> : vector<256xf32>
    %reduce_max3A_14 = vector.multi_reduction <maximumf>, %select_n3A, %reduce_max3A [0] : vector<256x256xf32> to vector<256xf32>
    %broadcast_in_dim3A_15 = vector.shape_cast %reduce_max3A_14 : vector<256xf32> to vector<1x256xf32>
    %swap3A_16 = arith.constant 0 : index
    %swap3A_17 = arith.constant 0 : index
    %swap3A_18 = arith.constant 0 : index
    %swap3A_19 = vector.load %arg3[%swap3A_16, %swap3A_17, %swap3A_18] : memref<1x1x256xf32, #tpu.memory_space<vmem>>, vector<1x1x256xf32>
    %swap3A_20 = vector.shape_cast %swap3A_19 : vector<1x1x256xf32> to vector<1x256xf32>
    %swap3A_21 = vector.shape_cast %broadcast_in_dim3A_15 : vector<1x256xf32> to vector<1x1x256xf32>
    tpu.vector_store %arg3[%swap3A_16, %swap3A_17, %swap3A_18], %swap3A_21 {strides = array<i32>} : memref<1x1x256xf32, #tpu.memory_space<vmem>>, vector<1x1x256xf32>,
    %eq3A_22 = vector.broadcast %broadcast_in_dim3A_15 : vector<1x256xf32> to vector<256x256xf32>
    %eq3A_23 = arith.cmpf oeq, %select_n3A, %eq3A_22 : vector<256x256xf32>
    %jit3A_24 = arith.constant 256 : i32
    %broadcast_in_dim3A_25 = vector.broadcast %jit3A_24 : i32 to vector<256x256xi32>
    %select_n3A_26 = arith.select %eq3A_23, %iota3A, %broadcast_in_dim3A_25 : vector<256x256xi1>, vector<256x256xi32>
    %reduce_min3A = arith.constant dense<2147483647> : vector<256xi32>
    %reduce_min3A_27 = vector.multi_reduction <minsi>, %select_n3A_26, %reduce_min3A [0] : vector<256x256xi32> to vector<256xi32>
    %broadcast_in_dim3A_28 = vector.shape_cast %reduce_min3A_27 : vector<256xi32> to vector<1x256xi32>
    %swap3A_29 = arith.constant 0 : index
    %swap3A_30 = arith.constant 0 : index
    %swap3A_31 = arith.constant 0 : index
    %swap3A_32 = vector.load %arg4[%swap3A_29, %swap3A_30, %swap3A_31] : memref<1x1x256xi32, #tpu.memory_space<vmem>>, vector<1x1x256xi32>
    %swap3A_33 = vector.shape_cast %swap3A_32 : vector<1x1x256xi32> to vector<1x256xi32>
    %swap3A_34 = vector.shape_cast %broadcast_in_dim3A_28 : vector<1x256xi32> to vector<1x1x256xi32>
    tpu.vector_store %arg4[%swap3A_29, %swap3A_30, %swap3A_31], %swap3A_34 {strides = array<i32>} : memref<1x1x256xi32, #tpu.memory_space<vmem>>, vector<1x1x256xi32>,
    return
  }
  func.func @transform_0(%arg0: i32) -> (i32, i32, i32) {
    %c0_i32 = arith.constant 0 : i32
    %c0_i32_0 = arith.constant 0 : i32
    %c0_i32_1 = arith.constant 0 : i32
    return %arg0, %c0_i32, %c0_i32_0 : i32, i32, i32
  }
  func.func @transform_1(%arg0: i32) -> (i32, i32, i32) {
    %c0_i32 = arith.constant 0 : i32
    %c0_i32_0 = arith.constant 0 : i32
    %c0_i32_1 = arith.constant 0 : i32
    return %arg0, %c0_i32, %c0_i32_0 : i32, i32, i32
  }
  func.func @transform_2(%arg0: i32) -> (i32, i32, i32) {
    %c0_i32 = arith.constant 0 : i32
    %c0_i32_0 = arith.constant 0 : i32
    %c0_i32_1 = arith.constant 0 : i32
    return %arg0, %c0_i32, %c0_i32_0 : i32, i32, i32
  }
  func.func @transform_3(%arg0: i32) -> (i32, i32, i32) {
    %c0_i32 = arith.constant 0 : i32
    %c0_i32_0 = arith.constant 0 : i32
    %c0_i32_1 = arith.constant 0 : i32
    return %arg0, %c0_i32, %c0_i32_0 : i32, i32, i32
  }
}

module attributes {stable_mosaic.version = 14 : i64} {
  func.func @_final_body(%arg0: i32, %arg1: memref<1x1x256xi32, #tpu.memory_space<vmem>>, %arg2: memref<1x256x384xf32, #tpu.memory_space<vmem>>, %arg3: memref<1x192x384xf32, #tpu.memory_space<vmem>>, %arg4: memref<1x1x256xi32, #tpu.memory_space<vmem>>) attributes {dimension_semantics = [#tpu.dimension_semantics<arbitrary>], iteration_bounds = array<i64: 8>, scalar_prefetch = 0 : i64, scratch_operands = 0 : i64, tpu.core_type = #tpu.core_type<tc>, window_params = [{transform_indices = @transform_0, window_bounds = array<i64: 1, 1, 256>}, {transform_indices = @transform_1, window_bounds = array<i64: 1, 256, 384>}, {transform_indices = @transform_2, window_bounds = array<i64: 1, 192, 384>}, {transform_indices = @transform_3, window_bounds = array<i64: 1, 1, 256>}]} {
    %get3A = arith.constant 0 : index
    %get3A_0 = arith.constant 0 : index
    %get3A_1 = arith.constant 0 : index
    %get3A_2 = vector.load %arg1[%get3A, %get3A_0, %get3A_1] : memref<1x1x256xi32, #tpu.memory_space<vmem>>, vector<1x1x256xi32>
    %get3A_3 = vector.shape_cast %get3A_2 : vector<1x1x256xi32> to vector<1x256xi32>
    %convert_element_type3A = arith.sitofp %get3A_3 : vector<1x256xi32> to vector<1x256xf32>
    %iota3A = tpu.iota {dimensions = array<i32: 0>} : vector<256x256xi32>
    %iota3A_4 = tpu.iota {dimensions = array<i32: 1>} : vector<256x256xi32>
    %eq3A = arith.cmpi eq, %iota3A, %iota3A_4 : vector<256x256xi32>
    %convert_element_type3A_5 = arith.extui %eq3A : vector<256x256xi1> to vector<256x256xi32>
    %convert_element_type3A_6 = arith.sitofp %convert_element_type3A_5 : vector<256x256xi32> to vector<256x256xf32>
    %dot_general3A = arith.constant dense<0.000000e+00> : vector<256x1xf32>
    %dot_general3A_7 = tpu.matmul %convert_element_type3A_6, %convert_element_type3A, %dot_general3A {dimension_numbers = #tpu.dot_dimension_numbers<[1], [1], [0], [0], [0, 0, 1, 0], [], []>, transpose_lhs_hint = false} : vector<256x256xf32>, vector<1x256xf32>, vector<256x1xf32> -> vector<256x1xf32>
    %iota3A_8 = tpu.iota {dimensions = array<i32: 1>} : vector<1x256xi32>
    %convert_element_type3A_9 = arith.sitofp %iota3A_8 : vector<1x256xi32> to vector<1x256xf32>
    %iota3A_10 = tpu.iota {dimensions = array<i32: 0>} : vector<256x1xi32>
    %convert_element_type3A_11 = arith.sitofp %iota3A_10 : vector<256x1xi32> to vector<256x1xf32>
    %eq3A_12 = vector.broadcast %dot_general3A_7 : vector<256x1xf32> to vector<256x256xf32>
    %eq3A_13 = vector.broadcast %convert_element_type3A_9 : vector<1x256xf32> to vector<256x256xf32>
    %eq3A_14 = arith.cmpf oeq, %eq3A_12, %eq3A_13 : vector<256x256xf32>
    %convert_element_type3A_15 = arith.extui %eq3A_14 : vector<256x256xi1> to vector<256x256xi32>
    %convert_element_type3A_16 = arith.sitofp %convert_element_type3A_15 : vector<256x256xi32> to vector<256x256xf32>
    %eq3A_17 = vector.broadcast %convert_element_type3A_11 : vector<256x1xf32> to vector<256x256xf32>
    %eq3A_18 = vector.broadcast %convert_element_type3A : vector<1x256xf32> to vector<256x256xf32>
    %eq3A_19 = arith.cmpf oeq, %eq3A_17, %eq3A_18 : vector<256x256xf32>
    %convert_element_type3A_20 = arith.extui %eq3A_19 : vector<256x256xi1> to vector<256x256xi32>
    %convert_element_type3A_21 = arith.sitofp %convert_element_type3A_20 : vector<256x256xi32> to vector<256x256xf32>
    %reduce_sum3A = arith.constant dense<0.000000e+00> : vector<256xf32>
    %reduce_sum3A_22 = vector.multi_reduction <add>, %convert_element_type3A_21, %reduce_sum3A [1] : vector<256x256xf32> to vector<256xf32>
    %broadcast_in_dim3A = vector.shape_cast %reduce_sum3A_22 : vector<256xf32> to vector<256x1xf32>
    %gt3A = arith.constant 0.000000e+00 : f32
    %gt3A_23 = vector.broadcast %gt3A : f32 to vector<256x1xf32>
    %gt3A_24 = arith.cmpf ogt, %broadcast_in_dim3A, %gt3A_23 : vector<256x1xf32>
    %convert_element_type3A_25 = arith.extui %gt3A_24 : vector<256x1xi1> to vector<256x1xi32>
    %convert_element_type3A_26 = arith.sitofp %convert_element_type3A_25 : vector<256x1xi32> to vector<256x1xf32>
    %le3A = arith.cmpi sle, %iota3A_4, %iota3A : vector<256x256xi32>
    %convert_element_type3A_27 = arith.extui %le3A : vector<256x256xi1> to vector<256x256xi32>
    %convert_element_type3A_28 = arith.sitofp %convert_element_type3A_27 : vector<256x256xi32> to vector<256x256xf32>
    %dot_general3A_29 = arith.constant dense<0.000000e+00> : vector<256x1xf32>
    %dot_general3A_30 = tpu.matmul %convert_element_type3A_28, %convert_element_type3A_26, %dot_general3A_29 {dimension_numbers = #tpu.dot_dimension_numbers<[1], [0], [0], [1], [0, 0, 1, 1], [], []>, transpose_lhs_hint = false} : vector<256x256xf32>, vector<256x1xf32>, vector<256x1xf32> -> vector<256x1xf32>
    %sub3A = arith.constant 1.000000e+00 : f32
    %sub3A_31 = vector.broadcast %sub3A : f32 to vector<256x1xf32>
    %sub3A_32 = arith.subf %dot_general3A_30, %sub3A_31 : vector<256x1xf32>
    %eq3A_33 = vector.broadcast %sub3A_32 : vector<256x1xf32> to vector<256x256xf32>
    %eq3A_34 = vector.broadcast %convert_element_type3A_9 : vector<1x256xf32> to vector<256x256xf32>
    %eq3A_35 = arith.cmpf oeq, %eq3A_33, %eq3A_34 : vector<256x256xf32>
    %gt3A_36 = arith.constant 0.000000e+00 : f32
    %gt3A_37 = vector.broadcast %gt3A_36 : f32 to vector<256x1xf32>
    %gt3A_38 = arith.cmpf ogt, %convert_element_type3A_26, %gt3A_37 : vector<256x1xf32>
    %and3A = vector.broadcast %gt3A_38 : vector<256x1xi1> to vector<256x256xi1>
    %and3A_39 = arith.andi %eq3A_35, %and3A : vector<256x256xi1>
    %jit3A = arith.constant 1.000000e+00 : f32
    %jit3A_40 = arith.constant 0.000000e+00 : f32
    %broadcast_in_dim3A_41 = vector.broadcast %jit3A : f32 to vector<256x256xf32>
    %broadcast_in_dim3A_42 = vector.broadcast %jit3A_40 : f32 to vector<256x256xf32>
    %select_n3A = arith.select %and3A_39, %broadcast_in_dim3A_41, %broadcast_in_dim3A_42 : vector<256x256xi1>, vector<256x256xf32>
    %dot_general3A_43 = arith.constant dense<0.000000e+00> : vector<256x256xf32>
    %dot_general3A_44 = tpu.matmul %convert_element_type3A_16, %select_n3A, %dot_general3A_43 {dimension_numbers = #tpu.dot_dimension_numbers<[1], [0], [0], [1], [0, 0, 1, 1], [], []>, transpose_lhs_hint = false} : vector<256x256xf32>, vector<256x256xf32>, vector<256x256xf32> -> vector<256x256xf32>
    %dot_general3A_45 = arith.constant dense<0.000000e+00> : vector<256x1xf32>
    %dot_general3A_46 = tpu.matmul %select_n3A, %broadcast_in_dim3A, %dot_general3A_45 {dimension_numbers = #tpu.dot_dimension_numbers<[0], [0], [1], [1], [0, 1, 1, 1], [], []>, transpose_lhs_hint = false} : vector<256x256xf32>, vector<256x1xf32>, vector<256x1xf32> -> vector<256x1xf32>
    %get3A_47 = arith.constant 0 : index
    %get3A_48 = arith.constant 0 : index
    %get3A_49 = arith.constant 0 : index
    %get3A_50 = vector.load %arg2[%get3A_47, %get3A_48, %get3A_49] : memref<1x256x384xf32, #tpu.memory_space<vmem>>, vector<1x256x384xf32>
    %get3A_51 = vector.shape_cast %get3A_50 : vector<1x256x384xf32> to vector<256x384xf32>
    %dot_general3A_52 = arith.constant dense<0.000000e+00> : vector<256x384xf32>
    %dot_general3A_53 = tpu.matmul %dot_general3A_44, %get3A_51, %dot_general3A_52 {dimension_numbers = #tpu.dot_dimension_numbers<[0], [0], [1], [1], [0, 1, 1, 1], [], []>, transpose_lhs_hint = false} : vector<256x256xf32>, vector<256x384xf32>, vector<256x384xf32> -> vector<256x384xf32>
    %max3A = arith.constant 1.000000e+00 : f32
    %max3A_54 = vector.broadcast %max3A : f32 to vector<256x1xf32>
    %max3A_55 = arith.maximumf %dot_general3A_46, %max3A_54 : vector<256x1xf32>
    %div3A = vector.broadcast %max3A_55 : vector<256x1xf32> to vector<256x384xf32>
    %div3A_56 = arith.divf %dot_general3A_53, %div3A : vector<256x384xf32>
    %slice3A = vector.extract_strided_slice %div3A_56 {offsets = [0, 0], sizes = [192, 384], strides = [1, 1]} : vector<256x384xf32> to vector<192x384xf32>
    %swap3A = arith.constant 0 : index
    %swap3A_57 = arith.constant 0 : index
    %swap3A_58 = arith.constant 0 : index
    %swap3A_59 = vector.load %arg3[%swap3A, %swap3A_57, %swap3A_58] : memref<1x192x384xf32, #tpu.memory_space<vmem>>, vector<1x192x384xf32>
    %swap3A_60 = vector.shape_cast %swap3A_59 : vector<1x192x384xf32> to vector<192x384xf32>
    %swap3A_61 = vector.shape_cast %slice3A : vector<192x384xf32> to vector<1x192x384xf32>
    tpu.vector_store %arg3[%swap3A, %swap3A_57, %swap3A_58], %swap3A_61 {strides = array<i32>} : memref<1x192x384xf32, #tpu.memory_space<vmem>>, vector<1x192x384xf32>,
    %mul3A = vector.broadcast %broadcast_in_dim3A : vector<256x1xf32> to vector<256x256xf32>
    %mul3A_62 = arith.mulf %select_n3A, %mul3A : vector<256x256xf32>
    %reduce_sum3A_63 = arith.constant dense<0.000000e+00> : vector<256xf32>
    %reduce_sum3A_64 = vector.multi_reduction <add>, %mul3A_62, %reduce_sum3A_63 [0] : vector<256x256xf32> to vector<256xf32>
    %broadcast_in_dim3A_65 = vector.shape_cast %reduce_sum3A_64 : vector<256xf32> to vector<1x256xf32>
    %add3A = arith.constant 5.000000e-01 : f32
    %add3A_66 = vector.broadcast %add3A : f32 to vector<1x256xf32>
    %add3A_67 = arith.addf %broadcast_in_dim3A_65, %add3A_66 : vector<1x256xf32>
    %convert_element_type3A_68 = arith.fptosi %add3A_67 : vector<1x256xf32> to vector<1x256xi32>
    %swap3A_69 = arith.constant 0 : index
    %swap3A_70 = arith.constant 0 : index
    %swap3A_71 = arith.constant 0 : index
    %swap3A_72 = vector.load %arg4[%swap3A_69, %swap3A_70, %swap3A_71] : memref<1x1x256xi32, #tpu.memory_space<vmem>>, vector<1x1x256xi32>
    %swap3A_73 = vector.shape_cast %swap3A_72 : vector<1x1x256xi32> to vector<1x256xi32>
    %swap3A_74 = vector.shape_cast %convert_element_type3A_68 : vector<1x256xi32> to vector<1x1x256xi32>
    tpu.vector_store %arg4[%swap3A_69, %swap3A_70, %swap3A_71], %swap3A_74 {strides = array<i32>} : memref<1x1x256xi32, #tpu.memory_space<vmem>>, vector<1x1x256xi32>,
    return
  }
  func.func @transform_0(%arg0: i32) -> (i32, i32, i32) {
    %c0_i32 = arith.constant 0 : i32
    %c0_i32_0 = arith.constant 0 : i32
    %c0_i32_1 = arith.constant 0 : i32
    return %arg0, %c0_i32, %c0_i32_0 : i32, i32, i32
  }
  func.func @transform_1(%arg0: i32) -> (i32, i32, i32) {
    %c0_i32 = arith.constant 0 : i32
    %c0_i32_0 = arith.constant 0 : i32
    %c0_i32_1 = arith.constant 0 : i32
    return %arg0, %c0_i32, %c0_i32_0 : i32, i32, i32
  }
  func.func @transform_2(%arg0: i32) -> (i32, i32, i32) {
    %c0_i32 = arith.constant 0 : i32
    %c0_i32_0 = arith.constant 0 : i32
    %c0_i32_1 = arith.constant 0 : i32
    return %arg0, %c0_i32, %c0_i32_0 : i32, i32, i32
  }
  func.func @transform_3(%arg0: i32) -> (i32, i32, i32) {
    %c0_i32 = arith.constant 0 : i32
    %c0_i32_0 = arith.constant 0 : i32
    %c0_i32_1 = arith.constant 0 : i32
    return %arg0, %c0_i32, %c0_i32_0 : i32, i32, i32
  }
}

</mosaic_0001>

<sc_bundles>
// kernel: kernel.5.cloned.1.call-start
scs
__scs_entry_jumppad:
0x0: {  	(pc) =	sbr.rel $0x88, $3  }
0x1: {  	(tag) =	ssettag $0x0;
	lr =	simm.s32 $0x1  }
0x2: {  	[smem:$0x3F9F] =	sst lr;
	_ =	strace $0xD0000000  }
0x3: {  	_ = 	snop  }
0x4: {  	_ = 	snop  }
0x5: {  	_ = 	snop  }
0x6: {  	_ = 	snop  }
0x7: {  	_ = 	snop  }
__scs_overlays_trampoline_lowered:
0x8: {  	[smem:$0x3FAE] =	sst s0  }
0x9: {  	[smem:$0x3FAF] =	sst s1  }
0xa: {  	[smem:$0x3FB0] =	sst s2  }
0xb: {  	[smem:$0x3FB1] =	sst s3  }
0xc: {  	[smem:$0x3FB2] =	sst s4  }
0xd: {  	[smem:$0x3FB3] =	sst s5  }
0xe: {  	[smem:$0x3FB4] =	sst s6  }
0xf: {  	[smem:$0x3FB5] =	sst s7  }
0x10: {  	[smem:$0x3FB6] =	sst s8  }
0x11: {  	[smem:$0x3FB7] =	sst s9;
	s0 =	simm.s32 @!p0 $0x0  }
0x12: {  	s1 =	sld [smem:$0x3F9D];
	s0 =	simm.s32 @p0 $0x1  }
0x13: {  	[smem:$0x3FB8] =	sst s0;
	s0 =	simm.s32 @!p1 $0x0  }
0x14: {  	s2 =	sld [smem:$0x3F9C];
	s0 =	simm.s32 @p1 $0x1  }
0x15: {  	[smem:$0x3FB9] =	sst s0;
	s0 =	simm.s32 @!p2 $0x0  }
0x16: {  	s3 =	sld [smem:$0x3FDB];
	s0 =	simm.s32 @p2 $0x1  }
0x17: {  	s4 =	simm.s32 $0x1BF5;
	[smem:$0x3FBB] =	sst s0  }
0x18: {  	s0 =	sld [smem:$0x3F9E];
	_ =	swait.ge [sflag:s4], $0x0  }
0x19: {  	s7 =	sld [smem:$0x3F9F]  }
0x1a: {  	s8 =	sadd.s32 $0xFFFFE003, lr  }
0x1b: {  	s9 =	sadd.s32 $0xFFFFFEF7, lr;
	s5 =	simm.s32 $0xFFFFFFFF;
	p2 =	slt.u32 s8, $0xFFFFF086  }
0x1c: {  	p1 =	slt.u32 s9, $0xF7A;
	s5 =	simm.s32 @!p2 $0x0  }
0x1d: {  	s5 =	simm.s32 @p1 $0x1;
	p0 =	seq.s32 s7, s2  }
0x1e: {  	s7 =	smul.u32 @!p0 $0xF7A, s2;
	p2 =	seq.s32 @!p0 s5, $0x0  }
0x1f: {  	s9 =	smul.u32 $0xF7A, s1;
	s8 =	simm.s32 @!p0 $0x1BF5;
	p2 =	por !p2, p0  }
0x20: {  	[sflag:s8] =	ssyncset.s32 @!p0 $0xFFFFF086;
	s6 =	sadd.s32 @!p0 s3, s7;
	s7 =	simm.s32 @!p0 $0x108  }
0x21: {  	s3 =	sadd.s32 s3, s9;
	s6 =	sadd.s32 @!p0 $0x88, s6;
	s7 =	simm.s32 @p2 $0x1082  }
0x22: {  	[simem:s7], [sflag:s8] =	dma.local @!p0 [hbm:s6], $0xF7A  }
0x23: {  	s9 =	sor.u32 $0xD0000000, s2;
	s6 =	simm.s32 $0x108;
	_ =	swait.ge @!p0 [sflag:s8], $0x0  }
0x24: {  	s3 =	sadd.s32 $0x88, s3;
	s6 =	simm.s32 @!p1 $0x1082;
	[sflag:s4] =	ssyncset.s32 $0xFFFFF086  }
0x25: {  	[simem:s6], [sflag:s4] =	dma.local [hbm:s3], $0xF7A  }
0x26: {  	[smem:$0x3F9F] =	sst s1;
	(tag) =	ssettag s2;
	_ =	strace s9  }
0x27: {  	s1 =	sld [smem:$0x3FAF]  }
0x28: {  	s2 =	sld [smem:$0x3FB0]  }
0x29: {  	s4 =	sld [smem:$0x3FB2]  }
0x2a: {  	p0 =	seq.s32 s5, $0x0;
	s5 =	sld [smem:$0x3FB3]  }
0x2b: {  	s6 =	sld [smem:$0x3FB4]  }
0x2c: {  	s7 =	sld [smem:$0x3FB5]  }
0x2d: {  	s3 =	simm.s32 $0x108;
	s8 =	sld [smem:$0x3FB6]  }
0x2e: {  	s3 =	simm.s32 @!p0 $0x1082;
	s9 =	sld [smem:$0x3FB7]  }
0x2f: {  	lr =	sadd.s32 s0, s3;
	s0 =	sld [smem:$0x3FAE]  }
0x30: {  	s3 =	sld [smem:$0x3FB1]  }
0x31: {  	[smem:$0x3FBA] =	sst s10  }
0x32: {  	s10 =	sld [smem:$0x3FB8];
	_ =	sdelay $0x3  }
0x33: {  	p0 =	seq.s32 s10, $0x1;
	s10 =	sld [smem:$0x3FBA];
	_ =	sdelay $0x3  }
0x34: {  	[smem:$0x3FBA] =	sst s10  }
0x35: {  	s10 =	sld [smem:$0x3FB9];
	_ =	sdelay $0x3  }
0x36: {  	p1 =	seq.s32 s10, $0x1;
	s10 =	sld [smem:$0x3FBA];
	_ =	sdelay $0x3  }
0x37: {  	[smem:$0x3FBA] =	sst s10  }
0x38: {  	s10 =	sld [smem:$0x3FBB]  }
0x39: {  	_ = 	snop;
	(pc) =	sbr.ind lr, $3  }
0x3a: {  	_ = 	snop  }
0x3b: {  	_ = 	snop  }
0x3c: {  	p2 =	seq.s32 s10, $0x1;
	s10 =	sld [smem:$0x3FBA]  }
0x3d: {  	_ =	shalt  }
0x3e: {  	_ =	shalt  }
0x3f: {  	_ =	shalt  }
0x40: {  	_ =	shalt  }
0x41: {  	_ =	shalt  }
0x42: {  	_ =	shalt  }
0x43: {  	_ =	shalt  }
0x44: {  	_ =	shalt  }
0x45: {  	_ =	shalt  }
0x46: {  	_ =	shalt  }
0x47: {  	_ =	shalt  }
0x48: {  	_ =	shalt  }
0x49: {  	_ =	shalt  }
0x4a: {  	_ =	shalt  }
0x4b: {  	_ =	shalt  }
0x4c: {  	_ =	shalt  }
0x4d: {  	_ =	shalt  }
0x4e: {  	_ =	shalt  }
0x4f: {  	_ =	shalt  }
0x50: {  	_ =	shalt  }
0x51: {  	_ =	shalt  }
0x52: {  	_ =	shalt  }
0x53: {  	_ =	shalt  }
0x54: {  	_ =	shalt  }
0x55: {  	_ =	shalt  }
0x56: {  	_ =	shalt  }
0x57: {  	_ =	shalt  }
0x58: {  	_ =	shalt  }
0x59: {  	_ =	shalt  }
0x5a: {  	_ =	shalt  }
0x5b: {  	_ =	shalt  }
0x5c: {  	_ =	shalt  }
0x5d: {  	_ =	shalt  }
0x5e: {  	_ =	shalt  }
0x5f: {  	_ =	shalt  }
0x60: {  	_ =	shalt  }
0x61: {  	_ =	shalt  }
0x62: {  	_ =	shalt  }
0x63: {  	_ =	shalt  }
0x64: {  	_ =	shalt  }
0x65: {  	_ =	shalt  }
0x66: {  	_ =	shalt  }
0x67: {  	_ =	shalt  }
0x68: {  	_ =	shalt  }
0x69: {  	_ =	shalt  }
0x6a: {  	_ =	shalt  }
0x6b: {  	_ =	shalt  }
0x6c: {  	_ =	shalt  }
0x6d: {  	_ =	shalt  }
0x6e: {  	_ =	shalt  }
0x6f: {  	_ =	shalt  }
0x70: {  	_ =	shalt  }
0x71: {  	_ =	shalt  }
0x72: {  	_ =	shalt  }
0x73: {  	_ =	shalt  }
0x74: {  	_ =	shalt  }
0x75: {  	_ =	shalt  }
0x76: {  	_ =	shalt  }
0x77: {  	_ =	shalt  }
0x78: {  	_ =	shalt  }
0x79: {  	_ =	shalt  }
0x7a: {  	_ =	shalt  }
0x7b: {  	_ =	shalt  }
0x7c: {  	_ =	shalt  }
0x7d: {  	_ =	shalt  }
0x7e: {  	_ =	shalt  }
0x7f: {  	_ =	shalt  }
0x80: {  	_ =	shalt  }
0x81: {  	_ =	shalt  }
0x82: {  	_ =	shalt  }
0x83: {  	_ =	shalt  }
0x84: {  	_ =	shalt  }
0x85: {  	_ =	shalt  }
0x86: {  	_ =	shalt  }
0x87: {  	_ =	shalt  }
.Lfunc_end0:
.L_simem_size_0:
called_computation_lowered:
.L_overlay_start_0:
0x88: {  	s2 =	sld [smem:$0x3FD9]  }
0x89: {  	s3 =	sld [smem:$0x3FFE];
	_ =	sdelay $0x1  }
0x8a: {  	s1 =	srdreg.scid  }
0x8b: {  	s0 =	sand.u32 $0x1, s1  }
0x8c: {  	s14 =	sshll.u32 s0, $0xA;
	s2 =	sadd.s32 s3, s2  }
0x8d: {  	s2 =	sadd.s32 s2, s14  }
0x8e: {  	[smem:$0x3FC6] =	sst s2  }
0x8f: {  	_ = 	snop  }
0x90: {  	s2 =	sld [smem:$0x3FD0];
	_ =	sdelay $0x2  }
0x91: {  	s15 =	simm.s32 $0xA;
	s4 =	simm.s32 $0x10  }
0x92: {  	[smem:s4], [sflag:s15] =	dma.local [hbm:s2], $0x1  }
0x93: {  	_ =	swait.eq [sflag:s15], $0x1  }
0x94: {  	[sflag:s15] =	ssyncset.done $0x0  }
0x95: {  	s16 =	sld [smem:$0x10];
	[sflag:s15] =	ssyncadd.s32 $0xFFFFFFFF  }
0x96: {  	s17 =	sld [smem:$0x11];
	(tm) =	ssettm $0x1  }
0x97: {  	s18 =	sld [smem:$0x3FFB];
	_ =	sdelay $0x3  }
0x98: {  	_ =	strace s18  }
0x99: {  	s4 =	sld [smem:$0x3FFC];
	_ =	sdelay $0x3  }
0x9a: {  	_ =	strace s4  }
0x9b: {  	s4 =	sld [smem:$0x3FFD];
	_ =	sdelay $0x3  }
0x9c: {  	_ =	strace s4  }
0x9d: {  	_ =	strace $0x8FFFFFFF  }
0x9e: {  	s19 =	sld [smem:$0x3FDB];
	_ =	sdelay $0x1  }
0x9f: {  	s5 =	simm.s32 $_scs_section_size  }
0xa0: {  	s6 =	simm.s32 $_size__tile_overlayer_lowered;
	s7 =	simm.s32 $_tile_overlayer_lowered  }
0xa1: {  	s22 =	simm.s32 $0x1BFF;
	s21 =	sshll.u32 s7, $0x1;
	s4 =	sadd.s32 s5, s19  }
0xa2: {  	s8 =	simm.s32 $0x0;
	s20 =	sshll.u32 s6, $0x1;
	s6 =	sadd.s32 s21, s4  }
0xa3: {  	[timem:s8], [sflag:s22] =	dma.local [hbm:s6], s20  }
0xa4: {  	_ =	swait.ge [sflag:s22], s20  }
0xa5: {  	s5 =	ssub.s32 $0x0, s20;
	[sflag:s22] =	ssyncset.done $0x0  }
0xa6: {  	[sflag:s22] =	ssyncadd.s32 s5;
	_ =	sdelay $0x1  }
0xa7: {  	s23 =	simm.s32 $0x1B8B  }
0xa8: {  	_ =	swait.ge [sflag:s23], $0x1  }
0xa9: {  	[sflag:s23] =	ssyncset.done $0x0  }
0xaa: {  	s25 =	simm.s32 $0x1B8E;
	s24 =	sld [smem:$0x3FFE];
	[sflag:s23] =	ssyncadd.s32 $0xFFFFFFFF  }
0xab: {  	s26 =	simm.s32 $execute0_lowered;
	[smem:$0x3FD2] =	sst s25  }
0xac: {  	s6 =	sshll.u32 s26, $0x1;
	_ =	strace $0x80000046;
	[dreg:$0x1] =	wrdreg $0xFFFFFFFF  }
0xad: {  	s28 =	simm.s32 $_size_execute0_lowered;
	s4 =	sadd.s32 s4, s6;
	[dreg:$0x0] =	wrdreg $0x0  }
0xae: {  	s6 =	sshll.u32 s28, $0x1;
	[dreg:$0x2] =	wrdreg s4  }
0xaf: {  	[dreg:$0x3] =	wrdreg s6  }
0xb0: {  	[dreg:$0x4] =	wrdreg $0xC0  }
0xb1: {  	_ =	task [dreg:s8], $0x5FFFF  }
0xb2: {  	[dreg:$0x1] =	wrdreg $0xFFFFFFFF  }
0xb3: {  	[dreg:$0x0] =	wrdreg $0x60  }
0xb4: {  	[dreg:$0x2] =	wrdreg s16  }
0xb5: {  	[dreg:$0x3] =	wrdreg s17  }
0xb6: {  	[dreg:$0x4] =	wrdreg s24  }
0xb7: {  	[dreg:$0x5] =	wrdreg $0x9  }
0xb8: {  	_ =	task.clear_ibuf [dreg:s8], $0x6FFFF;
	_ =	strace $0x90000046  }
0xb9: {  	s29 =	simm.s32 $0x9;
	_ =	strace $0x80000048  }
0xba: {  	_ =	swait.ge [sflag:s29], $0x1  }
0xbb: {  	[sflag:s29] =	ssyncadd.s32 $0xFFFFFFFF  }
0xbc: {  	_ =	strace $0x90000048  }
0xbd: {  	_ =	sfence  }
0xbe: {  	s30 =	sld [smem:$0x0];
	_ =	sdelay $0x2  }
0xbf: {  	s31 =	sshll.u32 s1, $0xD;
	s1 =	sshrl.u32 s1, $0x2  }
0xc0: {  	s3 =	sand.u32 $0x4000, s31;
	s1 =	sadd.s32 s1, s30  }
0xc1: {  	s0 =	sor.u32 s3, s0;
	s1 =	sshll.u32 s1, $0x11  }
0xc2: {  	s0 =	sor.u32 s1, s0  }
0xc3: {  	s0 =	sadd.s32 $0x8F2B, s0  }
0xc4: {  	[sflag:s0] =	ssyncadd.remote.s32 $0x1  }
0xc5: {  	_ =	sfence.sel $0xFFFF  }
0xc6: {  	[dreg:$0x0] =	wrdreg $0xFFFFFFFF;
	(pc) =	sbr.abs _section_cstart, $3  }
0xc7: {  	[dreg:$0x1] =	wrdreg $0xFFFFFFFF  }
0xc8: {  	_ =	task.clear_ibuf [dreg:s8], $0x2FFFF;
	_ =	strace $0x9FFFFFFF  }
0xc9: {  	(tm) =	ssettm $0x7FFFFFFF  }
tec
execute0_lowered:
.L_overlay_start_1:
0x0: {  	(tag) =	ssettag $0x1  }
0x1: {  	s0 =	srdreg.scid  }
0x2: {  	s12 =	sand.u32 $0x1, s0  }
0x3: {  	s1 =	stileid.u32;
	s4 =	sshll.u32 s12, $0x4  }
0x4: {  	s4 =	sor.u32 s1, s4  }
0x5: {  	p0 =	sgt.u32 s4, $0x7  }
.Ltmp0:
0x6: {  	s11 =	rddreg [dreg:$0x0];
	(pc) =	sbr.rel @p0 .LBB2_12-.Ltmp0, $4  }
0x7: {  	s10 =	rddreg [dreg:$0x1]  }
0x8: {  	s3 =	rddreg [dreg:$0x2];
	s2 =	simm.s32 $0x0  }
0x9: {  	[smem:$0x7FF] =	sst s2  }
0xa: {  	s0 =	rddreg [dreg:$0x3];
	_ =	strace $0x80000047  }
0xb: {  	v0 =	vlaneseq.u32;
	v1 =	vimm.s32 $0x1;
	v2 =	vimm.s32 $0x0  }
0xc: {  	v5 =	vimm.s32 $0x2;
	v7 =	vimm.s32 $0x3;
	v9 =	vimm.s32 $0x4  }
0xd: {  	v11 =	vimm.s32 $0x5;
	v13 =	vimm.s32 $0x6;
	v15 =	vimm.s32 $0x7  }
0xe: {  	v17 =	vimm.s32 $0x8;
	v19 =	vimm.s32 $0x9;
	v21 =	vimm.s32 $0xA  }
0xf: {  	v23 =	vimm.s32 $0xB;
	v25 =	vimm.s32 $0xC;
	v27 =	vimm.s32 $0xD  }
0x10: {  	v29 =	vimm.s32 $0xE;
	v31 =	vimm.s32 $0xF;
	v3 =	vor.u32 $0x10, v0  }
0x11: {  	v4 =	vor.u32 $0x20, v0;
	v6 =	vor.u32 $0x30, v0;
	v8 =	vor.u32 $0x40, v0  }
0x12: {  	v10 =	vor.u32 $0x50, v0;
	v12 =	vor.u32 $0x60, v0;
	v14 =	vor.u32 $0x70, v0  }
0x13: {  	s14 =	sshll.u32 s1, $0xD;
	s5 =	simm.s32 $0x10000;
	v16 =	vor.u32 $0x80, v0;
	v18 =	vor.u32 $0x90, v0;
	v20 =	vor.u32 $0xA0, v0  }
0x14: {  	s6 =	simm.s32 $0x10180;
	s7 =	simm.s32 $0x10600;
	s8 =	simm.s32 $0x10680;
	v22 =	vor.u32 $0xB0, v0;
	v24 =	vor.u32 $0xC0, v0;
	v26 =	vor.u32 $0xD0, v0  }
0x15: {  	s9 =	simm.s32 $0x10300;
	v28 =	vor.u32 $0xE0, v0;
	v33 =	vor.u32 $0x80000010, v0;
	v34 =	vor.u32 $0x80000020, v0  }
.Ltmp1:
0x16: {  	s13 =	sshll.u32 s1, $0x5;
	v32 =	vor.u32 $0x80000000, v0;
	v35 =	vor.u32 $0x80000030, v0;
	v36 =	vor.u32 $0x80000040, v0;
	(pc) =	sbr.rel .LBB2_2-.Ltmp1, $4  }
0x17: {  	s12 =	ssub.s32 $0x2, s12;
	s4 =	sadd.s32 s13, s3;
	v37 =	vor.u32 $0x80000050, v0;
	v38 =	vor.u32 $0x80000060, v0;
	v39 =	vor.u32 $0x80000070, v0  }
0x18: {  	s15 =	sshrl.u32 s12, $0x1;
	v40 =	vor.u32 $0x80000080, v0;
	v41 =	vor.u32 $0x80000090, v0;
	s10 =	sadd.s32 s10, s13;
	s11 =	sadd.s32 s11, s14;
	v42 =	vor.u32 $0x800000A0, v0  }
0x19: {  	v43 =	vor.u32 $0x800000B0, v0;
	v44 =	vor.u32 $0x800000C0, v0;
	s13 =	simm.s32 $0x1;
	v45 =	vor.u32 $0x800000D0, v0;
	s14 =	simm.s32 $0x0;
	s12 =	ssub.s32 s12, s15  }
0x1a: {  	v30 =	vor.u32 $0xF0, v0;
	v46 =	vor.u32 $0x800000E0, v0;
	v47 =	vor.u32 $0x800000F0, v0;
	s3 =	sadd.s32 $0x1400, s4;
	s4 =	sadd.s32 $0x1600, s4;
	s12 =	smax.u32 s12, $0x1  }
.LBB2_11:
0x1b: {  	s14 =	sadd.s32 $0x1, s14  }
0x1c: {  	p0 =	sne.s32 s14, s12  }
.Ltmp2:
0x1d: {  	_ = 	snop;
	(pc) =	sbr.rel @!p0 .LBB2_12-.Ltmp2, $4  }
0x1e: {  	[hbm4b:s4+s2] =	stream.linear.scatter [tilespmem:s9], [sflag:$0x1], $0x100, $0x38;
	[tilespmem:$0x10800] =	vst v63  }
0x1f: {  	_ =	swait.ge [sflag:s13], $0x100  }
0x20: {  	[sflag:s13] =	ssyncset.done $0x0  }
0x21: {  	[sflag:s13] =	ssyncadd.s32 $0xFFFFFF00  }
.LBB2_2:
0x22: {  	s15 =	simm.s32 $0x0  }
0x23: {  	[tilespmem:s15], [sflag:$0x1] =	stream.linear.gather [hbm4b:s11+s15], $0x10000, $0x38;
	[tilespmem:$0x10800] =	vst v63  }
0x24: {  	_ =	swait.ge [sflag:s13], $0x10000  }
0x25: {  	[sflag:s13] =	ssyncset.done $0x0  }
0x26: {  	[sflag:s13] =	ssyncadd.s32 $0xFFFF0000  }
0x27: {  	[tilespmem:s5], [sflag:$0x1] =	stream.linear.gather [hbm4b:s10+s15], $0x100, $0x38;
	[tilespmem:$0x10800] =	vst v63  }
0x28: {  	_ =	swait.ge [sflag:s13], $0x100  }
0x29: {  	[sflag:s13] =	ssyncset.done $0x0  }
0x2a: {  	[sflag:s13] =	ssyncadd.s32 $0xFFFFFF00  }
0x2b: {  	[tilespmem:s6], [sflag:$0x1] =	stream.linear.gather [hbm4b:s3+s15], $0x100, $0x38;
	[tilespmem:$0x10800] =	vst v63  }
0x2c: {  	_ =	swait.ge [sflag:s13], $0x100  }
0x2d: {  	[sflag:s13] =	ssyncset.done $0x0  }
0x2e: {  	[sflag:s13] =	ssyncadd.s32 $0xFFFFFF00  }
0x2f: {  	v48 =	vld [tilespmem:$0x10000];
	_ =	sdelay $0x4  }
0x30: {  	(xrf0) =	vmax.scan.msk.f32 $0xffff, v48;
	_ =	sdelay $0x5  }
0x31: {  	v48, _, _ =	vpop (xrf0)  }
0x32: {  	[tilespmem:$0x10300] =	vst v0;
	v48 =	vbroadcast v48, $0xF  }
0x33: {  	[tilespmem:$0x10680] =	vst v1  }
0x34: {  	[tilespmem:v2+s7+$0x0] =	vst.idx.msk $0x1, v48  }
0x35: {  	v48 =	vld [tilespmem:$0x10010];
	_ =	sdelay $0x4  }
0x36: {  	(xrf0) =	vmax.scan.msk.f32 $0xffff, v48;
	_ =	sdelay $0x5  }
0x37: {  	v48, _, _ =	vpop (xrf0)  }
0x38: {  	[tilespmem:$0x10310] =	vst v3;
	v48 =	vbroadcast v48, $0xF  }
0x39: {  	[tilespmem:$0x10690] =	vst v1  }
0x3a: {  	[tilespmem:v1+s7+$0x0] =	vst.idx.msk $0x1, v48  }
0x3b: {  	v48 =	vld [tilespmem:$0x10020];
	_ =	sdelay $0x4  }
0x3c: {  	(xrf0) =	vmax.scan.msk.f32 $0xffff, v48;
	_ =	sdelay $0x5  }
0x3d: {  	v48, _, _ =	vpop (xrf0)  }
0x3e: {  	[tilespmem:$0x10320] =	vst v4;
	v48 =	vbroadcast v48, $0xF  }
0x3f: {  	[tilespmem:$0x106A0] =	vst v1  }
0x40: {  	[tilespmem:v5+s7+$0x0] =	vst.idx.msk $0x1, v48  }
0x41: {  	v48 =	vld [tilespmem:$0x10030];
	_ =	sdelay $0x4  }
0x42: {  	(xrf0) =	vmax.scan.msk.f32 $0xffff, v48;
	_ =	sdelay $0x5  }
0x43: {  	v48, _, _ =	vpop (xrf0)  }
0x44: {  	[tilespmem:$0x10330] =	vst v6;
	v48 =	vbroadcast v48, $0xF  }
0x45: {  	[tilespmem:$0x106B0] =	vst v1  }
0x46: {  	[tilespmem:v7+s7+$0x0] =	vst.idx.msk $0x1, v48  }
0x47: {  	v48 =	vld [tilespmem:$0x10040];
	_ =	sdelay $0x4  }
0x48: {  	(xrf0) =	vmax.scan.msk.f32 $0xffff, v48;
	_ =	sdelay $0x5  }
0x49: {  	v48, _, _ =	vpop (xrf0)  }
0x4a: {  	[tilespmem:$0x10340] =	vst v8;
	v48 =	vbroadcast v48, $0xF  }
0x4b: {  	[tilespmem:$0x106C0] =	vst v1  }
0x4c: {  	[tilespmem:v9+s7+$0x0] =	vst.idx.msk $0x1, v48  }
0x4d: {  	v48 =	vld [tilespmem:$0x10050];
	_ =	sdelay $0x4  }
0x4e: {  	(xrf0) =	vmax.scan.msk.f32 $0xffff, v48;
	_ =	sdelay $0x5  }
0x4f: {  	v48, _, _ =	vpop (xrf0)  }
0x50: {  	[tilespmem:$0x10350] =	vst v10;
	v48 =	vbroadcast v48, $0xF  }
0x51: {  	[tilespmem:$0x106D0] =	vst v1  }
0x52: {  	[tilespmem:v11+s7+$0x0] =	vst.idx.msk $0x1, v48  }
0x53: {  	v48 =	vld [tilespmem:$0x10060];
	_ =	sdelay $0x4  }
0x54: {  	(xrf0) =	vmax.scan.msk.f32 $0xffff, v48;
	_ =	sdelay $0x5  }
0x55: {  	v48, _, _ =	vpop (xrf0)  }
0x56: {  	[tilespmem:$0x10360] =	vst v12;
	v48 =	vbroadcast v48, $0xF  }
0x57: {  	[tilespmem:$0x106E0] =	vst v1  }
0x58: {  	[tilespmem:v13+s7+$0x0] =	vst.idx.msk $0x1, v48  }
0x59: {  	v48 =	vld [tilespmem:$0x10070];
	_ =	sdelay $0x4  }
0x5a: {  	(xrf0) =	vmax.scan.msk.f32 $0xffff, v48;
	_ =	sdelay $0x5  }
0x5b: {  	v48, _, _ =	vpop (xrf0)  }
0x5c: {  	[tilespmem:$0x10370] =	vst v14;
	v48 =	vbroadcast v48, $0xF  }
0x5d: {  	[tilespmem:$0x106F0] =	vst v1  }
0x5e: {  	[tilespmem:v15+s7+$0x0] =	vst.idx.msk $0x1, v48  }
0x5f: {  	v48 =	vld [tilespmem:$0x10080];
	_ =	sdelay $0x4  }
0x60: {  	(xrf0) =	vmax.scan.msk.f32 $0xffff, v48;
	_ =	sdelay $0x5  }
0x61: {  	v48, _, _ =	vpop (xrf0)  }
0x62: {  	[tilespmem:$0x10380] =	vst v16;
	v48 =	vbroadcast v48, $0xF  }
0x63: {  	[tilespmem:$0x10700] =	vst v1  }
0x64: {  	[tilespmem:v17+s7+$0x0] =	vst.idx.msk $0x1, v48  }
0x65: {  	v48 =	vld [tilespmem:$0x10090];
	_ =	sdelay $0x4  }
0x66: {  	(xrf0) =	vmax.scan.msk.f32 $0xffff, v48;
	_ =	sdelay $0x5  }
0x67: {  	v48, _, _ =	vpop (xrf0)  }
0x68: {  	[tilespmem:$0x10390] =	vst v18;
	v48 =	vbroadcast v48, $0xF  }
0x69: {  	[tilespmem:$0x10710] =	vst v1  }
0x6a: {  	[tilespmem:v19+s7+$0x0] =	vst.idx.msk $0x1, v48  }
0x6b: {  	v48 =	vld [tilespmem:$0x100A0];
	_ =	sdelay $0x4  }
0x6c: {  	(xrf0) =	vmax.scan.msk.f32 $0xffff, v48;
	_ =	sdelay $0x5  }
0x6d: {  	v48, _, _ =	vpop (xrf0)  }
0x6e: {  	[tilespmem:$0x103A0] =	vst v20;
	v48 =	vbroadcast v48, $0xF  }
0x6f: {  	[tilespmem:$0x10720] =	vst v1  }
0x70: {  	[tilespmem:v21+s7+$0x0] =	vst.idx.msk $0x1, v48  }
0x71: {  	v48 =	vld [tilespmem:$0x100B0];
	_ =	sdelay $0x4  }
0x72: {  	(xrf0) =	vmax.scan.msk.f32 $0xffff, v48;
	_ =	sdelay $0x5  }
0x73: {  	v48, _, _ =	vpop (xrf0)  }
0x74: {  	[tilespmem:$0x103B0] =	vst v22;
	v48 =	vbroadcast v48, $0xF  }
0x75: {  	[tilespmem:$0x10730] =	vst v1  }
0x76: {  	[tilespmem:v23+s7+$0x0] =	vst.idx.msk $0x1, v48  }
0x77: {  	v48 =	vld [tilespmem:$0x100C0];
	_ =	sdelay $0x4  }
0x78: {  	(xrf0) =	vmax.scan.msk.f32 $0xffff, v48;
	_ =	sdelay $0x5  }
0x79: {  	v48, _, _ =	vpop (xrf0)  }
0x7a: {  	[tilespmem:$0x103C0] =	vst v24;
	v48 =	vbroadcast v48, $0xF  }
0x7b: {  	[tilespmem:$0x10740] =	vst v1  }
0x7c: {  	[tilespmem:v25+s7+$0x0] =	vst.idx.msk $0x1, v48  }
0x7d: {  	v48 =	vld [tilespmem:$0x100D0];
	_ =	sdelay $0x4  }
0x7e: {  	(xrf0) =	vmax.scan.msk.f32 $0xffff, v48;
	_ =	sdelay $0x5  }
0x7f: {  	v48, _, _ =	vpop (xrf0)  }
0x80: {  	[tilespmem:$0x103D0] =	vst v26;
	v48 =	vbroadcast v48, $0xF  }
0x81: {  	[tilespmem:$0x10750] =	vst v1  }
0x82: {  	[tilespmem:v27+s7+$0x0] =	vst.idx.msk $0x1, v48  }
0x83: {  	v48 =	vld [tilespmem:$0x100E0];
	_ =	sdelay $0x4  }
0x84: {  	(xrf0) =	vmax.scan.msk.f32 $0xffff, v48;
	_ =	sdelay $0x5  }
0x85: {  	v48, _, _ =	vpop (xrf0)  }
0x86: {  	[tilespmem:$0x103E0] =	vst v28;
	v48 =	vbroadcast v48, $0xF  }
0x87: {  	[tilespmem:$0x10760] =	vst v1  }
0x88: {  	[tilespmem:v29+s7+$0x0] =	vst.idx.msk $0x1, v48  }
0x89: {  	v48 =	vld [tilespmem:$0x100F0];
	_ =	sdelay $0x4  }
0x8a: {  	(xrf0) =	vmax.scan.msk.f32 $0xffff, v48;
	_ =	sdelay $0x4  }
.Ltmp3:
0x8b: {  	_ = 	snop;
	(pc) =	sbr.rel .LBB2_3-.Ltmp3, $4  }
0x8c: {  	v48, _, _ =	vpop (xrf0)  }
0x8d: {  	[tilespmem:$0x103F0] =	vst v30;
	v48 =	vbroadcast v48, $0xF  }
0x8e: {  	[tilespmem:$0x10770] =	vst v1  }
0x8f: {  	[tilespmem:v31+s7+$0x0] =	vst.idx.msk $0x1, v48  }
.LBB2_10:
0x90: {  	s15 =	sadd.s32 $0x1, s15  }
0x91: {  	p0 =	sne.s32 s15, $0x40  }
.Ltmp4:
0x92: {  	_ = 	snop;
	(pc) =	sbr.rel @!p0 .LBB2_11-.Ltmp4, $1  }
0x93: {  	_ =	sdelay $0x3  }
.LBB2_3:
0x94: {  	v48 =	vld [tilespmem:$0x10600];
	_ =	sdelay $0x4  }
0x95: {  	(xrf0) =	vmax.scan.msk.f32 $0xffff, v48;
	_ =	sdelay $0x5  }
0x96: {  	v49, _, _ =	vpop (xrf0)  }
0x97: {  	v49 =	vbroadcast v49, $0xF;
	_ =	sdelay $0x1  }
0x98: {  	vm0 =	veq.f32 v48, v49  }
0x99: {  	v48 =	vmctz.xlane vm0;
	_ =	sdelay $0x1  }
0x9a: {  	(v2sf) =	vpush v48, $0x0;
	_ =	sdelay $0xe  }
0x9b: {  	s16 =	spop (v2sf)  }
0x9c: {  	s16 =	sshll.u32 s16, $0x4  }
0x9d: {  	v61 =	vld [tilespmem:s16+$0x10000];
	_ =	sdelay $0x4  }
0x9e: {  	vm15 =	veq.f32 v61, v49  }
0x9f: {  	v48 =	vmctz.xlane vm15;
	_ =	sdelay $0x1  }
0xa0: {  	(v2sf) =	vpush v48, $0x0;
	_ =	sdelay $0xe  }
0xa1: {  	s19 =	spop (v2sf)  }
0xa2: {  	s18 =	sadd.s32 s16, s19  }
0xa3: {  	v49 =	vld [tilespmem:s18+$0x10180];
	_ =	sdelay $0x4  }
0xa4: {  	(v2sf) =	vpush v49, $0x0;
	_ =	sdelay $0xe  }
0xa5: {  	v50 =	vld [tilespmem:s18+$0x10300];
	s17 =	spop (v2sf)  }
0xa6: {  	v62 =	vld [tilespmem:s17+$0x10300];
	_ =	sdelay $0x3  }
0xa7: {  	(v2sf) =	vpush v50, $0x0  }
0xa8: {  	(v2sf) =	vpush v62, $0x0;
	_ =	sdelay $0xd  }
0xa9: {  	s20 =	spop (v2sf)  }
0xaa: {  	v51 =	vld [tilespmem:s20+$0x10680];
	s16 =	spop (v2sf)  }
0xab: {  	v52 =	vld [tilespmem:s16+$0x10680];
	_ =	sdelay $0x3  }
0xac: {  	(v2sf) =	vpush v51, $0x0  }
0xad: {  	(v2sf) =	vpush v52, $0x0;
	_ =	sdelay $0xd  }
0xae: {  	s31 =	spop (v2sf)  }
0xaf: {  	s21 =	spop (v2sf)  }
0xb0: {  	v48 =	vbroadcast v62, $0x0;
	s20 =	sadd.s32 s31, s21  }
0xb1: {  	p0 =	sne.s32 s20, $0x2  }
.Ltmp5:
0xb2: {  	_ = 	snop;
	(pc) =	sbr.rel @p0 .LBB2_6-.Ltmp5, $3  }
0xb3: {  	_ =	sdelay $0x1  }
0xb4: {  	v63 =	vmov s20  }
0xb5: {  	[tilespmem:v48+s8+$0x0] =	vst.idx.msk $0x1, v63  }
0xb6: {  	v50 =	vmov s18;
	_ =	sdelay $0x3  }
0xb7: {  	s20 =	sshll.u32 s18, $0x8;
	s19 =	sshll.u32 s19, $0x7  }
0xb8: {  	s20 =	sand.u32 $0xFFFFF800, s20;
	s19 =	sand.u32 $0x380, s19;
	[tilespmem:v50+s9+$0x0] =	vst.idx.msk $0x1, v48  }
0xb9: {  	s19 =	sor.u32 s19, s20;
	v51 =	vld [tilespmem:$0x10300]  }
0xba: {  	v52 =	vld [tilespmem:s19+$0x0]  }
0xbb: {  	v53 =	vld [tilespmem:$0x10310]  }
0xbc: {  	v54 =	vld [tilespmem:s19+$0x10]  }
0xbd: {  	v55 =	vld [tilespmem:$0x10320]  }
0xbe: {  	v63 =	vld [tilespmem:s19+$0x20];
	vm0 =	veq.s32 v51, v48  }
0xbf: {  	v56 =	vld [tilespmem:$0x10330];
	v52 =	vsel vm0, $0xFF61B1E6, v52  }
0xc0: {  	v60 =	vld [tilespmem:s19+$0x30];
	vm1 =	veq.s32 v53, v48;
	vm0 =	vgt.f32 v52, $-3.000000010e+38  }
0xc1: {  	v57 =	vld [tilespmem:$0x10340];
	v54 =	vsel vm1, $0xFF61B1E6, v54;
	v52 =	vnsel vm0, $0xFF61B1E6, v52  }
0xc2: {  	v61 =	vld [tilespmem:s19+$0x40];
	vm11 =	veq.s32 v55, v48;
	vm0 =	vgt.f32 v54, v52  }
0xc3: {  	v51 =	vsel vm11, $0xFF61B1E6, v63;
	v52 =	vsel vm0, v54, v52;
	v54 =	vld [tilespmem:$0x10350]  }
0xc4: {  	v62 =	vld [tilespmem:s19+$0x50];
	vm2 =	veq.s32 v56, v48;
	vm1 =	vgt.f32 v51, v52  }
0xc5: {  	v53 =	vld [tilespmem:$0x10360];
	v63 =	vsel vm2, $0xFF61B1E6, v60;
	v51 =	vsel vm1, v51, v52  }
0xc6: {  	vm3 =	veq.s32 v57, v48;
	v57 =	vld [tilespmem:s19+$0x60];
	vm2 =	vgt.f32 v63, v51  }
0xc7: {  	v60 =	vsel vm3, $0xFF61B1E6, v61;
	v61 =	vld [tilespmem:$0x10370];
	v51 =	vsel vm2, v63, v51  }
0xc8: {  	vm3 =	vgt.f32 v60, v51;
	vm4 =	veq.s32 v54, v48;
	v54 =	vld [tilespmem:s19+$0x70]  }
0xc9: {  	v63 =	vld [tilespmem:$0x10380];
	v51 =	vsel vm3, v60, v51;
	v62 =	vsel vm4, $0xFF61B1E6, v62  }
0xca: {  	vm5 =	veq.s32 v53, v48;
	v53 =	vld [tilespmem:s19+$0x400];
	vm4 =	vgt.f32 v62, v51  }
0xcb: {  	v60 =	vsel vm5, $0xFF61B1E6, v57;
	v57 =	vld [tilespmem:$0x10390];
	v51 =	vsel vm4, v62, v51  }
0xcc: {  	vm6 =	veq.s32 v61, v48;
	v61 =	vld [tilespmem:s19+$0x410];
	vm5 =	vgt.f32 v60, v51  }
0xcd: {  	v51 =	vsel vm5, v60, v51;
	v62 =	vsel vm6, $0xFF61B1E6, v54;
	v54 =	vld [tilespmem:$0x103A0]  }
0xce: {  	vm7 =	veq.s32 v63, v48;
	v63 =	vld [tilespmem:s19+$0x420];
	vm6 =	vgt.f32 v62, v51  }
0xcf: {  	v60 =	vsel vm7, $0xFF61B1E6, v53;
	v53 =	vld [tilespmem:$0x103B0];
	v51 =	vsel vm6, v62, v51  }
0xd0: {  	vm8 =	veq.s32 v57, v48;
	v57 =	vld [tilespmem:s19+$0x430];
	vm7 =	vgt.f32 v60, v51  }
0xd1: {  	v61 =	vsel vm8, $0xFF61B1E6, v61;
	v62 =	vld [tilespmem:$0x103C0];
	v51 =	vsel vm7, v60, v51  }
0xd2: {  	vm8 =	vgt.f32 v61, v51;
	vm9 =	veq.s32 v54, v48;
	v54 =	vld [tilespmem:s19+$0x440]  }
0xd3: {  	v60 =	vld [tilespmem:$0x103D0];
	v51 =	vsel vm8, v61, v51;
	v63 =	vsel vm9, $0xFF61B1E6, v63  }
0xd4: {  	vm10 =	veq.s32 v53, v48;
	v53 =	vld [tilespmem:s19+$0x450];
	vm9 =	vgt.f32 v63, v51  }
0xd5: {  	v61 =	vsel vm10, $0xFF61B1E6, v57;
	v57 =	vld [tilespmem:$0x103E0];
	v51 =	vsel vm9, v63, v51  }
0xd6: {  	vm11 =	veq.s32 v62, v48;
	v62 =	vld [tilespmem:s19+$0x460];
	vm10 =	vgt.f32 v61, v51  }
0xd7: {  	v51 =	vsel vm10, v61, v51;
	v63 =	vsel vm11, $0xFF61B1E6, v54;
	v54 =	vld [tilespmem:$0x103F0]  }
0xd8: {  	vm12 =	veq.s32 v60, v48;
	v60 =	vld [tilespmem:s19+$0x470];
	vm11 =	vgt.f32 v63, v51  }
0xd9: {  	v61 =	vsel vm12, $0xFF61B1E6, v53;
	v51 =	vsel vm11, v63, v51  }
0xda: {  	vm12 =	veq.s32 v57, v48;
	vm13 =	vgt.f32 v61, v51  }
0xdb: {  	v62 =	vsel vm12, $0xFF61B1E6, v62;
	v63 =	vsel vm0, v33, v32;
	v51 =	vsel vm13, v61, v51  }
0xdc: {  	v53 =	vsel vm1, v34, v63;
	vm12 =	veq.s32 v54, v48;
	vm14 =	vgt.f32 v62, v51  }
0xdd: {  	v53 =	vsel vm2, v35, v53;
	v51 =	vsel vm14, v62, v51;
	v56 =	vsel vm12, $0xFF61B1E6, v60  }
0xde: {  	v53 =	vsel vm3, v36, v53;
	vm0 =	vgt.f32 v56, v51  }
0xdf: {  	v57 =	vsel vm4, v37, v53;
	v51 =	vsel vm0, v56, v51  }
0xe0: {  	v52 =	vsel vm5, v38, v57;
	(xrf0) =	vmax.scan.msk.f32 $0xffff, v51  }
0xe1: {  	v52 =	vsel vm6, v39, v52  }
0xe2: {  	v52 =	vsel vm7, v40, v52  }
0xe3: {  	v52 =	vsel vm8, v41, v52  }
0xe4: {  	v52 =	vsel vm9, v42, v52  }
0xe5: {  	v52 =	vsel vm10, v43, v52  }
0xe6: {  	v52 =	vsel vm11, v44, v52;
	v58, _, _ =	vpop (xrf0)  }
0xe7: {  	v52 =	vsel vm13, v45, v52;
	v53 =	vbroadcast v58, $0xF  }
0xe8: {  	v52 =	vsel vm14, v46, v52  }
0xe9: {  	v59 =	vsel vm0, v47, v52;
	vm15 =	veq.f32 v51, v53  }
0xea: {  	v51 =	vnsel vm15, $0x80000200, v59  }
0xeb: {  	(xrf0) =	vmin.scan.msk.u32 $0xffff, v51;
	_ =	sdelay $0x5  }
0xec: {  	v51, _, _ =	vpop (xrf0)  }
0xed: {  	(v2sf) =	vpush v51, $0xF;
	_ =	sdelay $0xe  }
0xee: {  	s26 =	spop (v2sf)  }
0xef: {  	s19 =	sxor.u32 $0x80000000, s26  }
0xf0: {  	[tilespmem:v50+s5+$0x0] =	vst.idx.msk $0x1, v53;
	v60 =	vmov s19  }
0xf1: {  	s28 =	sand.u32 $0xFFFFFFF0, s18;
	[tilespmem:v50+s6+$0x0] =	vst.idx.msk $0x1, v60  }
0xf2: {  	v50 =	vld [tilespmem:s28+$0x10000];
	_ =	sdelay $0x4  }
0xf3: {  	(xrf0) =	vmax.scan.msk.f32 $0xffff, v50  }
0xf4: {  	s29 =	sshrl.u32 s18, $0x4  }
0xf5: {  	v61 =	vmov s29  }
0xf6: {  	v50 =	vbroadcast v61, $0x0;
	_ =	sdelay $0x2  }
0xf7: {  	v62, _, _ =	vpop (xrf0)  }
0xf8: {  	v51 =	vbroadcast v62, $0xF;
	_ =	sdelay $0x1  }
0xf9: {  	[tilespmem:v50+s7+$0x0] =	vst.idx.msk $0x1, v51  }
0xfa: {  	v50 =	vld [tilespmem:s17+$0x10180];
	_ =	sdelay $0x4  }
0xfb: {  	(v2sf) =	vpush v50, $0x0;
	_ =	sdelay $0xe  }
0xfc: {  	s30 =	spop (v2sf)  }
0xfd: {  	v63 =	vld [tilespmem:s30+$0x10300];
	_ =	sdelay $0x4  }
0xfe: {  	(v2sf) =	vpush v63, $0x0;
	_ =	sdelay $0xe  }
0xff: {  	s31 =	spop (v2sf)  }
0x100: {  	p0 =	sne.s32 s31, s16  }
.Ltmp6:
0x101: {  	_ = 	snop;
	(pc) =	sbr.rel @p0 .LBB2_10-.Ltmp6, $1  }
0x102: {  	_ =	sdelay $0x3  }
0x103: {  	s16 =	sshll.u32 s17, $0x8;
	s18 =	sshll.u32 s17, $0x7  }
0x104: {  	s16 =	sand.u32 $0xFFFFF800, s16;
	s18 =	sand.u32 $0x380, s18  }
0x105: {  	v50 =	vld [tilespmem:$0x10300];
	s16 =	sor.u32 s18, s16  }
0x106: {  	v51 =	vld [tilespmem:s16+$0x0]  }
0x107: {  	v52 =	vld [tilespmem:$0x10310]  }
0x108: {  	v53 =	vld [tilespmem:s16+$0x10]  }
0x109: {  	v54 =	vld [tilespmem:$0x10320]  }
0x10a: {  	v62 =	vld [tilespmem:s16+$0x20];
	vm0 =	veq.s32 v50, v48  }
0x10b: {  	v55 =	vld [tilespmem:$0x10330];
	v51 =	vsel vm0, $0xFF61B1E6, v51  }
0x10c: {  	v63 =	vld [tilespmem:s16+$0x30];
	vm1 =	veq.s32 v52, v48;
	vm0 =	vgt.f32 v51, $-3.000000010e+38  }
0x10d: {  	v56 =	vld [tilespmem:$0x10340];
	v53 =	vsel vm1, $0xFF61B1E6, v53;
	v51 =	vnsel vm0, $0xFF61B1E6, v51  }
0x10e: {  	vm11 =	veq.s32 v54, v48;
	v54 =	vld [tilespmem:s16+$0x40];
	vm0 =	vgt.f32 v53, v51  }
0x10f: {  	v50 =	vsel vm11, $0xFF61B1E6, v62;
	v51 =	vsel vm0, v53, v51;
	v53 =	vld [tilespmem:$0x10350]  }
0x110: {  	v60 =	vld [tilespmem:s16+$0x50];
	vm2 =	veq.s32 v55, v48;
	vm1 =	vgt.f32 v50, v51  }
0x111: {  	v61 =	vsel vm2, $0xFF61B1E6, v63;
	v62 =	vld [tilespmem:$0x10360];
	v50 =	vsel vm1, v50, v51  }
0x112: {  	vm3 =	veq.s32 v56, v48;
	v63 =	vld [tilespmem:s16+$0x60];
	vm2 =	vgt.f32 v61, v50  }
0x113: {  	v58 =	vsel vm3, $0xFF61B1E6, v54;
	v54 =	vld [tilespmem:$0x10370];
	v50 =	vsel vm2, v61, v50  }
0x114: {  	vm3 =	vgt.f32 v58, v50;
	vm4 =	veq.s32 v53, v48;
	v53 =	vld [tilespmem:s16+$0x70]  }
0x115: {  	v50 =	vsel vm3, v58, v50;
	v59 =	vsel vm4, $0xFF61B1E6, v60;
	v60 =	vld [tilespmem:$0x10380]  }
0x116: {  	vm5 =	veq.s32 v62, v48;
	v61 =	vld [tilespmem:s16+$0x400];
	vm4 =	vgt.f32 v59, v50  }
0x117: {  	v62 =	vsel vm5, $0xFF61B1E6, v63;
	v63 =	vld [tilespmem:$0x10390];
	v50 =	vsel vm4, v59, v50  }
0x118: {  	vm6 =	veq.s32 v54, v48;
	v54 =	vld [tilespmem:s16+$0x410];
	vm5 =	vgt.f32 v62, v50  }
0x119: {  	v50 =	vsel vm5, v62, v50;
	v59 =	vsel vm6, $0xFF61B1E6, v53;
	v53 =	vld [tilespmem:$0x103A0]  }
0x11a: {  	vm6 =	vgt.f32 v59, v50;
	vm7 =	veq.s32 v60, v48;
	v60 =	vld [tilespmem:s16+$0x420]  }
0x11b: {  	v62 =	vld [tilespmem:$0x103B0];
	v50 =	vsel vm6, v59, v50;
	v61 =	vsel vm7, $0xFF61B1E6, v61  }
0x11c: {  	vm8 =	veq.s32 v63, v48;
	v63 =	vld [tilespmem:s16+$0x430];
	vm7 =	vgt.f32 v61, v50  }
0x11d: {  	v59 =	vsel vm8, $0xFF61B1E6, v54;
	v54 =	vld [tilespmem:$0x103C0];
	v50 =	vsel vm7, v61, v50  }
0x11e: {  	vm8 =	vgt.f32 v59, v50;
	vm9 =	veq.s32 v53, v48;
	v53 =	vld [tilespmem:s16+$0x440]  }
0x11f: {  	v61 =	vld [tilespmem:$0x103D0];
	v50 =	vsel vm8, v59, v50;
	v60 =	vsel vm9, $0xFF61B1E6, v60  }
0x120: {  	v52 =	vld [tilespmem:s16+$0x450];
	vm10 =	veq.s32 v62, v48;
	vm9 =	vgt.f32 v60, v50  }
0x121: {  	v62 =	vsel vm10, $0xFF61B1E6, v63;
	v63 =	vld [tilespmem:$0x103E0];
	v50 =	vsel vm9, v60, v50  }
0x122: {  	v58 =	vld [tilespmem:s16+$0x460];
	vm11 =	veq.s32 v54, v48;
	vm10 =	vgt.f32 v62, v50  }
0x123: {  	v60 =	vld [tilespmem:$0x103F0];
	v50 =	vsel vm10, v62, v50;
	v59 =	vsel vm11, $0xFF61B1E6, v53  }
0x124: {  	vm12 =	veq.s32 v61, v48;
	v61 =	vld [tilespmem:s16+$0x470];
	vm11 =	vgt.f32 v59, v50  }
0x125: {  	v62 =	vsel vm12, $0xFF61B1E6, v52;
	v50 =	vsel vm11, v59, v50  }
0x126: {  	vm12 =	veq.s32 v63, v48;
	vm13 =	vgt.f32 v62, v50  }
0x127: {  	v56 =	vsel vm0, v33, v32;
	v63 =	vsel vm12, $0xFF61B1E6, v58;
	v50 =	vsel vm13, v62, v50  }
0x128: {  	v57 =	vsel vm1, v34, v56;
	vm12 =	veq.s32 v60, v48;
	vm14 =	vgt.f32 v63, v50  }
0x129: {  	v48 =	vsel vm2, v35, v57;
	v58 =	vsel vm12, $0xFF61B1E6, v61;
	v50 =	vsel vm14, v63, v50  }
0x12a: {  	v48 =	vsel vm3, v36, v48;
	vm0 =	vgt.f32 v58, v50  }
0x12b: {  	v48 =	vsel vm4, v37, v48;
	v50 =	vsel vm0, v58, v50  }
0x12c: {  	v48 =	vsel vm5, v38, v48;
	(xrf0) =	vmax.scan.msk.f32 $0xffff, v50  }
0x12d: {  	v48 =	vsel vm6, v39, v48  }
0x12e: {  	v48 =	vsel vm7, v40, v48  }
0x12f: {  	v48 =	vsel vm8, v41, v48  }
0x130: {  	v48 =	vsel vm9, v42, v48  }
0x131: {  	v48 =	vsel vm10, v43, v48  }
0x132: {  	v48 =	vsel vm11, v44, v48;
	v59, _, _ =	vpop (xrf0)  }
0x133: {  	v48 =	vsel vm13, v45, v48;
	v51 =	vbroadcast v59, $0xF  }
0x134: {  	v48 =	vsel vm14, v46, v48  }
0x135: {  	v48 =	vsel vm0, v47, v48;
	vm15 =	veq.f32 v50, v51  }
0x136: {  	v48 =	vnsel vm15, $0x80000200, v48  }
0x137: {  	(xrf0) =	vmin.scan.msk.u32 $0xffff, v48;
	_ =	sdelay $0x5  }
0x138: {  	v48, _, _ =	vpop (xrf0)  }
0x139: {  	(v2sf) =	vpush v48, $0xF;
	_ =	sdelay $0xa  }
0x13a: {  	v60 =	vbroadcast v49, $0x0;
	_ =	sdelay $0x3  }
0x13b: {  	s29 =	spop (v2sf)  }
0x13c: {  	s16 =	sxor.u32 $0x80000000, s29  }
0x13d: {  	[tilespmem:v60+s5+$0x0] =	vst.idx.msk $0x1, v51;
	v61 =	vmov s16  }
0x13e: {  	s30 =	sand.u32 $0xFFFFFFF0, s17;
	[tilespmem:v60+s6+$0x0] =	vst.idx.msk $0x1, v61  }
0x13f: {  	v48 =	vld [tilespmem:s30+$0x10000];
	_ =	sdelay $0x4  }
0x140: {  	(xrf0) =	vmax.scan.msk.f32 $0xffff, v48  }
0x141: {  	s31 =	sshrl.u32 s17, $0x4  }
0x142: {  	v62 =	vmov s31  }
0x143: {  	v48 =	vbroadcast v62, $0x0;
	_ =	sdelay $0x1  }
.Ltmp7:
0x144: {  	_ = 	snop;
	(pc) =	sbr.rel .LBB2_10-.Ltmp7, $3  }
0x145: {  	v63, _, _ =	vpop (xrf0)  }
0x146: {  	v49 =	vbroadcast v63, $0xF;
	_ =	sdelay $0x1  }
0x147: {  	[tilespmem:v48+s7+$0x0] =	vst.idx.msk $0x1, v49  }
.LBB2_6:
0x148: {  	v51 =	vld [tilespmem:$0x10300];
	_ =	sdelay $0x2  }
0x149: {  	v49 =	vbroadcast v50, $0x0;
	_ =	sdelay $0x1  }
0x14a: {  	vm0 =	veq.s32 v51, v49;
	vm1 =	veq.s32 v51, v48  }
0x14b: {  	vm1 =	vmor vm0, vm1  }
0x14c: {  	v59 =	vsel vm1, $0x1, v2  }
0x14d: {  	(xrf0) =	vadd.scan.msk.s32 $0xffff, v59;
	_ =	sdelay $0x5  }
0x14e: {  	v50, _, _ =	vpop (xrf0)  }
0x14f: {  	v50 =	vadd.s32 $0xFFFFFFFF, v50;
	_ =	sdelay $0x2  }
0x150: {  	v51 =	vsel vm0, v48, v51  }
0x151: {  	s17 =	simm.s32 $0x10480;
	[tilespmem:$0x10300] =	vst v51  }
0x152: {  	[tilespmem:v50+s17+$0x0] =	vst.idx.msk vm1, v0  }
0x153: {  	v50 =	vld [tilespmem:$0x10310];
	_ =	sdelay $0x4  }
0x154: {  	vm11 =	veq.s32 v50, v49;
	vm2 =	veq.s32 v50, v48  }
0x155: {  	vm2 =	vmor vm11, vm2  }
0x156: {  	v60 =	vsel vm2, $0x1, v2  }
0x157: {  	(xrf0) =	vadd.scan.msk.s32 $0xffff, v60;
	_ =	sdelay $0x1  }
0x158: {  	v61 =	vmpcnt.ones.xlane vm1;
	_ =	sdelay $0x1  }
0x159: {  	v52 =	vadd.s32 $0xFFFFFFFF, v61  }
0x15a: {  	v52 =	vbroadcast v52, $0x0;
	v53 =	vmpcnt.ones.xlane vm2  }
0x15b: {  	(v2sf) =	vpush v61, $0x0;
	v62, _, _ =	vpop (xrf0)  }
0x15c: {  	(v2sf) =	vpush v53, $0x0;
	v51 =	vadd.s32 v62, v52;
	_ =	sdelay $0x2  }
0x15d: {  	v50 =	vsel vm11, v48, v50  }
0x15e: {  	[tilespmem:$0x10310] =	vst v50  }
0x15f: {  	[tilespmem:v51+s17+$0x0] =	vst.idx.msk vm2, v3  }
0x160: {  	v63 =	vld [tilespmem:$0x10320];
	_ =	sdelay $0x4  }
0x161: {  	vm12 =	veq.s32 v63, v49;
	vm13 =	veq.s32 v63, v48  }
0x162: {  	vm1 =	vmor vm12, vm13  }
0x163: {  	v54 =	vsel vm1, $0x1, v2  }
0x164: {  	s18 =	spop (v2sf);
	(xrf0) =	vadd.scan.msk.s32 $0xffff, v54  }
0x165: {  	s19 =	spop (v2sf)  }
0x166: {  	s18 =	sadd.s32 s18, s19  }
0x167: {  	v55 =	vmov s18  }
0x168: {  	v51 =	vadd.s32 $0xFFFFFFFF, v55  }
0x169: {  	v51 =	vbroadcast v51, $0x0;
	v56 =	vmpcnt.ones.xlane vm1  }
0x16a: {  	v57, _, _ =	vpop (xrf0)  }
0x16b: {  	(v2sf) =	vpush v56, $0x0;
	v51 =	vadd.s32 v57, v51;
	_ =	sdelay $0x2  }
0x16c: {  	v50 =	vsel vm12, v48, v63  }
0x16d: {  	[tilespmem:$0x10320] =	vst v50  }
0x16e: {  	[tilespmem:v51+s17+$0x0] =	vst.idx.msk vm1, v4  }
0x16f: {  	v58 =	vld [tilespmem:$0x10330];
	_ =	sdelay $0x4  }
0x170: {  	vm14 =	veq.s32 v58, v49;
	vm15 =	veq.s32 v58, v48  }
0x171: {  	vm1 =	vmor vm14, vm15  }
0x172: {  	v59 =	vsel vm1, $0x1, v2  }
0x173: {  	(xrf0) =	vadd.scan.msk.s32 $0xffff, v59  }
0x174: {  	s29 =	spop (v2sf)  }
0x175: {  	s18 =	sadd.s32 s18, s29  }
0x176: {  	v60 =	vmov s18  }
0x177: {  	v51 =	vadd.s32 $0xFFFFFFFF, v60  }
0x178: {  	v51 =	vbroadcast v51, $0x0;
	v61 =	vmpcnt.ones.xlane vm1  }
0x179: {  	v62, _, _ =	vpop (xrf0)  }
0x17a: {  	(v2sf) =	vpush v61, $0x0;
	v51 =	vadd.s32 v62, v51;
	_ =	sdelay $0x2  }
0x17b: {  	v50 =	vsel vm14, v48, v58  }
0x17c: {  	[tilespmem:$0x10330] =	vst v50  }
0x17d: {  	[tilespmem:v51+s17+$0x0] =	vst.idx.msk vm1, v6  }
0x17e: {  	v63 =	vld [tilespmem:$0x10340];
	_ =	sdelay $0x4  }
0x17f: {  	vm4 =	veq.s32 v63, v49;
	vm5 =	veq.s32 v63, v48  }
0x180: {  	vm1 =	vmor vm4, vm5  }
0x181: {  	v54 =	vsel vm1, $0x1, v2  }
0x182: {  	(xrf0) =	vadd.scan.msk.s32 $0xffff, v54  }
0x183: {  	s30 =	spop (v2sf)  }
0x184: {  	s18 =	sadd.s32 s18, s30  }
0x185: {  	v55 =	vmov s18  }
0x186: {  	v51 =	vadd.s32 $0xFFFFFFFF, v55  }
0x187: {  	v51 =	vbroadcast v51, $0x0;
	v56 =	vmpcnt.ones.xlane vm1  }
0x188: {  	v57, _, _ =	vpop (xrf0)  }
0x189: {  	(v2sf) =	vpush v56, $0x0;
	v51 =	vadd.s32 v57, v51;
	_ =	sdelay $0x2  }
0x18a: {  	v50 =	vsel vm4, v48, v63  }
0x18b: {  	[tilespmem:$0x10340] =	vst v50  }
0x18c: {  	[tilespmem:v51+s17+$0x0] =	vst.idx.msk vm1, v8  }
0x18d: {  	v58 =	vld [tilespmem:$0x10350];
	_ =	sdelay $0x4  }
0x18e: {  	vm6 =	veq.s32 v58, v49;
	vm7 =	veq.s32 v58, v48  }
0x18f: {  	vm1 =	vmor vm6, vm7  }
0x190: {  	v59 =	vsel vm1, $0x1, v2  }
0x191: {  	(xrf0) =	vadd.scan.msk.s32 $0xffff, v59  }
0x192: {  	s31 =	spop (v2sf)  }
0x193: {  	s18 =	sadd.s32 s18, s31  }
0x194: {  	v60 =	vmov s18  }
0x195: {  	v51 =	vadd.s32 $0xFFFFFFFF, v60  }
0x196: {  	v51 =	vbroadcast v51, $0x0;
	v61 =	vmpcnt.ones.xlane vm1  }
0x197: {  	v62, _, _ =	vpop (xrf0)  }
0x198: {  	(v2sf) =	vpush v61, $0x0;
	v51 =	vadd.s32 v62, v51;
	_ =	sdelay $0x2  }
0x199: {  	v50 =	vsel vm6, v48, v58  }
0x19a: {  	[tilespmem:$0x10350] =	vst v50  }
0x19b: {  	[tilespmem:v51+s17+$0x0] =	vst.idx.msk vm1, v10  }
0x19c: {  	v63 =	vld [tilespmem:$0x10360];
	_ =	sdelay $0x4  }
0x19d: {  	vm8 =	veq.s32 v63, v49;
	vm9 =	veq.s32 v63, v48  }
0x19e: {  	vm1 =	vmor vm8, vm9  }
0x19f: {  	v54 =	vsel vm1, $0x1, v2  }
0x1a0: {  	(xrf0) =	vadd.scan.msk.s32 $0xffff, v54  }
0x1a1: {  	s20 =	spop (v2sf)  }
0x1a2: {  	s18 =	sadd.s32 s18, s20  }
0x1a3: {  	v55 =	vmov s18  }
0x1a4: {  	v51 =	vadd.s32 $0xFFFFFFFF, v55  }
0x1a5: {  	v51 =	vbroadcast v51, $0x0;
	v56 =	vmpcnt.ones.xlane vm1  }
0x1a6: {  	v57, _, _ =	vpop (xrf0)  }
0x1a7: {  	(v2sf) =	vpush v56, $0x0;
	v51 =	vadd.s32 v57, v51;
	_ =	sdelay $0x2  }
0x1a8: {  	v50 =	vsel vm8, v48, v63  }
0x1a9: {  	[tilespmem:$0x10360] =	vst v50  }
0x1aa: {  	[tilespmem:v51+s17+$0x0] =	vst.idx.msk vm1, v12  }
0x1ab: {  	v58 =	vld [tilespmem:$0x10370];
	_ =	sdelay $0x4  }
0x1ac: {  	vm10 =	veq.s32 v58, v49;
	vm11 =	veq.s32 v58, v48  }
0x1ad: {  	vm1 =	vmor vm10, vm11  }
0x1ae: {  	v59 =	vsel vm1, $0x1, v2  }
0x1af: {  	(xrf0) =	vadd.scan.msk.s32 $0xffff, v59  }
0x1b0: {  	s21 =	spop (v2sf)  }
0x1b1: {  	s18 =	sadd.s32 s18, s21  }
0x1b2: {  	v60 =	vmov s18  }
0x1b3: {  	v51 =	vadd.s32 $0xFFFFFFFF, v60  }
0x1b4: {  	v51 =	vbroadcast v51, $0x0;
	v61 =	vmpcnt.ones.xlane vm1  }
0x1b5: {  	v62, _, _ =	vpop (xrf0)  }
0x1b6: {  	(v2sf) =	vpush v61, $0x0;
	v51 =	vadd.s32 v62, v51;
	_ =	sdelay $0x2  }
0x1b7: {  	v50 =	vsel vm10, v48, v58  }
0x1b8: {  	[tilespmem:$0x10370] =	vst v50  }
0x1b9: {  	[tilespmem:v51+s17+$0x0] =	vst.idx.msk vm1, v14  }
0x1ba: {  	v63 =	vld [tilespmem:$0x10380];
	_ =	sdelay $0x4  }
0x1bb: {  	vm12 =	veq.s32 v63, v49;
	vm13 =	veq.s32 v63, v48  }
0x1bc: {  	vm1 =	vmor vm12, vm13  }
0x1bd: {  	v54 =	vsel vm1, $0x1, v2  }
0x1be: {  	(xrf0) =	vadd.scan.msk.s32 $0xffff, v54  }
0x1bf: {  	s22 =	spop (v2sf)  }
0x1c0: {  	s18 =	sadd.s32 s18, s22  }
0x1c1: {  	v55 =	vmov s18  }
0x1c2: {  	v51 =	vadd.s32 $0xFFFFFFFF, v55  }
0x1c3: {  	v51 =	vbroadcast v51, $0x0;
	v56 =	vmpcnt.ones.xlane vm1  }
0x1c4: {  	v57, _, _ =	vpop (xrf0)  }
0x1c5: {  	(v2sf) =	vpush v56, $0x0;
	v51 =	vadd.s32 v57, v51;
	_ =	sdelay $0x2  }
0x1c6: {  	v50 =	vsel vm12, v48, v63  }
0x1c7: {  	[tilespmem:$0x10380] =	vst v50  }
0x1c8: {  	[tilespmem:v51+s17+$0x0] =	vst.idx.msk vm1, v16  }
0x1c9: {  	v58 =	vld [tilespmem:$0x10390];
	_ =	sdelay $0x4  }
0x1ca: {  	vm14 =	veq.s32 v58, v49;
	vm15 =	veq.s32 v58, v48  }
0x1cb: {  	vm1 =	vmor vm14, vm15  }
0x1cc: {  	v59 =	vsel vm1, $0x1, v2  }
0x1cd: {  	(xrf0) =	vadd.scan.msk.s32 $0xffff, v59  }
0x1ce: {  	s23 =	spop (v2sf)  }
0x1cf: {  	s18 =	sadd.s32 s18, s23  }
0x1d0: {  	v60 =	vmov s18  }
0x1d1: {  	v51 =	vadd.s32 $0xFFFFFFFF, v60  }
0x1d2: {  	v51 =	vbroadcast v51, $0x0;
	v61 =	vmpcnt.ones.xlane vm1  }
0x1d3: {  	v62, _, _ =	vpop (xrf0)  }
0x1d4: {  	(v2sf) =	vpush v61, $0x0;
	v51 =	vadd.s32 v62, v51;
	_ =	sdelay $0x2  }
0x1d5: {  	v50 =	vsel vm14, v48, v58  }
0x1d6: {  	[tilespmem:$0x10390] =	vst v50  }
0x1d7: {  	[tilespmem:v51+s17+$0x0] =	vst.idx.msk vm1, v18  }
0x1d8: {  	v63 =	vld [tilespmem:$0x103A0];
	_ =	sdelay $0x4  }
0x1d9: {  	vm4 =	veq.s32 v63, v49;
	vm5 =	veq.s32 v63, v48  }
0x1da: {  	vm1 =	vmor vm4, vm5  }
0x1db: {  	v54 =	vsel vm1, $0x1, v2  }
0x1dc: {  	(xrf0) =	vadd.scan.msk.s32 $0xffff, v54  }
0x1dd: {  	s24 =	spop (v2sf)  }
0x1de: {  	s18 =	sadd.s32 s18, s24  }
0x1df: {  	v55 =	vmov s18  }
0x1e0: {  	v51 =	vadd.s32 $0xFFFFFFFF, v55  }
0x1e1: {  	v51 =	vbroadcast v51, $0x0;
	v56 =	vmpcnt.ones.xlane vm1  }
0x1e2: {  	v57, _, _ =	vpop (xrf0)  }
0x1e3: {  	(v2sf) =	vpush v56, $0x0;
	v51 =	vadd.s32 v57, v51;
	_ =	sdelay $0x2  }
0x1e4: {  	v50 =	vsel vm4, v48, v63  }
0x1e5: {  	[tilespmem:$0x103A0] =	vst v50  }
0x1e6: {  	[tilespmem:v51+s17+$0x0] =	vst.idx.msk vm1, v20  }
0x1e7: {  	v58 =	vld [tilespmem:$0x103B0];
	_ =	sdelay $0x4  }
0x1e8: {  	vm6 =	veq.s32 v58, v49;
	vm7 =	veq.s32 v58, v48  }
0x1e9: {  	vm1 =	vmor vm6, vm7  }
0x1ea: {  	v59 =	vsel vm1, $0x1, v2  }
0x1eb: {  	(xrf0) =	vadd.scan.msk.s32 $0xffff, v59  }
0x1ec: {  	s25 =	spop (v2sf)  }
0x1ed: {  	s18 =	sadd.s32 s18, s25  }
0x1ee: {  	v60 =	vmov s18  }
0x1ef: {  	v51 =	vadd.s32 $0xFFFFFFFF, v60  }
0x1f0: {  	v51 =	vbroadcast v51, $0x0;
	v61 =	vmpcnt.ones.xlane vm1  }
0x1f1: {  	v62, _, _ =	vpop (xrf0)  }
0x1f2: {  	(v2sf) =	vpush v61, $0x0;
	v51 =	vadd.s32 v62, v51;
	_ =	sdelay $0x2  }
0x1f3: {  	v50 =	vsel vm6, v48, v58  }
0x1f4: {  	[tilespmem:$0x103B0] =	vst v50  }
0x1f5: {  	[tilespmem:v51+s17+$0x0] =	vst.idx.msk vm1, v22  }
0x1f6: {  	v63 =	vld [tilespmem:$0x103C0];
	_ =	sdelay $0x4  }
0x1f7: {  	vm8 =	veq.s32 v63, v49;
	vm9 =	veq.s32 v63, v48  }
0x1f8: {  	vm1 =	vmor vm8, vm9  }
0x1f9: {  	v54 =	vsel vm1, $0x1, v2  }
0x1fa: {  	(xrf0) =	vadd.scan.msk.s32 $0xffff, v54  }
0x1fb: {  	s26 =	spop (v2sf)  }
0x1fc: {  	s18 =	sadd.s32 s18, s26  }
0x1fd: {  	v55 =	vmov s18  }
0x1fe: {  	v51 =	vadd.s32 $0xFFFFFFFF, v55  }
0x1ff: {  	v51 =	vbroadcast v51, $0x0;
	v56 =	vmpcnt.ones.xlane vm1  }
0x200: {  	v57, _, _ =	vpop (xrf0)  }
0x201: {  	(v2sf) =	vpush v56, $0x0;
	v51 =	vadd.s32 v57, v51;
	_ =	sdelay $0x2  }
0x202: {  	v50 =	vsel vm8, v48, v63  }
0x203: {  	[tilespmem:$0x103C0] =	vst v50  }
0x204: {  	[tilespmem:v51+s17+$0x0] =	vst.idx.msk vm1, v24  }
0x205: {  	v58 =	vld [tilespmem:$0x103D0];
	_ =	sdelay $0x4  }
0x206: {  	vm10 =	veq.s32 v58, v49;
	vm11 =	veq.s32 v58, v48  }
0x207: {  	vm1 =	vmor vm10, vm11  }
0x208: {  	v59 =	vsel vm1, $0x1, v2  }
0x209: {  	(xrf0) =	vadd.scan.msk.s32 $0xffff, v59  }
0x20a: {  	s28 =	spop (v2sf)  }
0x20b: {  	s18 =	sadd.s32 s18, s28  }
0x20c: {  	v60 =	vmov s18  }
0x20d: {  	v51 =	vadd.s32 $0xFFFFFFFF, v60  }
0x20e: {  	v51 =	vbroadcast v51, $0x0;
	v61 =	vmpcnt.ones.xlane vm1  }
0x20f: {  	v62, _, _ =	vpop (xrf0)  }
0x210: {  	(v2sf) =	vpush v61, $0x0;
	v51 =	vadd.s32 v62, v51;
	_ =	sdelay $0x2  }
0x211: {  	v50 =	vsel vm10, v48, v58  }
0x212: {  	[tilespmem:$0x103D0] =	vst v50  }
0x213: {  	[tilespmem:v51+s17+$0x0] =	vst.idx.msk vm1, v26  }
0x214: {  	v63 =	vld [tilespmem:$0x103E0];
	_ =	sdelay $0x4  }
0x215: {  	vm12 =	veq.s32 v63, v49;
	vm13 =	veq.s32 v63, v48  }
0x216: {  	vm1 =	vmor vm12, vm13  }
0x217: {  	v55 =	vsel vm1, $0x1, v2  }
0x218: {  	(xrf0) =	vadd.scan.msk.s32 $0xffff, v55  }
0x219: {  	s29 =	spop (v2sf)  }
0x21a: {  	s18 =	sadd.s32 s18, s29  }
0x21b: {  	v56 =	vmov s18  }
0x21c: {  	v51 =	vadd.s32 $0xFFFFFFFF, v56  }
0x21d: {  	v51 =	vbroadcast v51, $0x0  }
0x21e: {  	v57, _, _ =	vpop (xrf0)  }
0x21f: {  	v51 =	vadd.s32 v57, v51;
	_ =	sdelay $0x2  }
0x220: {  	v50 =	vsel vm12, v48, v63  }
0x221: {  	[tilespmem:$0x103E0] =	vst v50  }
0x222: {  	[tilespmem:v51+s17+$0x0] =	vst.idx.msk vm1, v28  }
0x223: {  	v51 =	vld [tilespmem:$0x103F0];
	_ =	sdelay $0x2  }
0x224: {  	v58 =	vmpcnt.ones.xlane vm1;
	_ =	sdelay $0x1  }
0x225: {  	(v2sf) =	vpush v58, $0x0;
	vm14 =	veq.s32 v51, v49;
	vm15 =	veq.s32 v51, v48  }
0x226: {  	vm1 =	vmor vm14, vm15  }
0x227: {  	v59 =	vmpcnt.ones.xlane vm1;
	_ =	sdelay $0x1  }
0x228: {  	(v2sf) =	vpush v59, $0x0;
	_ =	sdelay $0x8  }
0x229: {  	v60 =	vsel vm1, $0x1, v2  }
0x22a: {  	(xrf0) =	vadd.scan.msk.s32 $0xffff, v60  }
0x22b: {  	s30 =	spop (v2sf)  }
0x22c: {  	s18 =	sadd.s32 s18, s30  }
0x22d: {  	v61 =	vmov s18  }
0x22e: {  	v49 =	vadd.s32 $0xFFFFFFFF, v61  }
0x22f: {  	v49 =	vbroadcast v49, $0x0;
	s31 =	spop (v2sf)  }
0x230: {  	v62, _, _ =	vpop (xrf0);
	s18 =	sadd.s32 s18, s31  }
0x231: {  	v49 =	vadd.s32 v62, v49;
	p0 =	slt.s32 s18, $0x1  }
.Ltmp8:
0x232: {  	_ = 	snop;
	(pc) =	sbr.rel @!p0 .LBB2_7-.Ltmp8, $4  }
.Ltmp9:
0x233: {  	_ = 	snop;
	(pc) =	sbr.rel @p0 .LBB2_10-.Ltmp9, $4  }
0x234: {  	v63 =	vsel vm14, v48, v51  }
0x235: {  	[tilespmem:$0x103F0] =	vst v63  }
0x236: {  	s19 =	simm.s32 $0x0;
	[tilespmem:v49+s17+$0x0] =	vst.idx.msk vm1, v30  }
0x237: {  	_ = 	snop  }
.LBB2_9:
0x238: {  	s19 =	sadd.s32 $0x1, s19  }
0x239: {  	p0 =	slt.s32 s19, s18  }
.Ltmp10:
0x23a: {  	_ = 	snop;
	(pc) =	sbr.rel @!p0 .LBB2_10-.Ltmp10, $2  }
0x23b: {  	_ =	sdelay $0x2  }
0x23c: {  	s17 =	sadd.s32 $0x1, s17  }
.LBB2_7:
0x23d: {  	v49 =	vld [tilespmem:s17+$0x0];
	_ =	sdelay $0x4  }
0x23e: {  	(v2sf) =	vpush v49, $0x0;
	_ =	sdelay $0xe  }
0x23f: {  	s20 =	spop (v2sf)  }
0x240: {  	v50 =	vld [tilespmem:s20+$0x10180];
	_ =	sdelay $0x4  }
0x241: {  	(v2sf) =	vpush v50, $0x0;
	_ =	sdelay $0xe  }
0x242: {  	s21 =	spop (v2sf)  }
0x243: {  	v63 =	vld [tilespmem:s21+$0x10300];
	_ =	sdelay $0x4  }
0x244: {  	(v2sf) =	vpush v63, $0x0;
	_ =	sdelay $0xe  }
0x245: {  	s31 =	spop (v2sf)  }
0x246: {  	p0 =	sne.s32 s31, s16  }
.Ltmp11:
0x247: {  	_ = 	snop;
	(pc) =	sbr.rel @p0 .LBB2_9-.Ltmp11, $1  }
0x248: {  	_ =	sdelay $0x3  }
0x249: {  	s21 =	sshll.u32 s20, $0x8;
	s22 =	sshll.u32 s20, $0x7  }
0x24a: {  	s21 =	sand.u32 $0xFFFFF800, s21;
	s22 =	sand.u32 $0x380, s22  }
0x24b: {  	v50 =	vld [tilespmem:$0x10300];
	s21 =	sor.u32 s22, s21  }
0x24c: {  	v51 =	vld [tilespmem:s21+$0x0]  }
0x24d: {  	v52 =	vld [tilespmem:$0x10310]  }
0x24e: {  	v53 =	vld [tilespmem:s21+$0x10]  }
0x24f: {  	v54 =	vld [tilespmem:$0x10320]  }
0x250: {  	v62 =	vld [tilespmem:s21+$0x20];
	vm0 =	veq.s32 v50, v48  }
0x251: {  	v55 =	vld [tilespmem:$0x10330];
	v51 =	vsel vm0, $0xFF61B1E6, v51  }
0x252: {  	v63 =	vld [tilespmem:s21+$0x30];
	vm1 =	veq.s32 v52, v48;
	vm0 =	vgt.f32 v51, $-3.000000010e+38  }
0x253: {  	v56 =	vld [tilespmem:$0x10340];
	v53 =	vsel vm1, $0xFF61B1E6, v53;
	v51 =	vnsel vm0, $0xFF61B1E6, v51  }
0x254: {  	vm11 =	veq.s32 v54, v48;
	v54 =	vld [tilespmem:s21+$0x40];
	vm0 =	vgt.f32 v53, v51  }
0x255: {  	v50 =	vsel vm11, $0xFF61B1E6, v62;
	v51 =	vsel vm0, v53, v51;
	v53 =	vld [tilespmem:$0x10350]  }
0x256: {  	v60 =	vld [tilespmem:s21+$0x50];
	vm2 =	veq.s32 v55, v48;
	vm1 =	vgt.f32 v50, v51  }
0x257: {  	v61 =	vsel vm2, $0xFF61B1E6, v63;
	v62 =	vld [tilespmem:$0x10360];
	v50 =	vsel vm1, v50, v51  }
0x258: {  	vm3 =	veq.s32 v56, v48;
	v63 =	vld [tilespmem:s21+$0x60];
	vm2 =	vgt.f32 v61, v50  }
0x259: {  	v58 =	vsel vm3, $0xFF61B1E6, v54;
	v54 =	vld [tilespmem:$0x10370];
	v50 =	vsel vm2, v61, v50  }
0x25a: {  	vm3 =	vgt.f32 v58, v50;
	vm4 =	veq.s32 v53, v48;
	v53 =	vld [tilespmem:s21+$0x70]  }
0x25b: {  	v50 =	vsel vm3, v58, v50;
	v59 =	vsel vm4, $0xFF61B1E6, v60;
	v60 =	vld [tilespmem:$0x10380]  }
0x25c: {  	vm5 =	veq.s32 v62, v48;
	v61 =	vld [tilespmem:s21+$0x400];
	vm4 =	vgt.f32 v59, v50  }
0x25d: {  	v62 =	vsel vm5, $0xFF61B1E6, v63;
	v63 =	vld [tilespmem:$0x10390];
	v50 =	vsel vm4, v59, v50  }
0x25e: {  	vm6 =	veq.s32 v54, v48;
	v54 =	vld [tilespmem:s21+$0x410];
	vm5 =	vgt.f32 v62, v50  }
0x25f: {  	v50 =	vsel vm5, v62, v50;
	v59 =	vsel vm6, $0xFF61B1E6, v53;
	v53 =	vld [tilespmem:$0x103A0]  }
0x260: {  	vm6 =	vgt.f32 v59, v50;
	vm7 =	veq.s32 v60, v48;
	v60 =	vld [tilespmem:s21+$0x420]  }
0x261: {  	v62 =	vld [tilespmem:$0x103B0];
	v50 =	vsel vm6, v59, v50;
	v61 =	vsel vm7, $0xFF61B1E6, v61  }
0x262: {  	vm8 =	veq.s32 v63, v48;
	v63 =	vld [tilespmem:s21+$0x430];
	vm7 =	vgt.f32 v61, v50  }
0x263: {  	v59 =	vsel vm8, $0xFF61B1E6, v54;
	v54 =	vld [tilespmem:$0x103C0];
	v50 =	vsel vm7, v61, v50  }
0x264: {  	vm8 =	vgt.f32 v59, v50;
	vm9 =	veq.s32 v53, v48;
	v53 =	vld [tilespmem:s21+$0x440]  }
0x265: {  	v61 =	vld [tilespmem:$0x103D0];
	v50 =	vsel vm8, v59, v50;
	v60 =	vsel vm9, $0xFF61B1E6, v60  }
0x266: {  	v52 =	vld [tilespmem:s21+$0x450];
	vm10 =	veq.s32 v62, v48;
	vm9 =	vgt.f32 v60, v50  }
0x267: {  	v62 =	vsel vm10, $0xFF61B1E6, v63;
	v63 =	vld [tilespmem:$0x103E0];
	v50 =	vsel vm9, v60, v50  }
0x268: {  	v58 =	vld [tilespmem:s21+$0x460];
	vm11 =	veq.s32 v54, v48;
	vm10 =	vgt.f32 v62, v50  }
0x269: {  	v60 =	vld [tilespmem:$0x103F0];
	v50 =	vsel vm10, v62, v50;
	v59 =	vsel vm11, $0xFF61B1E6, v53  }
0x26a: {  	vm12 =	veq.s32 v61, v48;
	v61 =	vld [tilespmem:s21+$0x470];
	vm11 =	vgt.f32 v59, v50  }
0x26b: {  	v62 =	vsel vm12, $0xFF61B1E6, v52;
	v50 =	vsel vm11, v59, v50  }
0x26c: {  	vm12 =	veq.s32 v63, v48;
	vm13 =	vgt.f32 v62, v50  }
0x26d: {  	v56 =	vsel vm0, v33, v32;
	v63 =	vsel vm12, $0xFF61B1E6, v58;
	v50 =	vsel vm13, v62, v50  }
0x26e: {  	v52 =	vsel vm1, v34, v56;
	vm12 =	veq.s32 v60, v48;
	vm14 =	vgt.f32 v63, v50  }
0x26f: {  	v52 =	vsel vm2, v35, v52;
	v57 =	vsel vm12, $0xFF61B1E6, v61;
	v50 =	vsel vm14, v63, v50  }
0x270: {  	v52 =	vsel vm3, v36, v52;
	vm0 =	vgt.f32 v57, v50  }
0x271: {  	v58 =	vsel vm4, v37, v52;
	v50 =	vsel vm0, v57, v50  }
0x272: {  	v51 =	vsel vm5, v38, v58;
	(xrf0) =	vmax.scan.msk.f32 $0xffff, v50  }
0x273: {  	v51 =	vsel vm6, v39, v51  }
0x274: {  	v51 =	vsel vm7, v40, v51  }
0x275: {  	v51 =	vsel vm8, v41, v51  }
0x276: {  	v51 =	vsel vm9, v42, v51  }
0x277: {  	v51 =	vsel vm10, v43, v51  }
0x278: {  	v51 =	vsel vm11, v44, v51;
	v59, _, _ =	vpop (xrf0)  }
0x279: {  	v51 =	vsel vm13, v45, v51;
	v52 =	vbroadcast v59, $0xF  }
0x27a: {  	v51 =	vsel vm14, v46, v51  }
0x27b: {  	v60 =	vsel vm0, v47, v51;
	vm15 =	veq.f32 v50, v52  }
0x27c: {  	v50 =	vnsel vm15, $0x80000200, v60  }
0x27d: {  	(xrf0) =	vmin.scan.msk.u32 $0xffff, v50;
	_ =	sdelay $0x5  }
0x27e: {  	v50, _, _ =	vpop (xrf0)  }
0x27f: {  	(v2sf) =	vpush v50, $0xF;
	_ =	sdelay $0xa  }
0x280: {  	v49 =	vbroadcast v49, $0x0;
	_ =	sdelay $0x3  }
0x281: {  	s29 =	spop (v2sf)  }
0x282: {  	s21 =	sxor.u32 $0x80000000, s29  }
0x283: {  	[tilespmem:v49+s5+$0x0] =	vst.idx.msk $0x1, v52;
	v61 =	vmov s21  }
0x284: {  	s30 =	sand.u32 $0xFFFFFFF0, s20;
	[tilespmem:v49+s6+$0x0] =	vst.idx.msk $0x1, v61  }
0x285: {  	v49 =	vld [tilespmem:s30+$0x10000];
	_ =	sdelay $0x4  }
0x286: {  	(xrf0) =	vmax.scan.msk.f32 $0xffff, v49  }
0x287: {  	s31 =	sshrl.u32 s20, $0x4  }
0x288: {  	v62 =	vmov s31  }
0x289: {  	v49 =	vbroadcast v62, $0x0;
	_ =	sdelay $0x1  }
.Ltmp12:
0x28a: {  	_ = 	snop;
	(pc) =	sbr.rel .LBB2_9-.Ltmp12, $3  }
0x28b: {  	v63, _, _ =	vpop (xrf0)  }
0x28c: {  	v50 =	vbroadcast v63, $0xF;
	_ =	sdelay $0x1  }
0x28d: {  	[tilespmem:v49+s7+$0x0] =	vst.idx.msk $0x1, v50  }
.LBB2_12:
0x28e: {  	_ =	sfence.sel $0x180000  }
0x28f: {  	[bflag:$0x0] =	sbarrier.arrive $0xFFFF  }
0x290: {  	p0 =	sne.s32 s1, $0x0;
	_ =	strace $0x90000047  }
0x291: {  	s0 =	sadd.s32 @!p0 $0x100000, s0;
	[bflag:$0x2] =	sbarrier.arrive $0xFFFF  }
0x292: {  	[sflag:s0] =	ssyncadd.tile.s32 @!p0 $0x1;
	_ =	shalt  }
.Lfunc_end2:
_tile_overlayer_lowered:
.L_overlay_start_2:
0x293: {  	(tag) =	ssettag $0x2  }
0x294: {  	s0 =	rddreg [dreg:$0x0];
	s2 =	stileid.u32  }
0x295: {  	s1 =	rddreg [dreg:$0x1];
	p0 =	sne.s32 s2, $0x0  }
0x296: {  	s3 =	rddreg [dreg:$0x2];
	[bflag:$0x3] =	sbarrier.arrive $0xFFFF;
	s2 =	simm.s32 @!p0 $0x1C01  }
0x297: {  	[timem:s3], [sflag:s2] =	dma.local @!p0 [hbm:s0], s1  }
0x298: {  	s0 =	simm.s32 @!p0 $0x1  }
0x299: {  	_ =	swait.ge @!p0 [sflag:s0], s1  }
0x29a: {  	s1 =	ssub.s32 @!p0 $0x0, s1;
	[sflag:s0] =	ssyncset.done @!p0 $0x0  }
0x29b: {  	[sflag:s0] =	ssyncadd.s32 @!p0 s1  }
0x29c: {  	[bflag:$0x3] =	sbarrier.arrive $0xFFFF  }
0x29d: {  	_ =	shalt  }

</sc_bundles>
